<compile_context>
chip_gen: v7x
topology: tpu7x:2x2x1
jax: 0.10.2.dev20260603
libtpu: 0.0.44.dev20260713+nightly
codegen_flags: <defaults>
</compile_context>

<pallas_src>
import functools

import jax
import jax.numpy as jnp
from jax import lax
from jax.experimental import pallas as pl
from jax.experimental.pallas import tpu as pltpu
from jax.experimental.pallas import tpu_sc as plsc

HIDDEN = 1024
FFN = 512
E = 64
T = 128
EPB = 2
_NEG_INF = float("-inf")

_NC = 1
_NS = 16
_LANES = 16
_NW_ACT = T // _LANES


def _logits_body(x_ref, gate_ref, out_ref):
    out_ref[...] = jax.lax.dot_general(
        gate_ref[...], x_ref[...], (((1,), (1,)), ((), ())),
        preferred_element_type=jnp.float32)


def _router_body(lg_hbm, ct_hbm, lbuf, cbuf):
    wid = lax.axis_index("s") * _NC + lax.axis_index("c")

    @pl.when(wid < _NW_ACT)
    def _():
        base = wid * _LANES
        pltpu.sync_copy(lg_hbm, lbuf)
        neg_inf = jnp.full((_LANES,), _NEG_INF, jnp.float32)
        zero_i = jnp.zeros((_LANES,), jnp.int32)
        m1, m2 = neg_inf, neg_inf
        e1, e2 = zero_i, zero_i
        for e in range(E):
            v = lbuf[pl.ds(e * T + base, _LANES)]
            ev = jnp.full((_LANES,), e, jnp.int32)
            e2 = jnp.where(v > m1, e1, jnp.where(v > m2, ev, e2))
            e1 = jnp.where(v > m1, ev, e1)
            m2 = jnp.maximum(m2, jnp.minimum(m1, v))
            m1 = jnp.maximum(m1, v)
        w1v = 1.0 / (1.0 + jnp.exp(m2 - m1))
        w2v = 1.0 - w1v
        zf = jnp.zeros((_LANES,), jnp.float32)
        for e in range(E):
            cbuf[e, :] = jnp.where(e1 == e, w1v, jnp.where(e2 == e, w2v, zf))
        pltpu.sync_copy(cbuf, ct_hbm.at[wid])


@functools.partial(
    pl.kernel,
    mesh=plsc.VectorSubcoreMesh(core_axis_name="c", subcore_axis_name="s", num_cores=1),
    out_type=jax.ShapeDtypeStruct((_NW_ACT, E, _LANES), jnp.float32),
    scratch_types=[
        pltpu.VMEM((E * T,), jnp.float32),
        pltpu.VMEM((E, _LANES), jnp.float32),
    ],
)
def _sc_router(lg_hbm, ct_hbm, lbuf, cbuf):
    _router_body(lg_hbm, ct_hbm, lbuf, cbuf)


def _moe_body(x_ref, c_ref, w1_ref, w2_ref, w3_ref, out_ref):
    i = pl.program_id(0)

    @pl.when(i == 0)
    def _init():
        out_ref[...] = jnp.zeros_like(out_ref)

    xb = x_ref[...]
    h1 = jax.lax.dot_general(
        xb, w1_ref[...], (((1,), (1,)), ((), ())),
        precision=jax.lax.Precision.DEFAULT,
        preferred_element_type=jnp.float32)
    h3 = jax.lax.dot_general(
        xb, w3_ref[...], (((1,), (1,)), ((), ())),
        precision=jax.lax.Precision.DEFAULT,
        preferred_element_type=jnp.float32)
    h = (h1 * jax.lax.logistic(h1)) * h3

    iota_e = jax.lax.broadcasted_iota(jnp.int32, (T, E), 1)
    c = c_ref[...]
    parts = []
    for k in range(EPB):
        ck = jnp.sum(jnp.where(iota_e == i * EPB + k, c, 0.0), axis=1,
                     keepdims=True)
        parts.append(h[:, k * FFN:(k + 1) * FFN] * ck)
    hs = jnp.concatenate(parts, axis=1)
    out_ref[...] += jax.lax.dot_general(
        hs, w2_ref[...], (((1,), (0,)), ((), ())),
        precision=jax.lax.Precision.DEFAULT,
        preferred_element_type=jnp.float32)


@jax.jit
def kernel(x, gate_w, w1, w2, w3):
    lgT = pl.pallas_call(
        _logits_body,
        in_specs=[
            pl.BlockSpec((T, HIDDEN), lambda: (0, 0)),
            pl.BlockSpec((E, HIDDEN), lambda: (0, 0)),
        ],
        out_specs=pl.BlockSpec((E, T), lambda: (0, 0)),
        out_shape=jax.ShapeDtypeStruct((E, T), jnp.float32),
    )(x, gate_w)
    ct3 = _sc_router(lgT.reshape(-1))
    c = ct3.transpose(0, 2, 1).reshape(T, E)
    out = pl.pallas_call(
        _moe_body,
        grid=(E // EPB,),
        in_specs=[
            pl.BlockSpec((T, HIDDEN), lambda i: (0, 0)),
            pl.BlockSpec((T, E), lambda i: (0, 0)),
            pl.BlockSpec((EPB * FFN, HIDDEN), lambda i: (i, 0)),
            pl.BlockSpec((EPB * FFN, HIDDEN), lambda i: (i, 0)),
            pl.BlockSpec((EPB * FFN, HIDDEN), lambda i: (i, 0)),
        ],
        out_specs=pl.BlockSpec((T, HIDDEN), lambda i: (0, 0)),
        out_shape=jax.ShapeDtypeStruct((T, HIDDEN), jnp.float32),
    )(x, c, w1, w2, w3)
    return out

# --- scband reference (transcript-rebuilt; emitter-appended) ---
"""Pipeline reference for scband-deep-seek-block-sparse-mo-e-49443663512210 (READ-ONLY COPY).

The authoritative reference and input builder live on the scoring server;
editing this copy changes nothing except your own understanding.
"""

import jax, jax.numpy as jnp
import numpy as np

HIDDEN = 1024
FFN = 512
E = 64
TOPK = 2
T = 128


def setup_inputs(seed: int = 0) -> dict:
    key = jax.random.key(seed)
    ks = jax.random.split(key, 5)
    x = jax.random.normal(ks[0], (T, HIDDEN), dtype=jnp.float32)
    gate_w = jax.random.normal(ks[1], (E, HIDDEN), dtype=jnp.float32) * 0.02
    w1 = jax.random.normal(ks[2], (FFN * E, HIDDEN), dtype=jnp.float32) * 0.02
    w2 = jax.random.normal(ks[3], (FFN * E, HIDDEN), dtype=jnp.float32) * 0.02
    w3 = jax.random.normal(ks[4], (FFN * E, HIDDEN), dtype=jnp.float32) * 0.02
    return {"x": x, "gate_w": gate_w, "w1": w1, "w2": w2, "w3": w3}


def reference(x, gate_w, w1, w2, w3):
    # x: (tokens, hidden). Router: linear gate (no bias) -> softmax -> top-k.
    input_shape = x.shape
    x2 = x.reshape(-1, input_shape[-1])
    gate_logits = x2 @ gate_w.T
    all_probs = jax.nn.softmax(gate_logits.astype(jnp.float32), axis=-1)
    weights, selected_experts = jax.lax.top_k(all_probs, TOPK)
    weights = weights / jnp.sum(weights, axis=-1, keepdims=True)
    weights = weights.astype(x2.dtype)
    # Expert weights are stored stacked as (ffn*E, hidden); expert e uses rows
    # [e*ffn:(e+1)*ffn]. The megablocks block-sparse sdd/dsd pipeline computes,
    # for each token t routed to expert e:
    #   h = silu(x @ w1_e^T) * (x @ w3_e^T);  out = h @ w2_e
    # which equals the dense-per-expert compute gathered at the selected experts.
    w1r = w1.reshape(E, FFN, HIDDEN)
    w2r = w2.reshape(E, FFN, HIDDEN)
    w3r = w3.reshape(E, FFN, HIDDEN)
    h1 = jnp.einsum('td,efd->tef', x2, w1r)
    h3 = jnp.einsum('td,efd->tef', x2, w3r)
    h = jax.nn.silu(h1) * h3
    out_all = jnp.einsum('tef,efd->ted', h, w2r)  # (T, E, hidden)
    # padded_gather/padded_scatter round-trip == gather selected experts' outputs
    sel_out = jnp.take_along_axis(out_all, selected_experts[:, :, None], axis=1)  # (T, k, hidden)
    out = jnp.sum(weights[:, :, None] * sel_out, axis=1)
    return out.reshape(input_shape)

if __name__ == "__main__":
    import jax
    _d = setup_inputs()
    print(jax.jit(kernel)(*tuple(_d.values())))

</pallas_src>

<mosaic_0001>
#map = affine_map<(d0, d1) -> (0)>
#map1 = affine_map<(d0, d1) -> (0, 0, 0)>
module attributes {stable_mosaic.version = 14 : i64} {
  func.func @_sc_router(%arg0: i32, %arg1: i32, %arg2: memref<8192xf32, #tpu.memory_space<hbm>>, %arg3: memref<8x64x16xf32, #tpu.memory_space<hbm>>, %arg4: memref<8192xf32, #tpu.memory_space<vmem>>, %arg5: memref<64x16xf32, #tpu.memory_space<vmem>>) attributes {dimension_semantics = [#tpu.dimension_semantics<core_parallel>, #tpu.dimension_semantics<subcore_parallel>], iteration_bounds = array<i64: 1, 16>, scalar_prefetch = 0 : i64, scratch_operands = 2 : i64, tpu.core_type = #tpu.core_type<sc_vector_subcore>, window_params = [{transform_indices = #map}, {transform_indices = #map1}]} {
    %mul3A = arith.constant 1 : i32
    %mul3A_0 = arith.muli %arg1, %mul3A : i32
    %add3A = arith.addi %mul3A_0, %arg0 : i32
    %lt3A = arith.constant 8 : i32
    %lt3A_1 = arith.cmpi slt, %add3A, %lt3A : i32
    %convert_element_type3A = arith.extui %lt3A_1 : i1 to i32
    %cond3A = arith.constant 0 : i32
    %cond3A_2 = arith.cmpi ne, %convert_element_type3A, %cond3A : i32
    scf.if %cond3A_2 {
      %mul3A_3 = arith.constant 16 : i32
      %mul3A_4 = arith.muli %add3A, %mul3A_3 : i32
      "tpu.region"() ({
        %run_scoped3A = tpu.sem_alloc : memref<!tpu.dma_semaphore, #tpu.memory_space<semaphore_mem>>
        tpu.enqueue_dma source(%arg2 : memref<8192xf32, #tpu.memory_space<hbm>>) target(%arg4 : memref<8192xf32, #tpu.memory_space<vmem>>) target_semaphore(%run_scoped3A : memref<!tpu.dma_semaphore, #tpu.memory_space<semaphore_mem>>)
        tpu.wait_dma2 semaphore(%run_scoped3A : memref<!tpu.dma_semaphore, #tpu.memory_space<semaphore_mem>>) src(%arg2 : memref<8192xf32, #tpu.memory_space<hbm>>) dst(%arg4 : memref<8192xf32, #tpu.memory_space<vmem>>)
        tpu.yield
      }) : () -> ()
      %broadcast_in_dim3A = arith.constant 0xFF800000 : f32
      %broadcast_in_dim3A_5 = vector.broadcast %broadcast_in_dim3A : f32 to vector<16xf32>
      %broadcast_in_dim3A_6 = arith.constant 0 : i32
      %broadcast_in_dim3A_7 = vector.broadcast %broadcast_in_dim3A_6 : i32 to vector<16xi32>
      %add3A_8 = arith.constant 0 : i32
      %add3A_9 = arith.addi %add3A_8, %mul3A_4 : i32
      %get3A = arith.index_cast %add3A_9 : i32 to index
      %get3A_10 = tpu.vector_load %arg4[%get3A] {strides = array<i32>} : memref<8192xf32, #tpu.memory_space<vmem>>, vector<16xf32>,
      %get3A_11 = vector.shape_cast %get3A_10 : vector<16xf32> to vector<16xf32>
      %broadcast_in_dim3A_12 = arith.constant 0 : i32
      %broadcast_in_dim3A_13 = vector.broadcast %broadcast_in_dim3A_12 : i32 to vector<16xi32>
      %gt3A = arith.cmpf ogt, %get3A_11, %broadcast_in_dim3A_5 : vector<16xf32>
      %gt3A_14 = arith.cmpf ogt, %get3A_11, %broadcast_in_dim3A_5 : vector<16xf32>
      %select_n3A = arith.select %gt3A_14, %broadcast_in_dim3A_13, %broadcast_in_dim3A_7 : vector<16xi1>, vector<16xi32>
      %select_n3A_15 = arith.select %gt3A, %broadcast_in_dim3A_7, %select_n3A : vector<16xi1>, vector<16xi32>
      %gt3A_16 = arith.cmpf ogt, %get3A_11, %broadcast_in_dim3A_5 : vector<16xf32>
      %select_n3A_17 = arith.select %gt3A_16, %broadcast_in_dim3A_13, %broadcast_in_dim3A_7 : vector<16xi1>, vector<16xi32>
      %min3A = arith.minimumf %broadcast_in_dim3A_5, %get3A_11 : vector<16xf32>
      %max3A = arith.maximumf %broadcast_in_dim3A_5, %min3A : vector<16xf32>
      %max3A_18 = arith.maximumf %broadcast_in_dim3A_5, %get3A_11 : vector<16xf32>
      %add3A_19 = arith.constant 128 : i32
      %add3A_20 = arith.addi %add3A_19, %mul3A_4 : i32
      %get3A_21 = arith.index_cast %add3A_20 : i32 to index
      %get3A_22 = tpu.vector_load %arg4[%get3A_21] {strides = array<i32>} : memref<8192xf32, #tpu.memory_space<vmem>>, vector<16xf32>,
      %get3A_23 = vector.shape_cast %get3A_22 : vector<16xf32> to vector<16xf32>
      %broadcast_in_dim3A_24 = arith.constant 1 : i32
      %broadcast_in_dim3A_25 = vector.broadcast %broadcast_in_dim3A_24 : i32 to vector<16xi32>
      %gt3A_26 = arith.cmpf ogt, %get3A_23, %max3A_18 : vector<16xf32>
      %gt3A_27 = arith.cmpf ogt, %get3A_23, %max3A : vector<16xf32>
      %select_n3A_28 = arith.select %gt3A_27, %broadcast_in_dim3A_25, %select_n3A_15 : vector<16xi1>, vector<16xi32>
      %select_n3A_29 = arith.select %gt3A_26, %select_n3A_17, %select_n3A_28 : vector<16xi1>, vector<16xi32>
      %gt3A_30 = arith.cmpf ogt, %get3A_23, %max3A_18 : vector<16xf32>
      %select_n3A_31 = arith.select %gt3A_30, %broadcast_in_dim3A_25, %select_n3A_17 : vector<16xi1>, vector<16xi32>
      %min3A_32 = arith.minimumf %max3A_18, %get3A_23 : vector<16xf32>
      %max3A_33 = arith.maximumf %max3A, %min3A_32 : vector<16xf32>
      %max3A_34 = arith.maximumf %max3A_18, %get3A_23 : vector<16xf32>
      %add3A_35 = arith.constant 256 : i32
      %add3A_36 = arith.addi %add3A_35, %mul3A_4 : i32
      %get3A_37 = arith.index_cast %add3A_36 : i32 to index
      %get3A_38 = tpu.vector_load %arg4[%get3A_37] {strides = array<i32>} : memref<8192xf32, #tpu.memory_space<vmem>>, vector<16xf32>,
      %get3A_39 = vector.shape_cast %get3A_38 : vector<16xf32> to vector<16xf32>
      %broadcast_in_dim3A_40 = arith.constant 2 : i32
      %broadcast_in_dim3A_41 = vector.broadcast %broadcast_in_dim3A_40 : i32 to vector<16xi32>
      %gt3A_42 = arith.cmpf ogt, %get3A_39, %max3A_34 : vector<16xf32>
      %gt3A_43 = arith.cmpf ogt, %get3A_39, %max3A_33 : vector<16xf32>
      %select_n3A_44 = arith.select %gt3A_43, %broadcast_in_dim3A_41, %select_n3A_29 : vector<16xi1>, vector<16xi32>
      %select_n3A_45 = arith.select %gt3A_42, %select_n3A_31, %select_n3A_44 : vector<16xi1>, vector<16xi32>
      %gt3A_46 = arith.cmpf ogt, %get3A_39, %max3A_34 : vector<16xf32>
      %select_n3A_47 = arith.select %gt3A_46, %broadcast_in_dim3A_41, %select_n3A_31 : vector<16xi1>, vector<16xi32>
      %min3A_48 = arith.minimumf %max3A_34, %get3A_39 : vector<16xf32>
      %max3A_49 = arith.maximumf %max3A_33, %min3A_48 : vector<16xf32>
      %max3A_50 = arith.maximumf %max3A_34, %get3A_39 : vector<16xf32>
      %add3A_51 = arith.constant 384 : i32
      %add3A_52 = arith.addi %add3A_51, %mul3A_4 : i32
      %get3A_53 = arith.index_cast %add3A_52 : i32 to index
      %get3A_54 = tpu.vector_load %arg4[%get3A_53] {strides = array<i32>} : memref<8192xf32, #tpu.memory_space<vmem>>, vector<16xf32>,
      %get3A_55 = vector.shape_cast %get3A_54 : vector<16xf32> to vector<16xf32>
      %broadcast_in_dim3A_56 = arith.constant 3 : i32
      %broadcast_in_dim3A_57 = vector.broadcast %broadcast_in_dim3A_56 : i32 to vector<16xi32>
      %gt3A_58 = arith.cmpf ogt, %get3A_55, %max3A_50 : vector<16xf32>
      %gt3A_59 = arith.cmpf ogt, %get3A_55, %max3A_49 : vector<16xf32>
      %select_n3A_60 = arith.select %gt3A_59, %broadcast_in_dim3A_57, %select_n3A_45 : vector<16xi1>, vector<16xi32>
      %select_n3A_61 = arith.select %gt3A_58, %select_n3A_47, %select_n3A_60 : vector<16xi1>, vector<16xi32>
      %gt3A_62 = arith.cmpf ogt, %get3A_55, %max3A_50 : vector<16xf32>
      %select_n3A_63 = arith.select %gt3A_62, %broadcast_in_dim3A_57, %select_n3A_47 : vector<16xi1>, vector<16xi32>
      %min3A_64 = arith.minimumf %max3A_50, %get3A_55 : vector<16xf32>
      %max3A_65 = arith.maximumf %max3A_49, %min3A_64 : vector<16xf32>
      %max3A_66 = arith.maximumf %max3A_50, %get3A_55 : vector<16xf32>
      %add3A_67 = arith.constant 512 : i32
      %add3A_68 = arith.addi %add3A_67, %mul3A_4 : i32
      %get3A_69 = arith.index_cast %add3A_68 : i32 to index
      %get3A_70 = tpu.vector_load %arg4[%get3A_69] {strides = array<i32>} : memref<8192xf32, #tpu.memory_space<vmem>>, vector<16xf32>,
      %get3A_71 = vector.shape_cast %get3A_70 : vector<16xf32> to vector<16xf32>
      %broadcast_in_dim3A_72 = arith.constant 4 : i32
      %broadcast_in_dim3A_73 = vector.broadcast %broadcast_in_dim3A_72 : i32 to vector<16xi32>
      %gt3A_74 = arith.cmpf ogt, %get3A_71, %max3A_66 : vector<16xf32>
      %gt3A_75 = arith.cmpf ogt, %get3A_71, %max3A_65 : vector<16xf32>
      %select_n3A_76 = arith.select %gt3A_75, %broadcast_in_dim3A_73, %select_n3A_61 : vector<16xi1>, vector<16xi32>
      %select_n3A_77 = arith.select %gt3A_74, %select_n3A_63, %select_n3A_76 : vector<16xi1>, vector<16xi32>
      %gt3A_78 = arith.cmpf ogt, %get3A_71, %max3A_66 : vector<16xf32>
      %select_n3A_79 = arith.select %gt3A_78, %broadcast_in_dim3A_73, %select_n3A_63 : vector<16xi1>, vector<16xi32>
      %min3A_80 = arith.minimumf %max3A_66, %get3A_71 : vector<16xf32>
      %max3A_81 = arith.maximumf %max3A_65, %min3A_80 : vector<16xf32>
      %max3A_82 = arith.maximumf %max3A_66, %get3A_71 : vector<16xf32>
      %add3A_83 = arith.constant 640 : i32
      %add3A_84 = arith.addi %add3A_83, %mul3A_4 : i32
      %get3A_85 = arith.index_cast %add3A_84 : i32 to index
      %get3A_86 = tpu.vector_load %arg4[%get3A_85] {strides = array<i32>} : memref<8192xf32, #tpu.memory_space<vmem>>, vector<16xf32>,
      %get3A_87 = vector.shape_cast %get3A_86 : vector<16xf32> to vector<16xf32>
      %broadcast_in_dim3A_88 = arith.constant 5 : i32
      %broadcast_in_dim3A_89 = vector.broadcast %broadcast_in_dim3A_88 : i32 to vector<16xi32>
      %gt3A_90 = arith.cmpf ogt, %get3A_87, %max3A_82 : vector<16xf32>
      %gt3A_91 = arith.cmpf ogt, %get3A_87, %max3A_81 : vector<16xf32>
      %select_n3A_92 = arith.select %gt3A_91, %broadcast_in_dim3A_89, %select_n3A_77 : vector<16xi1>, vector<16xi32>
      %select_n3A_93 = arith.select %gt3A_90, %select_n3A_79, %select_n3A_92 : vector<16xi1>, vector<16xi32>
      %gt3A_94 = arith.cmpf ogt, %get3A_87, %max3A_82 : vector<16xf32>
      %select_n3A_95 = arith.select %gt3A_94, %broadcast_in_dim3A_89, %select_n3A_79 : vector<16xi1>, vector<16xi32>
      %min3A_96 = arith.minimumf %max3A_82, %get3A_87 : vector<16xf32>
      %max3A_97 = arith.maximumf %max3A_81, %min3A_96 : vector<16xf32>
      %max3A_98 = arith.maximumf %max3A_82, %get3A_87 : vector<16xf32>
      %add3A_99 = arith.constant 768 : i32
      %add3A_100 = arith.addi %add3A_99, %mul3A_4 : i32
      %get3A_101 = arith.index_cast %add3A_100 : i32 to index
      %get3A_102 = tpu.vector_load %arg4[%get3A_101] {strides = array<i32>} : memref<8192xf32, #tpu.memory_space<vmem>>, vector<16xf32>,
      %get3A_103 = vector.shape_cast %get3A_102 : vector<16xf32> to vector<16xf32>
      %broadcast_in_dim3A_104 = arith.constant 6 : i32
      %broadcast_in_dim3A_105 = vector.broadcast %broadcast_in_dim3A_104 : i32 to vector<16xi32>
      %gt3A_106 = arith.cmpf ogt, %get3A_103, %max3A_98 : vector<16xf32>
      %gt3A_107 = arith.cmpf ogt, %get3A_103, %max3A_97 : vector<16xf32>
      %select_n3A_108 = arith.select %gt3A_107, %broadcast_in_dim3A_105, %select_n3A_93 : vector<16xi1>, vector<16xi32>
      %select_n3A_109 = arith.select %gt3A_106, %select_n3A_95, %select_n3A_108 : vector<16xi1>, vector<16xi32>
      %gt3A_110 = arith.cmpf ogt, %get3A_103, %max3A_98 : vector<16xf32>
      %select_n3A_111 = arith.select %gt3A_110, %broadcast_in_dim3A_105, %select_n3A_95 : vector<16xi1>, vector<16xi32>
      %min3A_112 = arith.minimumf %max3A_98, %get3A_103 : vector<16xf32>
      %max3A_113 = arith.maximumf %max3A_97, %min3A_112 : vector<16xf32>
      %max3A_114 = arith.maximumf %max3A_98, %get3A_103 : vector<16xf32>
      %add3A_115 = arith.constant 896 : i32
      %add3A_116 = arith.addi %add3A_115, %mul3A_4 : i32
      %get3A_117 = arith.index_cast %add3A_116 : i32 to index
      %get3A_118 = tpu.vector_load %arg4[%get3A_117] {strides = array<i32>} : memref<8192xf32, #tpu.memory_space<vmem>>, vector<16xf32>,
      %get3A_119 = vector.shape_cast %get3A_118 : vector<16xf32> to vector<16xf32>
      %broadcast_in_dim3A_120 = arith.constant 7 : i32
      %broadcast_in_dim3A_121 = vector.broadcast %broadcast_in_dim3A_120 : i32 to vector<16xi32>
      %gt3A_122 = arith.cmpf ogt, %get3A_119, %max3A_114 : vector<16xf32>
      %gt3A_123 = arith.cmpf ogt, %get3A_119, %max3A_113 : vector<16xf32>
      %select_n3A_124 = arith.select %gt3A_123, %broadcast_in_dim3A_121, %select_n3A_109 : vector<16xi1>, vector<16xi32>
      %select_n3A_125 = arith.select %gt3A_122, %select_n3A_111, %select_n3A_124 : vector<16xi1>, vector<16xi32>
      %gt3A_126 = arith.cmpf ogt, %get3A_119, %max3A_114 : vector<16xf32>
      %select_n3A_127 = arith.select %gt3A_126, %broadcast_in_dim3A_121, %select_n3A_111 : vector<16xi1>, vector<16xi32>
      %min3A_128 = arith.minimumf %max3A_114, %get3A_119 : vector<16xf32>
      %max3A_129 = arith.maximumf %max3A_113, %min3A_128 : vector<16xf32>
      %max3A_130 = arith.maximumf %max3A_114, %get3A_119 : vector<16xf32>
      %add3A_131 = arith.constant 1024 : i32
      %add3A_132 = arith.addi %add3A_131, %mul3A_4 : i32
      %get3A_133 = arith.index_cast %add3A_132 : i32 to index
      %get3A_134 = tpu.vector_load %arg4[%get3A_133] {strides = array<i32>} : memref<8192xf32, #tpu.memory_space<vmem>>, vector<16xf32>,
      %get3A_135 = vector.shape_cast %get3A_134 : vector<16xf32> to vector<16xf32>
      %broadcast_in_dim3A_136 = arith.constant 8 : i32
      %broadcast_in_dim3A_137 = vector.broadcast %broadcast_in_dim3A_136 : i32 to vector<16xi32>
      %gt3A_138 = arith.cmpf ogt, %get3A_135, %max3A_130 : vector<16xf32>
      %gt3A_139 = arith.cmpf ogt, %get3A_135, %max3A_129 : vector<16xf32>
      %select_n3A_140 = arith.select %gt3A_139, %broadcast_in_dim3A_137, %select_n3A_125 : vector<16xi1>, vector<16xi32>
      %select_n3A_141 = arith.select %gt3A_138, %select_n3A_127, %select_n3A_140 : vector<16xi1>, vector<16xi32>
      %gt3A_142 = arith.cmpf ogt, %get3A_135, %max3A_130 : vector<16xf32>
      %select_n3A_143 = arith.select %gt3A_142, %broadcast_in_dim3A_137, %select_n3A_127 : vector<16xi1>, vector<16xi32>
      %min3A_144 = arith.minimumf %max3A_130, %get3A_135 : vector<16xf32>
      %max3A_145 = arith.maximumf %max3A_129, %min3A_144 : vector<16xf32>
      %max3A_146 = arith.maximumf %max3A_130, %get3A_135 : vector<16xf32>
      %add3A_147 = arith.constant 1152 : i32
      %add3A_148 = arith.addi %add3A_147, %mul3A_4 : i32
      %get3A_149 = arith.index_cast %add3A_148 : i32 to index
      %get3A_150 = tpu.vector_load %arg4[%get3A_149] {strides = array<i32>} : memref<8192xf32, #tpu.memory_space<vmem>>, vector<16xf32>,
      %get3A_151 = vector.shape_cast %get3A_150 : vector<16xf32> to vector<16xf32>
      %broadcast_in_dim3A_152 = arith.constant 9 : i32
      %broadcast_in_dim3A_153 = vector.broadcast %broadcast_in_dim3A_152 : i32 to vector<16xi32>
      %gt3A_154 = arith.cmpf ogt, %get3A_151, %max3A_146 : vector<16xf32>
      %gt3A_155 = arith.cmpf ogt, %get3A_151, %max3A_145 : vector<16xf32>
      %select_n3A_156 = arith.select %gt3A_155, %broadcast_in_dim3A_153, %select_n3A_141 : vector<16xi1>, vector<16xi32>
      %select_n3A_157 = arith.select %gt3A_154, %select_n3A_143, %select_n3A_156 : vector<16xi1>, vector<16xi32>
      %gt3A_158 = arith.cmpf ogt, %get3A_151, %max3A_146 : vector<16xf32>
      %select_n3A_159 = arith.select %gt3A_158, %broadcast_in_dim3A_153, %select_n3A_143 : vector<16xi1>, vector<16xi32>
      %min3A_160 = arith.minimumf %max3A_146, %get3A_151 : vector<16xf32>
      %max3A_161 = arith.maximumf %max3A_145, %min3A_160 : vector<16xf32>
      %max3A_162 = arith.maximumf %max3A_146, %get3A_151 : vector<16xf32>
      %add3A_163 = arith.constant 1280 : i32
      %add3A_164 = arith.addi %add3A_163, %mul3A_4 : i32
      %get3A_165 = arith.index_cast %add3A_164 : i32 to index
      %get3A_166 = tpu.vector_load %arg4[%get3A_165] {strides = array<i32>} : memref<8192xf32, #tpu.memory_space<vmem>>, vector<16xf32>,
      %get3A_167 = vector.shape_cast %get3A_166 : vector<16xf32> to vector<16xf32>
      %broadcast_in_dim3A_168 = arith.constant 10 : i32
      %broadcast_in_dim3A_169 = vector.broadcast %broadcast_in_dim3A_168 : i32 to vector<16xi32>
      %gt3A_170 = arith.cmpf ogt, %get3A_167, %max3A_162 : vector<16xf32>
      %gt3A_171 = arith.cmpf ogt, %get3A_167, %max3A_161 : vector<16xf32>
      %select_n3A_172 = arith.select %gt3A_171, %broadcast_in_dim3A_169, %select_n3A_157 : vector<16xi1>, vector<16xi32>
      %select_n3A_173 = arith.select %gt3A_170, %select_n3A_159, %select_n3A_172 : vector<16xi1>, vector<16xi32>
      %gt3A_174 = arith.cmpf ogt, %get3A_167, %max3A_162 : vector<16xf32>
      %select_n3A_175 = arith.select %gt3A_174, %broadcast_in_dim3A_169, %select_n3A_159 : vector<16xi1>, vector<16xi32>
      %min3A_176 = arith.minimumf %max3A_162, %get3A_167 : vector<16xf32>
      %max3A_177 = arith.maximumf %max3A_161, %min3A_176 : vector<16xf32>
      %max3A_178 = arith.maximumf %max3A_162, %get3A_167 : vector<16xf32>
      %add3A_179 = arith.constant 1408 : i32
      %add3A_180 = arith.addi %add3A_179, %mul3A_4 : i32
      %get3A_181 = arith.index_cast %add3A_180 : i32 to index
      %get3A_182 = tpu.vector_load %arg4[%get3A_181] {strides = array<i32>} : memref<8192xf32, #tpu.memory_space<vmem>>, vector<16xf32>,
      %get3A_183 = vector.shape_cast %get3A_182 : vector<16xf32> to vector<16xf32>
      %broadcast_in_dim3A_184 = arith.constant 11 : i32
      %broadcast_in_dim3A_185 = vector.broadcast %broadcast_in_dim3A_184 : i32 to vector<16xi32>
      %gt3A_186 = arith.cmpf ogt, %get3A_183, %max3A_178 : vector<16xf32>
      %gt3A_187 = arith.cmpf ogt, %get3A_183, %max3A_177 : vector<16xf32>
      %select_n3A_188 = arith.select %gt3A_187, %broadcast_in_dim3A_185, %select_n3A_173 : vector<16xi1>, vector<16xi32>
      %select_n3A_189 = arith.select %gt3A_186, %select_n3A_175, %select_n3A_188 : vector<16xi1>, vector<16xi32>
      %gt3A_190 = arith.cmpf ogt, %get3A_183, %max3A_178 : vector<16xf32>
      %select_n3A_191 = arith.select %gt3A_190, %broadcast_in_dim3A_185, %select_n3A_175 : vector<16xi1>, vector<16xi32>
      %min3A_192 = arith.minimumf %max3A_178, %get3A_183 : vector<16xf32>
      %max3A_193 = arith.maximumf %max3A_177, %min3A_192 : vector<16xf32>
      %max3A_194 = arith.maximumf %max3A_178, %get3A_183 : vector<16xf32>
      %add3A_195 = arith.constant 1536 : i32
      %add3A_196 = arith.addi %add3A_195, %mul3A_4 : i32
      %get3A_197 = arith.index_cast %add3A_196 : i32 to index
      %get3A_198 = tpu.vector_load %arg4[%get3A_197] {strides = array<i32>} : memref<8192xf32, #tpu.memory_space<vmem>>, vector<16xf32>,
      %get3A_199 = vector.shape_cast %get3A_198 : vector<16xf32> to vector<16xf32>
      %broadcast_in_dim3A_200 = arith.constant 12 : i32
      %broadcast_in_dim3A_201 = vector.broadcast %broadcast_in_dim3A_200 : i32 to vector<16xi32>
      %gt3A_202 = arith.cmpf ogt, %get3A_199, %max3A_194 : vector<16xf32>
      %gt3A_203 = arith.cmpf ogt, %get3A_199, %max3A_193 : vector<16xf32>
      %select_n3A_204 = arith.select %gt3A_203, %broadcast_in_dim3A_201, %select_n3A_189 : vector<16xi1>, vector<16xi32>
      %select_n3A_205 = arith.select %gt3A_202, %select_n3A_191, %select_n3A_204 : vector<16xi1>, vector<16xi32>
      %gt3A_206 = arith.cmpf ogt, %get3A_199, %max3A_194 : vector<16xf32>
      %select_n3A_207 = arith.select %gt3A_206, %broadcast_in_dim3A_201, %select_n3A_191 : vector<16xi1>, vector<16xi32>
      %min3A_208 = arith.minimumf %max3A_194, %get3A_199 : vector<16xf32>
      %max3A_209 = arith.maximumf %max3A_193, %min3A_208 : vector<16xf32>
      %max3A_210 = arith.maximumf %max3A_194, %get3A_199 : vector<16xf32>
      %add3A_211 = arith.constant 1664 : i32
      %add3A_212 = arith.addi %add3A_211, %mul3A_4 : i32
      %get3A_213 = arith.index_cast %add3A_212 : i32 to index
      %get3A_214 = tpu.vector_load %arg4[%get3A_213] {strides = array<i32>} : memref<8192xf32, #tpu.memory_space<vmem>>, vector<16xf32>,
      %get3A_215 = vector.shape_cast %get3A_214 : vector<16xf32> to vector<16xf32>
      %broadcast_in_dim3A_216 = arith.constant 13 : i32
      %broadcast_in_dim3A_217 = vector.broadcast %broadcast_in_dim3A_216 : i32 to vector<16xi32>
      %gt3A_218 = arith.cmpf ogt, %get3A_215, %max3A_210 : vector<16xf32>
      %gt3A_219 = arith.cmpf ogt, %get3A_215, %max3A_209 : vector<16xf32>
      %select_n3A_220 = arith.select %gt3A_219, %broadcast_in_dim3A_217, %select_n3A_205 : vector<16xi1>, vector<16xi32>
      %select_n3A_221 = arith.select %gt3A_218, %select_n3A_207, %select_n3A_220 : vector<16xi1>, vector<16xi32>
      %gt3A_222 = arith.cmpf ogt, %get3A_215, %max3A_210 : vector<16xf32>
      %select_n3A_223 = arith.select %gt3A_222, %broadcast_in_dim3A_217, %select_n3A_207 : vector<16xi1>, vector<16xi32>
      %min3A_224 = arith.minimumf %max3A_210, %get3A_215 : vector<16xf32>
      %max3A_225 = arith.maximumf %max3A_209, %min3A_224 : vector<16xf32>
      %max3A_226 = arith.maximumf %max3A_210, %get3A_215 : vector<16xf32>
      %add3A_227 = arith.constant 1792 : i32
      %add3A_228 = arith.addi %add3A_227, %mul3A_4 : i32
      %get3A_229 = arith.index_cast %add3A_228 : i32 to index
      %get3A_230 = tpu.vector_load %arg4[%get3A_229] {strides = array<i32>} : memref<8192xf32, #tpu.memory_space<vmem>>, vector<16xf32>,
      %get3A_231 = vector.shape_cast %get3A_230 : vector<16xf32> to vector<16xf32>
      %broadcast_in_dim3A_232 = arith.constant 14 : i32
      %broadcast_in_dim3A_233 = vector.broadcast %broadcast_in_dim3A_232 : i32 to vector<16xi32>
      %gt3A_234 = arith.cmpf ogt, %get3A_231, %max3A_226 : vector<16xf32>
      %gt3A_235 = arith.cmpf ogt, %get3A_231, %max3A_225 : vector<16xf32>
      %select_n3A_236 = arith.select %gt3A_235, %broadcast_in_dim3A_233, %select_n3A_221 : vector<16xi1>, vector<16xi32>
      %select_n3A_237 = arith.select %gt3A_234, %select_n3A_223, %select_n3A_236 : vector<16xi1>, vector<16xi32>
      %gt3A_238 = arith.cmpf ogt, %get3A_231, %max3A_226 : vector<16xf32>
      %select_n3A_239 = arith.select %gt3A_238, %broadcast_in_dim3A_233, %select_n3A_223 : vector<16xi1>, vector<16xi32>
      %min3A_240 = arith.minimumf %max3A_226, %get3A_231 : vector<16xf32>
      %max3A_241 = arith.maximumf %max3A_225, %min3A_240 : vector<16xf32>
      %max3A_242 = arith.maximumf %max3A_226, %get3A_231 : vector<16xf32>
      %add3A_243 = arith.constant 1920 : i32
      %add3A_244 = arith.addi %add3A_243, %mul3A_4 : i32
      %get3A_245 = arith.index_cast %add3A_244 : i32 to index
      %get3A_246 = tpu.vector_load %arg4[%get3A_245] {strides = array<i32>} : memref<8192xf32, #tpu.memory_space<vmem>>, vector<16xf32>,
      %get3A_247 = vector.shape_cast %get3A_246 : vector<16xf32> to vector<16xf32>
      %broadcast_in_dim3A_248 = arith.constant 15 : i32
      %broadcast_in_dim3A_249 = vector.broadcast %broadcast_in_dim3A_248 : i32 to vector<16xi32>
      %gt3A_250 = arith.cmpf ogt, %get3A_247, %max3A_242 : vector<16xf32>
      %gt3A_251 = arith.cmpf ogt, %get3A_247, %max3A_241 : vector<16xf32>
      %select_n3A_252 = arith.select %gt3A_251, %broadcast_in_dim3A_249, %select_n3A_237 : vector<16xi1>, vector<16xi32>
      %select_n3A_253 = arith.select %gt3A_250, %select_n3A_239, %select_n3A_252 : vector<16xi1>, vector<16xi32>
      %gt3A_254 = arith.cmpf ogt, %get3A_247, %max3A_242 : vector<16xf32>
      %select_n3A_255 = arith.select %gt3A_254, %broadcast_in_dim3A_249, %select_n3A_239 : vector<16xi1>, vector<16xi32>
      %min3A_256 = arith.minimumf %max3A_242, %get3A_247 : vector<16xf32>
      %max3A_257 = arith.maximumf %max3A_241, %min3A_256 : vector<16xf32>
      %max3A_258 = arith.maximumf %max3A_242, %get3A_247 : vector<16xf32>
      %add3A_259 = arith.constant 2048 : i32
      %add3A_260 = arith.addi %add3A_259, %mul3A_4 : i32
      %get3A_261 = arith.index_cast %add3A_260 : i32 to index
      %get3A_262 = tpu.vector_load %arg4[%get3A_261] {strides = array<i32>} : memref<8192xf32, #tpu.memory_space<vmem>>, vector<16xf32>,
      %get3A_263 = vector.shape_cast %get3A_262 : vector<16xf32> to vector<16xf32>
      %broadcast_in_dim3A_264 = arith.constant 16 : i32
      %broadcast_in_dim3A_265 = vector.broadcast %broadcast_in_dim3A_264 : i32 to vector<16xi32>
      %gt3A_266 = arith.cmpf ogt, %get3A_263, %max3A_258 : vector<16xf32>
      %gt3A_267 = arith.cmpf ogt, %get3A_263, %max3A_257 : vector<16xf32>
      %select_n3A_268 = arith.select %gt3A_267, %broadcast_in_dim3A_265, %select_n3A_253 : vector<16xi1>, vector<16xi32>
      %select_n3A_269 = arith.select %gt3A_266, %select_n3A_255, %select_n3A_268 : vector<16xi1>, vector<16xi32>
      %gt3A_270 = arith.cmpf ogt, %get3A_263, %max3A_258 : vector<16xf32>
      %select_n3A_271 = arith.select %gt3A_270, %broadcast_in_dim3A_265, %select_n3A_255 : vector<16xi1>, vector<16xi32>
      %min3A_272 = arith.minimumf %max3A_258, %get3A_263 : vector<16xf32>
      %max3A_273 = arith.maximumf %max3A_257, %min3A_272 : vector<16xf32>
      %max3A_274 = arith.maximumf %max3A_258, %get3A_263 : vector<16xf32>
      %add3A_275 = arith.constant 2176 : i32
      %add3A_276 = arith.addi %add3A_275, %mul3A_4 : i32
      %get3A_277 = arith.index_cast %add3A_276 : i32 to index
      %get3A_278 = tpu.vector_load %arg4[%get3A_277] {strides = array<i32>} : memref<8192xf32, #tpu.memory_space<vmem>>, vector<16xf32>,
      %get3A_279 = vector.shape_cast %get3A_278 : vector<16xf32> to vector<16xf32>
      %broadcast_in_dim3A_280 = arith.constant 17 : i32
      %broadcast_in_dim3A_281 = vector.broadcast %broadcast_in_dim3A_280 : i32 to vector<16xi32>
      %gt3A_282 = arith.cmpf ogt, %get3A_279, %max3A_274 : vector<16xf32>
      %gt3A_283 = arith.cmpf ogt, %get3A_279, %max3A_273 : vector<16xf32>
      %select_n3A_284 = arith.select %gt3A_283, %broadcast_in_dim3A_281, %select_n3A_269 : vector<16xi1>, vector<16xi32>
      %select_n3A_285 = arith.select %gt3A_282, %select_n3A_271, %select_n3A_284 : vector<16xi1>, vector<16xi32>
      %gt3A_286 = arith.cmpf ogt, %get3A_279, %max3A_274 : vector<16xf32>
      %select_n3A_287 = arith.select %gt3A_286, %broadcast_in_dim3A_281, %select_n3A_271 : vector<16xi1>, vector<16xi32>
      %min3A_288 = arith.minimumf %max3A_274, %get3A_279 : vector<16xf32>
      %max3A_289 = arith.maximumf %max3A_273, %min3A_288 : vector<16xf32>
      %max3A_290 = arith.maximumf %max3A_274, %get3A_279 : vector<16xf32>
      %add3A_291 = arith.constant 2304 : i32
      %add3A_292 = arith.addi %add3A_291, %mul3A_4 : i32
      %get3A_293 = arith.index_cast %add3A_292 : i32 to index
      %get3A_294 = tpu.vector_load %arg4[%get3A_293] {strides = array<i32>} : memref<8192xf32, #tpu.memory_space<vmem>>, vector<16xf32>,
      %get3A_295 = vector.shape_cast %get3A_294 : vector<16xf32> to vector<16xf32>
      %broadcast_in_dim3A_296 = arith.constant 18 : i32
      %broadcast_in_dim3A_297 = vector.broadcast %broadcast_in_dim3A_296 : i32 to vector<16xi32>
      %gt3A_298 = arith.cmpf ogt, %get3A_295, %max3A_290 : vector<16xf32>
      %gt3A_299 = arith.cmpf ogt, %get3A_295, %max3A_289 : vector<16xf32>
      %select_n3A_300 = arith.select %gt3A_299, %broadcast_in_dim3A_297, %select_n3A_285 : vector<16xi1>, vector<16xi32>
      %select_n3A_301 = arith.select %gt3A_298, %select_n3A_287, %select_n3A_300 : vector<16xi1>, vector<16xi32>
      %gt3A_302 = arith.cmpf ogt, %get3A_295, %max3A_290 : vector<16xf32>
      %select_n3A_303 = arith.select %gt3A_302, %broadcast_in_dim3A_297, %select_n3A_287 : vector<16xi1>, vector<16xi32>
      %min3A_304 = arith.minimumf %max3A_290, %get3A_295 : vector<16xf32>
      %max3A_305 = arith.maximumf %max3A_289, %min3A_304 : vector<16xf32>
      %max3A_306 = arith.maximumf %max3A_290, %get3A_295 : vector<16xf32>
      %add3A_307 = arith.constant 2432 : i32
      %add3A_308 = arith.addi %add3A_307, %mul3A_4 : i32
      %get3A_309 = arith.index_cast %add3A_308 : i32 to index
      %get3A_310 = tpu.vector_load %arg4[%get3A_309] {strides = array<i32>} : memref<8192xf32, #tpu.memory_space<vmem>>, vector<16xf32>,
      %get3A_311 = vector.shape_cast %get3A_310 : vector<16xf32> to vector<16xf32>
      %broadcast_in_dim3A_312 = arith.constant 19 : i32
      %broadcast_in_dim3A_313 = vector.broadcast %broadcast_in_dim3A_312 : i32 to vector<16xi32>
      %gt3A_314 = arith.cmpf ogt, %get3A_311, %max3A_306 : vector<16xf32>
      %gt3A_315 = arith.cmpf ogt, %get3A_311, %max3A_305 : vector<16xf32>
      %select_n3A_316 = arith.select %gt3A_315, %broadcast_in_dim3A_313, %select_n3A_301 : vector<16xi1>, vector<16xi32>
      %select_n3A_317 = arith.select %gt3A_314, %select_n3A_303, %select_n3A_316 : vector<16xi1>, vector<16xi32>
      %gt3A_318 = arith.cmpf ogt, %get3A_311, %max3A_306 : vector<16xf32>
      %select_n3A_319 = arith.select %gt3A_318, %broadcast_in_dim3A_313, %select_n3A_303 : vector<16xi1>, vector<16xi32>
      %min3A_320 = arith.minimumf %max3A_306, %get3A_311 : vector<16xf32>
      %max3A_321 = arith.maximumf %max3A_305, %min3A_320 : vector<16xf32>
      %max3A_322 = arith.maximumf %max3A_306, %get3A_311 : vector<16xf32>
      %add3A_323 = arith.constant 2560 : i32
      %add3A_324 = arith.addi %add3A_323, %mul3A_4 : i32
      %get3A_325 = arith.index_cast %add3A_324 : i32 to index
      %get3A_326 = tpu.vector_load %arg4[%get3A_325] {strides = array<i32>} : memref<8192xf32, #tpu.memory_space<vmem>>, vector<16xf32>,
      %get3A_327 = vector.shape_cast %get3A_326 : vector<16xf32> to vector<16xf32>
      %broadcast_in_dim3A_328 = arith.constant 20 : i32
      %broadcast_in_dim3A_329 = vector.broadcast %broadcast_in_dim3A_328 : i32 to vector<16xi32>
      %gt3A_330 = arith.cmpf ogt, %get3A_327, %max3A_322 : vector<16xf32>
      %gt3A_331 = arith.cmpf ogt, %get3A_327, %max3A_321 : vector<16xf32>
      %select_n3A_332 = arith.select %gt3A_331, %broadcast_in_dim3A_329, %select_n3A_317 : vector<16xi1>, vector<16xi32>
      %select_n3A_333 = arith.select %gt3A_330, %select_n3A_319, %select_n3A_332 : vector<16xi1>, vector<16xi32>
      %gt3A_334 = arith.cmpf ogt, %get3A_327, %max3A_322 : vector<16xf32>
      %select_n3A_335 = arith.select %gt3A_334, %broadcast_in_dim3A_329, %select_n3A_319 : vector<16xi1>, vector<16xi32>
      %min3A_336 = arith.minimumf %max3A_322, %get3A_327 : vector<16xf32>
      %max3A_337 = arith.maximumf %max3A_321, %min3A_336 : vector<16xf32>
      %max3A_338 = arith.maximumf %max3A_322, %get3A_327 : vector<16xf32>
      %add3A_339 = arith.constant 2688 : i32
      %add3A_340 = arith.addi %add3A_339, %mul3A_4 : i32
      %get3A_341 = arith.index_cast %add3A_340 : i32 to index
      %get3A_342 = tpu.vector_load %arg4[%get3A_341] {strides = array<i32>} : memref<8192xf32, #tpu.memory_space<vmem>>, vector<16xf32>,
      %get3A_343 = vector.shape_cast %get3A_342 : vector<16xf32> to vector<16xf32>
      %broadcast_in_dim3A_344 = arith.constant 21 : i32
      %broadcast_in_dim3A_345 = vector.broadcast %broadcast_in_dim3A_344 : i32 to vector<16xi32>
      %gt3A_346 = arith.cmpf ogt, %get3A_343, %max3A_338 : vector<16xf32>
      %gt3A_347 = arith.cmpf ogt, %get3A_343, %max3A_337 : vector<16xf32>
      %select_n3A_348 = arith.select %gt3A_347, %broadcast_in_dim3A_345, %select_n3A_333 : vector<16xi1>, vector<16xi32>
      %select_n3A_349 = arith.select %gt3A_346, %select_n3A_335, %select_n3A_348 : vector<16xi1>, vector<16xi32>
      %gt3A_350 = arith.cmpf ogt, %get3A_343, %max3A_338 : vector<16xf32>
      %select_n3A_351 = arith.select %gt3A_350, %broadcast_in_dim3A_345, %select_n3A_335 : vector<16xi1>, vector<16xi32>
      %min3A_352 = arith.minimumf %max3A_338, %get3A_343 : vector<16xf32>
      %max3A_353 = arith.maximumf %max3A_337, %min3A_352 : vector<16xf32>
      %max3A_354 = arith.maximumf %max3A_338, %get3A_343 : vector<16xf32>
      %add3A_355 = arith.constant 2816 : i32
      %add3A_356 = arith.addi %add3A_355, %mul3A_4 : i32
      %get3A_357 = arith.index_cast %add3A_356 : i32 to index
      %get3A_358 = tpu.vector_load %arg4[%get3A_357] {strides = array<i32>} : memref<8192xf32, #tpu.memory_space<vmem>>, vector<16xf32>,
      %get3A_359 = vector.shape_cast %get3A_358 : vector<16xf32> to vector<16xf32>
      %broadcast_in_dim3A_360 = arith.constant 22 : i32
      %broadcast_in_dim3A_361 = vector.broadcast %broadcast_in_dim3A_360 : i32 to vector<16xi32>
      %gt3A_362 = arith.cmpf ogt, %get3A_359, %max3A_354 : vector<16xf32>
      %gt3A_363 = arith.cmpf ogt, %get3A_359, %max3A_353 : vector<16xf32>
      %select_n3A_364 = arith.select %gt3A_363, %broadcast_in_dim3A_361, %select_n3A_349 : vector<16xi1>, vector<16xi32>
      %select_n3A_365 = arith.select %gt3A_362, %select_n3A_351, %select_n3A_364 : vector<16xi1>, vector<16xi32>
      %gt3A_366 = arith.cmpf ogt, %get3A_359, %max3A_354 : vector<16xf32>
      %select_n3A_367 = arith.select %gt3A_366, %broadcast_in_dim3A_361, %select_n3A_351 : vector<16xi1>, vector<16xi32>
      %min3A_368 = arith.minimumf %max3A_354, %get3A_359 : vector<16xf32>
      %max3A_369 = arith.maximumf %max3A_353, %min3A_368 : vector<16xf32>
      %max3A_370 = arith.maximumf %max3A_354, %get3A_359 : vector<16xf32>
      %add3A_371 = arith.constant 2944 : i32
      %add3A_372 = arith.addi %add3A_371, %mul3A_4 : i32
      %get3A_373 = arith.index_cast %add3A_372 : i32 to index
      %get3A_374 = tpu.vector_load %arg4[%get3A_373] {strides = array<i32>} : memref<8192xf32, #tpu.memory_space<vmem>>, vector<16xf32>,
      %get3A_375 = vector.shape_cast %get3A_374 : vector<16xf32> to vector<16xf32>
      %broadcast_in_dim3A_376 = arith.constant 23 : i32
      %broadcast_in_dim3A_377 = vector.broadcast %broadcast_in_dim3A_376 : i32 to vector<16xi32>
      %gt3A_378 = arith.cmpf ogt, %get3A_375, %max3A_370 : vector<16xf32>
      %gt3A_379 = arith.cmpf ogt, %get3A_375, %max3A_369 : vector<16xf32>
      %select_n3A_380 = arith.select %gt3A_379, %broadcast_in_dim3A_377, %select_n3A_365 : vector<16xi1>, vector<16xi32>
      %select_n3A_381 = arith.select %gt3A_378, %select_n3A_367, %select_n3A_380 : vector<16xi1>, vector<16xi32>
      %gt3A_382 = arith.cmpf ogt, %get3A_375, %max3A_370 : vector<16xf32>
      %select_n3A_383 = arith.select %gt3A_382, %broadcast_in_dim3A_377, %select_n3A_367 : vector<16xi1>, vector<16xi32>
      %min3A_384 = arith.minimumf %max3A_370, %get3A_375 : vector<16xf32>
      %max3A_385 = arith.maximumf %max3A_369, %min3A_384 : vector<16xf32>
      %max3A_386 = arith.maximumf %max3A_370, %get3A_375 : vector<16xf32>
      %add3A_387 = arith.constant 3072 : i32
      %add3A_388 = arith.addi %add3A_387, %mul3A_4 : i32
      %get3A_389 = arith.index_cast %add3A_388 : i32 to index
      %get3A_390 = tpu.vector_load %arg4[%get3A_389] {strides = array<i32>} : memref<8192xf32, #tpu.memory_space<vmem>>, vector<16xf32>,
      %get3A_391 = vector.shape_cast %get3A_390 : vector<16xf32> to vector<16xf32>
      %broadcast_in_dim3A_392 = arith.constant 24 : i32
      %broadcast_in_dim3A_393 = vector.broadcast %broadcast_in_dim3A_392 : i32 to vector<16xi32>
      %gt3A_394 = arith.cmpf ogt, %get3A_391, %max3A_386 : vector<16xf32>
      %gt3A_395 = arith.cmpf ogt, %get3A_391, %max3A_385 : vector<16xf32>
      %select_n3A_396 = arith.select %gt3A_395, %broadcast_in_dim3A_393, %select_n3A_381 : vector<16xi1>, vector<16xi32>
      %select_n3A_397 = arith.select %gt3A_394, %select_n3A_383, %select_n3A_396 : vector<16xi1>, vector<16xi32>
      %gt3A_398 = arith.cmpf ogt, %get3A_391, %max3A_386 : vector<16xf32>
      %select_n3A_399 = arith.select %gt3A_398, %broadcast_in_dim3A_393, %select_n3A_383 : vector<16xi1>, vector<16xi32>
      %min3A_400 = arith.minimumf %max3A_386, %get3A_391 : vector<16xf32>
      %max3A_401 = arith.maximumf %max3A_385, %min3A_400 : vector<16xf32>
      %max3A_402 = arith.maximumf %max3A_386, %get3A_391 : vector<16xf32>
      %add3A_403 = arith.constant 3200 : i32
      %add3A_404 = arith.addi %add3A_403, %mul3A_4 : i32
      %get3A_405 = arith.index_cast %add3A_404 : i32 to index
      %get3A_406 = tpu.vector_load %arg4[%get3A_405] {strides = array<i32>} : memref<8192xf32, #tpu.memory_space<vmem>>, vector<16xf32>,
      %get3A_407 = vector.shape_cast %get3A_406 : vector<16xf32> to vector<16xf32>
      %broadcast_in_dim3A_408 = arith.constant 25 : i32
      %broadcast_in_dim3A_409 = vector.broadcast %broadcast_in_dim3A_408 : i32 to vector<16xi32>
      %gt3A_410 = arith.cmpf ogt, %get3A_407, %max3A_402 : vector<16xf32>
      %gt3A_411 = arith.cmpf ogt, %get3A_407, %max3A_401 : vector<16xf32>
      %select_n3A_412 = arith.select %gt3A_411, %broadcast_in_dim3A_409, %select_n3A_397 : vector<16xi1>, vector<16xi32>
      %select_n3A_413 = arith.select %gt3A_410, %select_n3A_399, %select_n3A_412 : vector<16xi1>, vector<16xi32>
      %gt3A_414 = arith.cmpf ogt, %get3A_407, %max3A_402 : vector<16xf32>
      %select_n3A_415 = arith.select %gt3A_414, %broadcast_in_dim3A_409, %select_n3A_399 : vector<16xi1>, vector<16xi32>
      %min3A_416 = arith.minimumf %max3A_402, %get3A_407 : vector<16xf32>
      %max3A_417 = arith.maximumf %max3A_401, %min3A_416 : vector<16xf32>
      %max3A_418 = arith.maximumf %max3A_402, %get3A_407 : vector<16xf32>
      %add3A_419 = arith.constant 3328 : i32
      %add3A_420 = arith.addi %add3A_419, %mul3A_4 : i32
      %get3A_421 = arith.index_cast %add3A_420 : i32 to index
      %get3A_422 = tpu.vector_load %arg4[%get3A_421] {strides = array<i32>} : memref<8192xf32, #tpu.memory_space<vmem>>, vector<16xf32>,
      %get3A_423 = vector.shape_cast %get3A_422 : vector<16xf32> to vector<16xf32>
      %broadcast_in_dim3A_424 = arith.constant 26 : i32
      %broadcast_in_dim3A_425 = vector.broadcast %broadcast_in_dim3A_424 : i32 to vector<16xi32>
      %gt3A_426 = arith.cmpf ogt, %get3A_423, %max3A_418 : vector<16xf32>
      %gt3A_427 = arith.cmpf ogt, %get3A_423, %max3A_417 : vector<16xf32>
      %select_n3A_428 = arith.select %gt3A_427, %broadcast_in_dim3A_425, %select_n3A_413 : vector<16xi1>, vector<16xi32>
      %select_n3A_429 = arith.select %gt3A_426, %select_n3A_415, %select_n3A_428 : vector<16xi1>, vector<16xi32>
      %gt3A_430 = arith.cmpf ogt, %get3A_423, %max3A_418 : vector<16xf32>
      %select_n3A_431 = arith.select %gt3A_430, %broadcast_in_dim3A_425, %select_n3A_415 : vector<16xi1>, vector<16xi32>
      %min3A_432 = arith.minimumf %max3A_418, %get3A_423 : vector<16xf32>
      %max3A_433 = arith.maximumf %max3A_417, %min3A_432 : vector<16xf32>
      %max3A_434 = arith.maximumf %max3A_418, %get3A_423 : vector<16xf32>
      %add3A_435 = arith.constant 3456 : i32
      %add3A_436 = arith.addi %add3A_435, %mul3A_4 : i32
      %get3A_437 = arith.index_cast %add3A_436 : i32 to index
      %get3A_438 = tpu.vector_load %arg4[%get3A_437] {strides = array<i32>} : memref<8192xf32, #tpu.memory_space<vmem>>, vector<16xf32>,
      %get3A_439 = vector.shape_cast %get3A_438 : vector<16xf32> to vector<16xf32>
      %broadcast_in_dim3A_440 = arith.constant 27 : i32
      %broadcast_in_dim3A_441 = vector.broadcast %broadcast_in_dim3A_440 : i32 to vector<16xi32>
      %gt3A_442 = arith.cmpf ogt, %get3A_439, %max3A_434 : vector<16xf32>
      %gt3A_443 = arith.cmpf ogt, %get3A_439, %max3A_433 : vector<16xf32>
      %select_n3A_444 = arith.select %gt3A_443, %broadcast_in_dim3A_441, %select_n3A_429 : vector<16xi1>, vector<16xi32>
      %select_n3A_445 = arith.select %gt3A_442, %select_n3A_431, %select_n3A_444 : vector<16xi1>, vector<16xi32>
      %gt3A_446 = arith.cmpf ogt, %get3A_439, %max3A_434 : vector<16xf32>
      %select_n3A_447 = arith.select %gt3A_446, %broadcast_in_dim3A_441, %select_n3A_431 : vector<16xi1>, vector<16xi32>
      %min3A_448 = arith.minimumf %max3A_434, %get3A_439 : vector<16xf32>
      %max3A_449 = arith.maximumf %max3A_433, %min3A_448 : vector<16xf32>
      %max3A_450 = arith.maximumf %max3A_434, %get3A_439 : vector<16xf32>
      %add3A_451 = arith.constant 3584 : i32
      %add3A_452 = arith.addi %add3A_451, %mul3A_4 : i32
      %get3A_453 = arith.index_cast %add3A_452 : i32 to index
      %get3A_454 = tpu.vector_load %arg4[%get3A_453] {strides = array<i32>} : memref<8192xf32, #tpu.memory_space<vmem>>, vector<16xf32>,
      %get3A_455 = vector.shape_cast %get3A_454 : vector<16xf32> to vector<16xf32>
      %broadcast_in_dim3A_456 = arith.constant 28 : i32
      %broadcast_in_dim3A_457 = vector.broadcast %broadcast_in_dim3A_456 : i32 to vector<16xi32>
      %gt3A_458 = arith.cmpf ogt, %get3A_455, %max3A_450 : vector<16xf32>
      %gt3A_459 = arith.cmpf ogt, %get3A_455, %max3A_449 : vector<16xf32>
      %select_n3A_460 = arith.select %gt3A_459, %broadcast_in_dim3A_457, %select_n3A_445 : vector<16xi1>, vector<16xi32>
      %select_n3A_461 = arith.select %gt3A_458, %select_n3A_447, %select_n3A_460 : vector<16xi1>, vector<16xi32>
      %gt3A_462 = arith.cmpf ogt, %get3A_455, %max3A_450 : vector<16xf32>
      %select_n3A_463 = arith.select %gt3A_462, %broadcast_in_dim3A_457, %select_n3A_447 : vector<16xi1>, vector<16xi32>
      %min3A_464 = arith.minimumf %max3A_450, %get3A_455 : vector<16xf32>
      %max3A_465 = arith.maximumf %max3A_449, %min3A_464 : vector<16xf32>
      %max3A_466 = arith.maximumf %max3A_450, %get3A_455 : vector<16xf32>
      %add3A_467 = arith.constant 3712 : i32
      %add3A_468 = arith.addi %add3A_467, %mul3A_4 : i32
      %get3A_469 = arith.index_cast %add3A_468 : i32 to index
      %get3A_470 = tpu.vector_load %arg4[%get3A_469] {strides = array<i32>} : memref<8192xf32, #tpu.memory_space<vmem>>, vector<16xf32>,
      %get3A_471 = vector.shape_cast %get3A_470 : vector<16xf32> to vector<16xf32>
      %broadcast_in_dim3A_472 = arith.constant 29 : i32
      %broadcast_in_dim3A_473 = vector.broadcast %broadcast_in_dim3A_472 : i32 to vector<16xi32>
      %gt3A_474 = arith.cmpf ogt, %get3A_471, %max3A_466 : vector<16xf32>
      %gt3A_475 = arith.cmpf ogt, %get3A_471, %max3A_465 : vector<16xf32>
      %select_n3A_476 = arith.select %gt3A_475, %broadcast_in_dim3A_473, %select_n3A_461 : vector<16xi1>, vector<16xi32>
      %select_n3A_477 = arith.select %gt3A_474, %select_n3A_463, %select_n3A_476 : vector<16xi1>, vector<16xi32>
      %gt3A_478 = arith.cmpf ogt, %get3A_471, %max3A_466 : vector<16xf32>
      %select_n3A_479 = arith.select %gt3A_478, %broadcast_in_dim3A_473, %select_n3A_463 : vector<16xi1>, vector<16xi32>
      %min3A_480 = arith.minimumf %max3A_466, %get3A_471 : vector<16xf32>
      %max3A_481 = arith.maximumf %max3A_465, %min3A_480 : vector<16xf32>
      %max3A_482 = arith.maximumf %max3A_466, %get3A_471 : vector<16xf32>
      %add3A_483 = arith.constant 3840 : i32
      %add3A_484 = arith.addi %add3A_483, %mul3A_4 : i32
      %get3A_485 = arith.index_cast %add3A_484 : i32 to index
      %get3A_486 = tpu.vector_load %arg4[%get3A_485] {strides = array<i32>} : memref<8192xf32, #tpu.memory_space<vmem>>, vector<16xf32>,
      %get3A_487 = vector.shape_cast %get3A_486 : vector<16xf32> to vector<16xf32>
      %broadcast_in_dim3A_488 = arith.constant 30 : i32
      %broadcast_in_dim3A_489 = vector.broadcast %broadcast_in_dim3A_488 : i32 to vector<16xi32>
      %gt3A_490 = arith.cmpf ogt, %get3A_487, %max3A_482 : vector<16xf32>
      %gt3A_491 = arith.cmpf ogt, %get3A_487, %max3A_481 : vector<16xf32>
      %select_n3A_492 = arith.select %gt3A_491, %broadcast_in_dim3A_489, %select_n3A_477 : vector<16xi1>, vector<16xi32>
      %select_n3A_493 = arith.select %gt3A_490, %select_n3A_479, %select_n3A_492 : vector<16xi1>, vector<16xi32>
      %gt3A_494 = arith.cmpf ogt, %get3A_487, %max3A_482 : vector<16xf32>
      %select_n3A_495 = arith.select %gt3A_494, %broadcast_in_dim3A_489, %select_n3A_479 : vector<16xi1>, vector<16xi32>
      %min3A_496 = arith.minimumf %max3A_482, %get3A_487 : vector<16xf32>
      %max3A_497 = arith.maximumf %max3A_481, %min3A_496 : vector<16xf32>
      %max3A_498 = arith.maximumf %max3A_482, %get3A_487 : vector<16xf32>
      %add3A_499 = arith.constant 3968 : i32
      %add3A_500 = arith.addi %add3A_499, %mul3A_4 : i32
      %get3A_501 = arith.index_cast %add3A_500 : i32 to index
      %get3A_502 = tpu.vector_load %arg4[%get3A_501] {strides = array<i32>} : memref<8192xf32, #tpu.memory_space<vmem>>, vector<16xf32>,
      %get3A_503 = vector.shape_cast %get3A_502 : vector<16xf32> to vector<16xf32>
      %broadcast_in_dim3A_504 = arith.constant 31 : i32
      %broadcast_in_dim3A_505 = vector.broadcast %broadcast_in_dim3A_504 : i32 to vector<16xi32>
      %gt3A_506 = arith.cmpf ogt, %get3A_503, %max3A_498 : vector<16xf32>
      %gt3A_507 = arith.cmpf ogt, %get3A_503, %max3A_497 : vector<16xf32>
      %select_n3A_508 = arith.select %gt3A_507, %broadcast_in_dim3A_505, %select_n3A_493 : vector<16xi1>, vector<16xi32>
      %select_n3A_509 = arith.select %gt3A_506, %select_n3A_495, %select_n3A_508 : vector<16xi1>, vector<16xi32>
      %gt3A_510 = arith.cmpf ogt, %get3A_503, %max3A_498 : vector<16xf32>
      %select_n3A_511 = arith.select %gt3A_510, %broadcast_in_dim3A_505, %select_n3A_495 : vector<16xi1>, vector<16xi32>
      %min3A_512 = arith.minimumf %max3A_498, %get3A_503 : vector<16xf32>
      %max3A_513 = arith.maximumf %max3A_497, %min3A_512 : vector<16xf32>
      %max3A_514 = arith.maximumf %max3A_498, %get3A_503 : vector<16xf32>
      %add3A_515 = arith.constant 4096 : i32
      %add3A_516 = arith.addi %add3A_515, %mul3A_4 : i32
      %get3A_517 = arith.index_cast %add3A_516 : i32 to index
      %get3A_518 = tpu.vector_load %arg4[%get3A_517] {strides = array<i32>} : memref<8192xf32, #tpu.memory_space<vmem>>, vector<16xf32>,
      %get3A_519 = vector.shape_cast %get3A_518 : vector<16xf32> to vector<16xf32>
      %broadcast_in_dim3A_520 = arith.constant 32 : i32
      %broadcast_in_dim3A_521 = vector.broadcast %broadcast_in_dim3A_520 : i32 to vector<16xi32>
      %gt3A_522 = arith.cmpf ogt, %get3A_519, %max3A_514 : vector<16xf32>
      %gt3A_523 = arith.cmpf ogt, %get3A_519, %max3A_513 : vector<16xf32>
      %select_n3A_524 = arith.select %gt3A_523, %broadcast_in_dim3A_521, %select_n3A_509 : vector<16xi1>, vector<16xi32>
      %select_n3A_525 = arith.select %gt3A_522, %select_n3A_511, %select_n3A_524 : vector<16xi1>, vector<16xi32>
      %gt3A_526 = arith.cmpf ogt, %get3A_519, %max3A_514 : vector<16xf32>
      %select_n3A_527 = arith.select %gt3A_526, %broadcast_in_dim3A_521, %select_n3A_511 : vector<16xi1>, vector<16xi32>
      %min3A_528 = arith.minimumf %max3A_514, %get3A_519 : vector<16xf32>
      %max3A_529 = arith.maximumf %max3A_513, %min3A_528 : vector<16xf32>
      %max3A_530 = arith.maximumf %max3A_514, %get3A_519 : vector<16xf32>
      %add3A_531 = arith.constant 4224 : i32
      %add3A_532 = arith.addi %add3A_531, %mul3A_4 : i32
      %get3A_533 = arith.index_cast %add3A_532 : i32 to index
      %get3A_534 = tpu.vector_load %arg4[%get3A_533] {strides = array<i32>} : memref<8192xf32, #tpu.memory_space<vmem>>, vector<16xf32>,
      %get3A_535 = vector.shape_cast %get3A_534 : vector<16xf32> to vector<16xf32>
      %broadcast_in_dim3A_536 = arith.constant 33 : i32
      %broadcast_in_dim3A_537 = vector.broadcast %broadcast_in_dim3A_536 : i32 to vector<16xi32>
      %gt3A_538 = arith.cmpf ogt, %get3A_535, %max3A_530 : vector<16xf32>
      %gt3A_539 = arith.cmpf ogt, %get3A_535, %max3A_529 : vector<16xf32>
      %select_n3A_540 = arith.select %gt3A_539, %broadcast_in_dim3A_537, %select_n3A_525 : vector<16xi1>, vector<16xi32>
      %select_n3A_541 = arith.select %gt3A_538, %select_n3A_527, %select_n3A_540 : vector<16xi1>, vector<16xi32>
      %gt3A_542 = arith.cmpf ogt, %get3A_535, %max3A_530 : vector<16xf32>
      %select_n3A_543 = arith.select %gt3A_542, %broadcast_in_dim3A_537, %select_n3A_527 : vector<16xi1>, vector<16xi32>
      %min3A_544 = arith.minimumf %max3A_530, %get3A_535 : vector<16xf32>
      %max3A_545 = arith.maximumf %max3A_529, %min3A_544 : vector<16xf32>
      %max3A_546 = arith.maximumf %max3A_530, %get3A_535 : vector<16xf32>
      %add3A_547 = arith.constant 4352 : i32
      %add3A_548 = arith.addi %add3A_547, %mul3A_4 : i32
      %get3A_549 = arith.index_cast %add3A_548 : i32 to index
      %get3A_550 = tpu.vector_load %arg4[%get3A_549] {strides = array<i32>} : memref<8192xf32, #tpu.memory_space<vmem>>, vector<16xf32>,
      %get3A_551 = vector.shape_cast %get3A_550 : vector<16xf32> to vector<16xf32>
      %broadcast_in_dim3A_552 = arith.constant 34 : i32
      %broadcast_in_dim3A_553 = vector.broadcast %broadcast_in_dim3A_552 : i32 to vector<16xi32>
      %gt3A_554 = arith.cmpf ogt, %get3A_551, %max3A_546 : vector<16xf32>
      %gt3A_555 = arith.cmpf ogt, %get3A_551, %max3A_545 : vector<16xf32>
      %select_n3A_556 = arith.select %gt3A_555, %broadcast_in_dim3A_553, %select_n3A_541 : vector<16xi1>, vector<16xi32>
      %select_n3A_557 = arith.select %gt3A_554, %select_n3A_543, %select_n3A_556 : vector<16xi1>, vector<16xi32>
      %gt3A_558 = arith.cmpf ogt, %get3A_551, %max3A_546 : vector<16xf32>
      %select_n3A_559 = arith.select %gt3A_558, %broadcast_in_dim3A_553, %select_n3A_543 : vector<16xi1>, vector<16xi32>
      %min3A_560 = arith.minimumf %max3A_546, %get3A_551 : vector<16xf32>
      %max3A_561 = arith.maximumf %max3A_545, %min3A_560 : vector<16xf32>
      %max3A_562 = arith.maximumf %max3A_546, %get3A_551 : vector<16xf32>
      %add3A_563 = arith.constant 4480 : i32
      %add3A_564 = arith.addi %add3A_563, %mul3A_4 : i32
      %get3A_565 = arith.index_cast %add3A_564 : i32 to index
      %get3A_566 = tpu.vector_load %arg4[%get3A_565] {strides = array<i32>} : memref<8192xf32, #tpu.memory_space<vmem>>, vector<16xf32>,
      %get3A_567 = vector.shape_cast %get3A_566 : vector<16xf32> to vector<16xf32>
      %broadcast_in_dim3A_568 = arith.constant 35 : i32
      %broadcast_in_dim3A_569 = vector.broadcast %broadcast_in_dim3A_568 : i32 to vector<16xi32>
      %gt3A_570 = arith.cmpf ogt, %get3A_567, %max3A_562 : vector<16xf32>
      %gt3A_571 = arith.cmpf ogt, %get3A_567, %max3A_561 : vector<16xf32>
      %select_n3A_572 = arith.select %gt3A_571, %broadcast_in_dim3A_569, %select_n3A_557 : vector<16xi1>, vector<16xi32>
      %select_n3A_573 = arith.select %gt3A_570, %select_n3A_559, %select_n3A_572 : vector<16xi1>, vector<16xi32>
      %gt3A_574 = arith.cmpf ogt, %get3A_567, %max3A_562 : vector<16xf32>
      %select_n3A_575 = arith.select %gt3A_574, %broadcast_in_dim3A_569, %select_n3A_559 : vector<16xi1>, vector<16xi32>
      %min3A_576 = arith.minimumf %max3A_562, %get3A_567 : vector<16xf32>
      %max3A_577 = arith.maximumf %max3A_561, %min3A_576 : vector<16xf32>
      %max3A_578 = arith.maximumf %max3A_562, %get3A_567 : vector<16xf32>
      %add3A_579 = arith.constant 4608 : i32
      %add3A_580 = arith.addi %add3A_579, %mul3A_4 : i32
      %get3A_581 = arith.index_cast %add3A_580 : i32 to index
      %get3A_582 = tpu.vector_load %arg4[%get3A_581] {strides = array<i32>} : memref<8192xf32, #tpu.memory_space<vmem>>, vector<16xf32>,
      %get3A_583 = vector.shape_cast %get3A_582 : vector<16xf32> to vector<16xf32>
      %broadcast_in_dim3A_584 = arith.constant 36 : i32
      %broadcast_in_dim3A_585 = vector.broadcast %broadcast_in_dim3A_584 : i32 to vector<16xi32>
      %gt3A_586 = arith.cmpf ogt, %get3A_583, %max3A_578 : vector<16xf32>
      %gt3A_587 = arith.cmpf ogt, %get3A_583, %max3A_577 : vector<16xf32>
      %select_n3A_588 = arith.select %gt3A_587, %broadcast_in_dim3A_585, %select_n3A_573 : vector<16xi1>, vector<16xi32>
      %select_n3A_589 = arith.select %gt3A_586, %select_n3A_575, %select_n3A_588 : vector<16xi1>, vector<16xi32>
      %gt3A_590 = arith.cmpf ogt, %get3A_583, %max3A_578 : vector<16xf32>
      %select_n3A_591 = arith.select %gt3A_590, %broadcast_in_dim3A_585, %select_n3A_575 : vector<16xi1>, vector<16xi32>
      %min3A_592 = arith.minimumf %max3A_578, %get3A_583 : vector<16xf32>
      %max3A_593 = arith.maximumf %max3A_577, %min3A_592 : vector<16xf32>
      %max3A_594 = arith.maximumf %max3A_578, %get3A_583 : vector<16xf32>
      %add3A_595 = arith.constant 4736 : i32
      %add3A_596 = arith.addi %add3A_595, %mul3A_4 : i32
      %get3A_597 = arith.index_cast %add3A_596 : i32 to index
      %get3A_598 = tpu.vector_load %arg4[%get3A_597] {strides = array<i32>} : memref<8192xf32, #tpu.memory_space<vmem>>, vector<16xf32>,
      %get3A_599 = vector.shape_cast %get3A_598 : vector<16xf32> to vector<16xf32>
      %broadcast_in_dim3A_600 = arith.constant 37 : i32
      %broadcast_in_dim3A_601 = vector.broadcast %broadcast_in_dim3A_600 : i32 to vector<16xi32>
      %gt3A_602 = arith.cmpf ogt, %get3A_599, %max3A_594 : vector<16xf32>
      %gt3A_603 = arith.cmpf ogt, %get3A_599, %max3A_593 : vector<16xf32>
      %select_n3A_604 = arith.select %gt3A_603, %broadcast_in_dim3A_601, %select_n3A_589 : vector<16xi1>, vector<16xi32>
      %select_n3A_605 = arith.select %gt3A_602, %select_n3A_591, %select_n3A_604 : vector<16xi1>, vector<16xi32>
      %gt3A_606 = arith.cmpf ogt, %get3A_599, %max3A_594 : vector<16xf32>
      %select_n3A_607 = arith.select %gt3A_606, %broadcast_in_dim3A_601, %select_n3A_591 : vector<16xi1>, vector<16xi32>
      %min3A_608 = arith.minimumf %max3A_594, %get3A_599 : vector<16xf32>
      %max3A_609 = arith.maximumf %max3A_593, %min3A_608 : vector<16xf32>
      %max3A_610 = arith.maximumf %max3A_594, %get3A_599 : vector<16xf32>
      %add3A_611 = arith.constant 4864 : i32
      %add3A_612 = arith.addi %add3A_611, %mul3A_4 : i32
      %get3A_613 = arith.index_cast %add3A_612 : i32 to index
      %get3A_614 = tpu.vector_load %arg4[%get3A_613] {strides = array<i32>} : memref<8192xf32, #tpu.memory_space<vmem>>, vector<16xf32>,
      %get3A_615 = vector.shape_cast %get3A_614 : vector<16xf32> to vector<16xf32>
      %broadcast_in_dim3A_616 = arith.constant 38 : i32
      %broadcast_in_dim3A_617 = vector.broadcast %broadcast_in_dim3A_616 : i32 to vector<16xi32>
      %gt3A_618 = arith.cmpf ogt, %get3A_615, %max3A_610 : vector<16xf32>
      %gt3A_619 = arith.cmpf ogt, %get3A_615, %max3A_609 : vector<16xf32>
      %select_n3A_620 = arith.select %gt3A_619, %broadcast_in_dim3A_617, %select_n3A_605 : vector<16xi1>, vector<16xi32>
      %select_n3A_621 = arith.select %gt3A_618, %select_n3A_607, %select_n3A_620 : vector<16xi1>, vector<16xi32>
      %gt3A_622 = arith.cmpf ogt, %get3A_615, %max3A_610 : vector<16xf32>
      %select_n3A_623 = arith.select %gt3A_622, %broadcast_in_dim3A_617, %select_n3A_607 : vector<16xi1>, vector<16xi32>
      %min3A_624 = arith.minimumf %max3A_610, %get3A_615 : vector<16xf32>
      %max3A_625 = arith.maximumf %max3A_609, %min3A_624 : vector<16xf32>
      %max3A_626 = arith.maximumf %max3A_610, %get3A_615 : vector<16xf32>
      %add3A_627 = arith.constant 4992 : i32
      %add3A_628 = arith.addi %add3A_627, %mul3A_4 : i32
      %get3A_629 = arith.index_cast %add3A_628 : i32 to index
      %get3A_630 = tpu.vector_load %arg4[%get3A_629] {strides = array<i32>} : memref<8192xf32, #tpu.memory_space<vmem>>, vector<16xf32>,
      %get3A_631 = vector.shape_cast %get3A_630 : vector<16xf32> to vector<16xf32>
      %broadcast_in_dim3A_632 = arith.constant 39 : i32
      %broadcast_in_dim3A_633 = vector.broadcast %broadcast_in_dim3A_632 : i32 to vector<16xi32>
      %gt3A_634 = arith.cmpf ogt, %get3A_631, %max3A_626 : vector<16xf32>
      %gt3A_635 = arith.cmpf ogt, %get3A_631, %max3A_625 : vector<16xf32>
      %select_n3A_636 = arith.select %gt3A_635, %broadcast_in_dim3A_633, %select_n3A_621 : vector<16xi1>, vector<16xi32>
      %select_n3A_637 = arith.select %gt3A_634, %select_n3A_623, %select_n3A_636 : vector<16xi1>, vector<16xi32>
      %gt3A_638 = arith.cmpf ogt, %get3A_631, %max3A_626 : vector<16xf32>
      %select_n3A_639 = arith.select %gt3A_638, %broadcast_in_dim3A_633, %select_n3A_623 : vector<16xi1>, vector<16xi32>
      %min3A_640 = arith.minimumf %max3A_626, %get3A_631 : vector<16xf32>
      %max3A_641 = arith.maximumf %max3A_625, %min3A_640 : vector<16xf32>
      %max3A_642 = arith.maximumf %max3A_626, %get3A_631 : vector<16xf32>
      %add3A_643 = arith.constant 5120 : i32
      %add3A_644 = arith.addi %add3A_643, %mul3A_4 : i32
      %get3A_645 = arith.index_cast %add3A_644 : i32 to index
      %get3A_646 = tpu.vector_load %arg4[%get3A_645] {strides = array<i32>} : memref<8192xf32, #tpu.memory_space<vmem>>, vector<16xf32>,
      %get3A_647 = vector.shape_cast %get3A_646 : vector<16xf32> to vector<16xf32>
      %broadcast_in_dim3A_648 = arith.constant 40 : i32
      %broadcast_in_dim3A_649 = vector.broadcast %broadcast_in_dim3A_648 : i32 to vector<16xi32>
      %gt3A_650 = arith.cmpf ogt, %get3A_647, %max3A_642 : vector<16xf32>
      %gt3A_651 = arith.cmpf ogt, %get3A_647, %max3A_641 : vector<16xf32>
      %select_n3A_652 = arith.select %gt3A_651, %broadcast_in_dim3A_649, %select_n3A_637 : vector<16xi1>, vector<16xi32>
      %select_n3A_653 = arith.select %gt3A_650, %select_n3A_639, %select_n3A_652 : vector<16xi1>, vector<16xi32>
      %gt3A_654 = arith.cmpf ogt, %get3A_647, %max3A_642 : vector<16xf32>
      %select_n3A_655 = arith.select %gt3A_654, %broadcast_in_dim3A_649, %select_n3A_639 : vector<16xi1>, vector<16xi32>
      %min3A_656 = arith.minimumf %max3A_642, %get3A_647 : vector<16xf32>
      %max3A_657 = arith.maximumf %max3A_641, %min3A_656 : vector<16xf32>
      %max3A_658 = arith.maximumf %max3A_642, %get3A_647 : vector<16xf32>
      %add3A_659 = arith.constant 5248 : i32
      %add3A_660 = arith.addi %add3A_659, %mul3A_4 : i32
      %get3A_661 = arith.index_cast %add3A_660 : i32 to index
      %get3A_662 = tpu.vector_load %arg4[%get3A_661] {strides = array<i32>} : memref<8192xf32, #tpu.memory_space<vmem>>, vector<16xf32>,
      %get3A_663 = vector.shape_cast %get3A_662 : vector<16xf32> to vector<16xf32>
      %broadcast_in_dim3A_664 = arith.constant 41 : i32
      %broadcast_in_dim3A_665 = vector.broadcast %broadcast_in_dim3A_664 : i32 to vector<16xi32>
      %gt3A_666 = arith.cmpf ogt, %get3A_663, %max3A_658 : vector<16xf32>
      %gt3A_667 = arith.cmpf ogt, %get3A_663, %max3A_657 : vector<16xf32>
      %select_n3A_668 = arith.select %gt3A_667, %broadcast_in_dim3A_665, %select_n3A_653 : vector<16xi1>, vector<16xi32>
      %select_n3A_669 = arith.select %gt3A_666, %select_n3A_655, %select_n3A_668 : vector<16xi1>, vector<16xi32>
      %gt3A_670 = arith.cmpf ogt, %get3A_663, %max3A_658 : vector<16xf32>
      %select_n3A_671 = arith.select %gt3A_670, %broadcast_in_dim3A_665, %select_n3A_655 : vector<16xi1>, vector<16xi32>
      %min3A_672 = arith.minimumf %max3A_658, %get3A_663 : vector<16xf32>
      %max3A_673 = arith.maximumf %max3A_657, %min3A_672 : vector<16xf32>
      %max3A_674 = arith.maximumf %max3A_658, %get3A_663 : vector<16xf32>
      %add3A_675 = arith.constant 5376 : i32
      %add3A_676 = arith.addi %add3A_675, %mul3A_4 : i32
      %get3A_677 = arith.index_cast %add3A_676 : i32 to index
      %get3A_678 = tpu.vector_load %arg4[%get3A_677] {strides = array<i32>} : memref<8192xf32, #tpu.memory_space<vmem>>, vector<16xf32>,
      %get3A_679 = vector.shape_cast %get3A_678 : vector<16xf32> to vector<16xf32>
      %broadcast_in_dim3A_680 = arith.constant 42 : i32
      %broadcast_in_dim3A_681 = vector.broadcast %broadcast_in_dim3A_680 : i32 to vector<16xi32>
      %gt3A_682 = arith.cmpf ogt, %get3A_679, %max3A_674 : vector<16xf32>
      %gt3A_683 = arith.cmpf ogt, %get3A_679, %max3A_673 : vector<16xf32>
      %select_n3A_684 = arith.select %gt3A_683, %broadcast_in_dim3A_681, %select_n3A_669 : vector<16xi1>, vector<16xi32>
      %select_n3A_685 = arith.select %gt3A_682, %select_n3A_671, %select_n3A_684 : vector<16xi1>, vector<16xi32>
      %gt3A_686 = arith.cmpf ogt, %get3A_679, %max3A_674 : vector<16xf32>
      %select_n3A_687 = arith.select %gt3A_686, %broadcast_in_dim3A_681, %select_n3A_671 : vector<16xi1>, vector<16xi32>
      %min3A_688 = arith.minimumf %max3A_674, %get3A_679 : vector<16xf32>
      %max3A_689 = arith.maximumf %max3A_673, %min3A_688 : vector<16xf32>
      %max3A_690 = arith.maximumf %max3A_674, %get3A_679 : vector<16xf32>
      %add3A_691 = arith.constant 5504 : i32
      %add3A_692 = arith.addi %add3A_691, %mul3A_4 : i32
      %get3A_693 = arith.index_cast %add3A_692 : i32 to index
      %get3A_694 = tpu.vector_load %arg4[%get3A_693] {strides = array<i32>} : memref<8192xf32, #tpu.memory_space<vmem>>, vector<16xf32>,
      %get3A_695 = vector.shape_cast %get3A_694 : vector<16xf32> to vector<16xf32>
      %broadcast_in_dim3A_696 = arith.constant 43 : i32
      %broadcast_in_dim3A_697 = vector.broadcast %broadcast_in_dim3A_696 : i32 to vector<16xi32>
      %gt3A_698 = arith.cmpf ogt, %get3A_695, %max3A_690 : vector<16xf32>
      %gt3A_699 = arith.cmpf ogt, %get3A_695, %max3A_689 : vector<16xf32>
      %select_n3A_700 = arith.select %gt3A_699, %broadcast_in_dim3A_697, %select_n3A_685 : vector<16xi1>, vector<16xi32>
      %select_n3A_701 = arith.select %gt3A_698, %select_n3A_687, %select_n3A_700 : vector<16xi1>, vector<16xi32>
      %gt3A_702 = arith.cmpf ogt, %get3A_695, %max3A_690 : vector<16xf32>
      %select_n3A_703 = arith.select %gt3A_702, %broadcast_in_dim3A_697, %select_n3A_687 : vector<16xi1>, vector<16xi32>
      %min3A_704 = arith.minimumf %max3A_690, %get3A_695 : vector<16xf32>
      %max3A_705 = arith.maximumf %max3A_689, %min3A_704 : vector<16xf32>
      %max3A_706 = arith.maximumf %max3A_690, %get3A_695 : vector<16xf32>
      %add3A_707 = arith.constant 5632 : i32
      %add3A_708 = arith.addi %add3A_707, %mul3A_4 : i32
      %get3A_709 = arith.index_cast %add3A_708 : i32 to index
      %get3A_710 = tpu.vector_load %arg4[%get3A_709] {strides = array<i32>} : memref<8192xf32, #tpu.memory_space<vmem>>, vector<16xf32>,
      %get3A_711 = vector.shape_cast %get3A_710 : vector<16xf32> to vector<16xf32>
      %broadcast_in_dim3A_712 = arith.constant 44 : i32
      %broadcast_in_dim3A_713 = vector.broadcast %broadcast_in_dim3A_712 : i32 to vector<16xi32>
      %gt3A_714 = arith.cmpf ogt, %get3A_711, %max3A_706 : vector<16xf32>
      %gt3A_715 = arith.cmpf ogt, %get3A_711, %max3A_705 : vector<16xf32>
      %select_n3A_716 = arith.select %gt3A_715, %broadcast_in_dim3A_713, %select_n3A_701 : vector<16xi1>, vector<16xi32>
      %select_n3A_717 = arith.select %gt3A_714, %select_n3A_703, %select_n3A_716 : vector<16xi1>, vector<16xi32>
      %gt3A_718 = arith.cmpf ogt, %get3A_711, %max3A_706 : vector<16xf32>
      %select_n3A_719 = arith.select %gt3A_718, %broadcast_in_dim3A_713, %select_n3A_703 : vector<16xi1>, vector<16xi32>
      %min3A_720 = arith.minimumf %max3A_706, %get3A_711 : vector<16xf32>
      %max3A_721 = arith.maximumf %max3A_705, %min3A_720 : vector<16xf32>
      %max3A_722 = arith.maximumf %max3A_706, %get3A_711 : vector<16xf32>
      %add3A_723 = arith.constant 5760 : i32
      %add3A_724 = arith.addi %add3A_723, %mul3A_4 : i32
      %get3A_725 = arith.index_cast %add3A_724 : i32 to index
      %get3A_726 = tpu.vector_load %arg4[%get3A_725] {strides = array<i32>} : memref<8192xf32, #tpu.memory_space<vmem>>, vector<16xf32>,
      %get3A_727 = vector.shape_cast %get3A_726 : vector<16xf32> to vector<16xf32>
      %broadcast_in_dim3A_728 = arith.constant 45 : i32
      %broadcast_in_dim3A_729 = vector.broadcast %broadcast_in_dim3A_728 : i32 to vector<16xi32>
      %gt3A_730 = arith.cmpf ogt, %get3A_727, %max3A_722 : vector<16xf32>
      %gt3A_731 = arith.cmpf ogt, %get3A_727, %max3A_721 : vector<16xf32>
      %select_n3A_732 = arith.select %gt3A_731, %broadcast_in_dim3A_729, %select_n3A_717 : vector<16xi1>, vector<16xi32>
      %select_n3A_733 = arith.select %gt3A_730, %select_n3A_719, %select_n3A_732 : vector<16xi1>, vector<16xi32>
      %gt3A_734 = arith.cmpf ogt, %get3A_727, %max3A_722 : vector<16xf32>
      %select_n3A_735 = arith.select %gt3A_734, %broadcast_in_dim3A_729, %select_n3A_719 : vector<16xi1>, vector<16xi32>
      %min3A_736 = arith.minimumf %max3A_722, %get3A_727 : vector<16xf32>
      %max3A_737 = arith.maximumf %max3A_721, %min3A_736 : vector<16xf32>
      %max3A_738 = arith.maximumf %max3A_722, %get3A_727 : vector<16xf32>
      %add3A_739 = arith.constant 5888 : i32
      %add3A_740 = arith.addi %add3A_739, %mul3A_4 : i32
      %get3A_741 = arith.index_cast %add3A_740 : i32 to index
      %get3A_742 = tpu.vector_load %arg4[%get3A_741] {strides = array<i32>} : memref<8192xf32, #tpu.memory_space<vmem>>, vector<16xf32>,
      %get3A_743 = vector.shape_cast %get3A_742 : vector<16xf32> to vector<16xf32>
      %broadcast_in_dim3A_744 = arith.constant 46 : i32
      %broadcast_in_dim3A_745 = vector.broadcast %broadcast_in_dim3A_744 : i32 to vector<16xi32>
      %gt3A_746 = arith.cmpf ogt, %get3A_743, %max3A_738 : vector<16xf32>
      %gt3A_747 = arith.cmpf ogt, %get3A_743, %max3A_737 : vector<16xf32>
      %select_n3A_748 = arith.select %gt3A_747, %broadcast_in_dim3A_745, %select_n3A_733 : vector<16xi1>, vector<16xi32>
      %select_n3A_749 = arith.select %gt3A_746, %select_n3A_735, %select_n3A_748 : vector<16xi1>, vector<16xi32>
      %gt3A_750 = arith.cmpf ogt, %get3A_743, %max3A_738 : vector<16xf32>
      %select_n3A_751 = arith.select %gt3A_750, %broadcast_in_dim3A_745, %select_n3A_735 : vector<16xi1>, vector<16xi32>
      %min3A_752 = arith.minimumf %max3A_738, %get3A_743 : vector<16xf32>
      %max3A_753 = arith.maximumf %max3A_737, %min3A_752 : vector<16xf32>
      %max3A_754 = arith.maximumf %max3A_738, %get3A_743 : vector<16xf32>
      %add3A_755 = arith.constant 6016 : i32
      %add3A_756 = arith.addi %add3A_755, %mul3A_4 : i32
      %get3A_757 = arith.index_cast %add3A_756 : i32 to index
      %get3A_758 = tpu.vector_load %arg4[%get3A_757] {strides = array<i32>} : memref<8192xf32, #tpu.memory_space<vmem>>, vector<16xf32>,
      %get3A_759 = vector.shape_cast %get3A_758 : vector<16xf32> to vector<16xf32>
      %broadcast_in_dim3A_760 = arith.constant 47 : i32
      %broadcast_in_dim3A_761 = vector.broadcast %broadcast_in_dim3A_760 : i32 to vector<16xi32>
      %gt3A_762 = arith.cmpf ogt, %get3A_759, %max3A_754 : vector<16xf32>
      %gt3A_763 = arith.cmpf ogt, %get3A_759, %max3A_753 : vector<16xf32>
      %select_n3A_764 = arith.select %gt3A_763, %broadcast_in_dim3A_761, %select_n3A_749 : vector<16xi1>, vector<16xi32>
      %select_n3A_765 = arith.select %gt3A_762, %select_n3A_751, %select_n3A_764 : vector<16xi1>, vector<16xi32>
      %gt3A_766 = arith.cmpf ogt, %get3A_759, %max3A_754 : vector<16xf32>
      %select_n3A_767 = arith.select %gt3A_766, %broadcast_in_dim3A_761, %select_n3A_751 : vector<16xi1>, vector<16xi32>
      %min3A_768 = arith.minimumf %max3A_754, %get3A_759 : vector<16xf32>
      %max3A_769 = arith.maximumf %max3A_753, %min3A_768 : vector<16xf32>
      %max3A_770 = arith.maximumf %max3A_754, %get3A_759 : vector<16xf32>
      %add3A_771 = arith.constant 6144 : i32
      %add3A_772 = arith.addi %add3A_771, %mul3A_4 : i32
      %get3A_773 = arith.index_cast %add3A_772 : i32 to index
      %get3A_774 = tpu.vector_load %arg4[%get3A_773] {strides = array<i32>} : memref<8192xf32, #tpu.memory_space<vmem>>, vector<16xf32>,
      %get3A_775 = vector.shape_cast %get3A_774 : vector<16xf32> to vector<16xf32>
      %broadcast_in_dim3A_776 = arith.constant 48 : i32
      %broadcast_in_dim3A_777 = vector.broadcast %broadcast_in_dim3A_776 : i32 to vector<16xi32>
      %gt3A_778 = arith.cmpf ogt, %get3A_775, %max3A_770 : vector<16xf32>
      %gt3A_779 = arith.cmpf ogt, %get3A_775, %max3A_769 : vector<16xf32>
      %select_n3A_780 = arith.select %gt3A_779, %broadcast_in_dim3A_777, %select_n3A_765 : vector<16xi1>, vector<16xi32>
      %select_n3A_781 = arith.select %gt3A_778, %select_n3A_767, %select_n3A_780 : vector<16xi1>, vector<16xi32>
      %gt3A_782 = arith.cmpf ogt, %get3A_775, %max3A_770 : vector<16xf32>
      %select_n3A_783 = arith.select %gt3A_782, %broadcast_in_dim3A_777, %select_n3A_767 : vector<16xi1>, vector<16xi32>
      %min3A_784 = arith.minimumf %max3A_770, %get3A_775 : vector<16xf32>
      %max3A_785 = arith.maximumf %max3A_769, %min3A_784 : vector<16xf32>
      %max3A_786 = arith.maximumf %max3A_770, %get3A_775 : vector<16xf32>
      %add3A_787 = arith.constant 6272 : i32
      %add3A_788 = arith.addi %add3A_787, %mul3A_4 : i32
      %get3A_789 = arith.index_cast %add3A_788 : i32 to index
      %get3A_790 = tpu.vector_load %arg4[%get3A_789] {strides = array<i32>} : memref<8192xf32, #tpu.memory_space<vmem>>, vector<16xf32>,
      %get3A_791 = vector.shape_cast %get3A_790 : vector<16xf32> to vector<16xf32>
      %broadcast_in_dim3A_792 = arith.constant 49 : i32
      %broadcast_in_dim3A_793 = vector.broadcast %broadcast_in_dim3A_792 : i32 to vector<16xi32>
      %gt3A_794 = arith.cmpf ogt, %get3A_791, %max3A_786 : vector<16xf32>
      %gt3A_795 = arith.cmpf ogt, %get3A_791, %max3A_785 : vector<16xf32>
      %select_n3A_796 = arith.select %gt3A_795, %broadcast_in_dim3A_793, %select_n3A_781 : vector<16xi1>, vector<16xi32>
      %select_n3A_797 = arith.select %gt3A_794, %select_n3A_783, %select_n3A_796 : vector<16xi1>, vector<16xi32>
      %gt3A_798 = arith.cmpf ogt, %get3A_791, %max3A_786 : vector<16xf32>
      %select_n3A_799 = arith.select %gt3A_798, %broadcast_in_dim3A_793, %select_n3A_783 : vector<16xi1>, vector<16xi32>
      %min3A_800 = arith.minimumf %max3A_786, %get3A_791 : vector<16xf32>
      %max3A_801 = arith.maximumf %max3A_785, %min3A_800 : vector<16xf32>
      %max3A_802 = arith.maximumf %max3A_786, %get3A_791 : vector<16xf32>
      %add3A_803 = arith.constant 6400 : i32
      %add3A_804 = arith.addi %add3A_803, %mul3A_4 : i32
      %get3A_805 = arith.index_cast %add3A_804 : i32 to index
      %get3A_806 = tpu.vector_load %arg4[%get3A_805] {strides = array<i32>} : memref<8192xf32, #tpu.memory_space<vmem>>, vector<16xf32>,
      %get3A_807 = vector.shape_cast %get3A_806 : vector<16xf32> to vector<16xf32>
      %broadcast_in_dim3A_808 = arith.constant 50 : i32
      %broadcast_in_dim3A_809 = vector.broadcast %broadcast_in_dim3A_808 : i32 to vector<16xi32>
      %gt3A_810 = arith.cmpf ogt, %get3A_807, %max3A_802 : vector<16xf32>
      %gt3A_811 = arith.cmpf ogt, %get3A_807, %max3A_801 : vector<16xf32>
      %select_n3A_812 = arith.select %gt3A_811, %broadcast_in_dim3A_809, %select_n3A_797 : vector<16xi1>, vector<16xi32>
      %select_n3A_813 = arith.select %gt3A_810, %select_n3A_799, %select_n3A_812 : vector<16xi1>, vector<16xi32>
      %gt3A_814 = arith.cmpf ogt, %get3A_807, %max3A_802 : vector<16xf32>
      %select_n3A_815 = arith.select %gt3A_814, %broadcast_in_dim3A_809, %select_n3A_799 : vector<16xi1>, vector<16xi32>
      %min3A_816 = arith.minimumf %max3A_802, %get3A_807 : vector<16xf32>
      %max3A_817 = arith.maximumf %max3A_801, %min3A_816 : vector<16xf32>
      %max3A_818 = arith.maximumf %max3A_802, %get3A_807 : vector<16xf32>
      %add3A_819 = arith.constant 6528 : i32
      %add3A_820 = arith.addi %add3A_819, %mul3A_4 : i32
      %get3A_821 = arith.index_cast %add3A_820 : i32 to index
      %get3A_822 = tpu.vector_load %arg4[%get3A_821] {strides = array<i32>} : memref<8192xf32, #tpu.memory_space<vmem>>, vector<16xf32>,
      %get3A_823 = vector.shape_cast %get3A_822 : vector<16xf32> to vector<16xf32>
      %broadcast_in_dim3A_824 = arith.constant 51 : i32
      %broadcast_in_dim3A_825 = vector.broadcast %broadcast_in_dim3A_824 : i32 to vector<16xi32>
      %gt3A_826 = arith.cmpf ogt, %get3A_823, %max3A_818 : vector<16xf32>
      %gt3A_827 = arith.cmpf ogt, %get3A_823, %max3A_817 : vector<16xf32>
      %select_n3A_828 = arith.select %gt3A_827, %broadcast_in_dim3A_825, %select_n3A_813 : vector<16xi1>, vector<16xi32>
      %select_n3A_829 = arith.select %gt3A_826, %select_n3A_815, %select_n3A_828 : vector<16xi1>, vector<16xi32>
      %gt3A_830 = arith.cmpf ogt, %get3A_823, %max3A_818 : vector<16xf32>
      %select_n3A_831 = arith.select %gt3A_830, %broadcast_in_dim3A_825, %select_n3A_815 : vector<16xi1>, vector<16xi32>
      %min3A_832 = arith.minimumf %max3A_818, %get3A_823 : vector<16xf32>
      %max3A_833 = arith.maximumf %max3A_817, %min3A_832 : vector<16xf32>
      %max3A_834 = arith.maximumf %max3A_818, %get3A_823 : vector<16xf32>
      %add3A_835 = arith.constant 6656 : i32
      %add3A_836 = arith.addi %add3A_835, %mul3A_4 : i32
      %get3A_837 = arith.index_cast %add3A_836 : i32 to index
      %get3A_838 = tpu.vector_load %arg4[%get3A_837] {strides = array<i32>} : memref<8192xf32, #tpu.memory_space<vmem>>, vector<16xf32>,
      %get3A_839 = vector.shape_cast %get3A_838 : vector<16xf32> to vector<16xf32>
      %broadcast_in_dim3A_840 = arith.constant 52 : i32
      %broadcast_in_dim3A_841 = vector.broadcast %broadcast_in_dim3A_840 : i32 to vector<16xi32>
      %gt3A_842 = arith.cmpf ogt, %get3A_839, %max3A_834 : vector<16xf32>
      %gt3A_843 = arith.cmpf ogt, %get3A_839, %max3A_833 : vector<16xf32>
      %select_n3A_844 = arith.select %gt3A_843, %broadcast_in_dim3A_841, %select_n3A_829 : vector<16xi1>, vector<16xi32>
      %select_n3A_845 = arith.select %gt3A_842, %select_n3A_831, %select_n3A_844 : vector<16xi1>, vector<16xi32>
      %gt3A_846 = arith.cmpf ogt, %get3A_839, %max3A_834 : vector<16xf32>
      %select_n3A_847 = arith.select %gt3A_846, %broadcast_in_dim3A_841, %select_n3A_831 : vector<16xi1>, vector<16xi32>
      %min3A_848 = arith.minimumf %max3A_834, %get3A_839 : vector<16xf32>
      %max3A_849 = arith.maximumf %max3A_833, %min3A_848 : vector<16xf32>
      %max3A_850 = arith.maximumf %max3A_834, %get3A_839 : vector<16xf32>
      %add3A_851 = arith.constant 6784 : i32
      %add3A_852 = arith.addi %add3A_851, %mul3A_4 : i32
      %get3A_853 = arith.index_cast %add3A_852 : i32 to index
      %get3A_854 = tpu.vector_load %arg4[%get3A_853] {strides = array<i32>} : memref<8192xf32, #tpu.memory_space<vmem>>, vector<16xf32>,
      %get3A_855 = vector.shape_cast %get3A_854 : vector<16xf32> to vector<16xf32>
      %broadcast_in_dim3A_856 = arith.constant 53 : i32
      %broadcast_in_dim3A_857 = vector.broadcast %broadcast_in_dim3A_856 : i32 to vector<16xi32>
      %gt3A_858 = arith.cmpf ogt, %get3A_855, %max3A_850 : vector<16xf32>
      %gt3A_859 = arith.cmpf ogt, %get3A_855, %max3A_849 : vector<16xf32>
      %select_n3A_860 = arith.select %gt3A_859, %broadcast_in_dim3A_857, %select_n3A_845 : vector<16xi1>, vector<16xi32>
      %select_n3A_861 = arith.select %gt3A_858, %select_n3A_847, %select_n3A_860 : vector<16xi1>, vector<16xi32>
      %gt3A_862 = arith.cmpf ogt, %get3A_855, %max3A_850 : vector<16xf32>
      %select_n3A_863 = arith.select %gt3A_862, %broadcast_in_dim3A_857, %select_n3A_847 : vector<16xi1>, vector<16xi32>
      %min3A_864 = arith.minimumf %max3A_850, %get3A_855 : vector<16xf32>
      %max3A_865 = arith.maximumf %max3A_849, %min3A_864 : vector<16xf32>
      %max3A_866 = arith.maximumf %max3A_850, %get3A_855 : vector<16xf32>
      %add3A_867 = arith.constant 6912 : i32
      %add3A_868 = arith.addi %add3A_867, %mul3A_4 : i32
      %get3A_869 = arith.index_cast %add3A_868 : i32 to index
      %get3A_870 = tpu.vector_load %arg4[%get3A_869] {strides = array<i32>} : memref<8192xf32, #tpu.memory_space<vmem>>, vector<16xf32>,
      %get3A_871 = vector.shape_cast %get3A_870 : vector<16xf32> to vector<16xf32>
      %broadcast_in_dim3A_872 = arith.constant 54 : i32
      %broadcast_in_dim3A_873 = vector.broadcast %broadcast_in_dim3A_872 : i32 to vector<16xi32>
      %gt3A_874 = arith.cmpf ogt, %get3A_871, %max3A_866 : vector<16xf32>
      %gt3A_875 = arith.cmpf ogt, %get3A_871, %max3A_865 : vector<16xf32>
      %select_n3A_876 = arith.select %gt3A_875, %broadcast_in_dim3A_873, %select_n3A_861 : vector<16xi1>, vector<16xi32>
      %select_n3A_877 = arith.select %gt3A_874, %select_n3A_863, %select_n3A_876 : vector<16xi1>, vector<16xi32>
      %gt3A_878 = arith.cmpf ogt, %get3A_871, %max3A_866 : vector<16xf32>
      %select_n3A_879 = arith.select %gt3A_878, %broadcast_in_dim3A_873, %select_n3A_863 : vector<16xi1>, vector<16xi32>
      %min3A_880 = arith.minimumf %max3A_866, %get3A_871 : vector<16xf32>
      %max3A_881 = arith.maximumf %max3A_865, %min3A_880 : vector<16xf32>
      %max3A_882 = arith.maximumf %max3A_866, %get3A_871 : vector<16xf32>
      %add3A_883 = arith.constant 7040 : i32
      %add3A_884 = arith.addi %add3A_883, %mul3A_4 : i32
      %get3A_885 = arith.index_cast %add3A_884 : i32 to index
      %get3A_886 = tpu.vector_load %arg4[%get3A_885] {strides = array<i32>} : memref<8192xf32, #tpu.memory_space<vmem>>, vector<16xf32>,
      %get3A_887 = vector.shape_cast %get3A_886 : vector<16xf32> to vector<16xf32>
      %broadcast_in_dim3A_888 = arith.constant 55 : i32
      %broadcast_in_dim3A_889 = vector.broadcast %broadcast_in_dim3A_888 : i32 to vector<16xi32>
      %gt3A_890 = arith.cmpf ogt, %get3A_887, %max3A_882 : vector<16xf32>
      %gt3A_891 = arith.cmpf ogt, %get3A_887, %max3A_881 : vector<16xf32>
      %select_n3A_892 = arith.select %gt3A_891, %broadcast_in_dim3A_889, %select_n3A_877 : vector<16xi1>, vector<16xi32>
      %select_n3A_893 = arith.select %gt3A_890, %select_n3A_879, %select_n3A_892 : vector<16xi1>, vector<16xi32>
      %gt3A_894 = arith.cmpf ogt, %get3A_887, %max3A_882 : vector<16xf32>
      %select_n3A_895 = arith.select %gt3A_894, %broadcast_in_dim3A_889, %select_n3A_879 : vector<16xi1>, vector<16xi32>
      %min3A_896 = arith.minimumf %max3A_882, %get3A_887 : vector<16xf32>
      %max3A_897 = arith.maximumf %max3A_881, %min3A_896 : vector<16xf32>
      %max3A_898 = arith.maximumf %max3A_882, %get3A_887 : vector<16xf32>
      %add3A_899 = arith.constant 7168 : i32
      %add3A_900 = arith.addi %add3A_899, %mul3A_4 : i32
      %get3A_901 = arith.index_cast %add3A_900 : i32 to index
      %get3A_902 = tpu.vector_load %arg4[%get3A_901] {strides = array<i32>} : memref<8192xf32, #tpu.memory_space<vmem>>, vector<16xf32>,
      %get3A_903 = vector.shape_cast %get3A_902 : vector<16xf32> to vector<16xf32>
      %broadcast_in_dim3A_904 = arith.constant 56 : i32
      %broadcast_in_dim3A_905 = vector.broadcast %broadcast_in_dim3A_904 : i32 to vector<16xi32>
      %gt3A_906 = arith.cmpf ogt, %get3A_903, %max3A_898 : vector<16xf32>
      %gt3A_907 = arith.cmpf ogt, %get3A_903, %max3A_897 : vector<16xf32>
      %select_n3A_908 = arith.select %gt3A_907, %broadcast_in_dim3A_905, %select_n3A_893 : vector<16xi1>, vector<16xi32>
      %select_n3A_909 = arith.select %gt3A_906, %select_n3A_895, %select_n3A_908 : vector<16xi1>, vector<16xi32>
      %gt3A_910 = arith.cmpf ogt, %get3A_903, %max3A_898 : vector<16xf32>
      %select_n3A_911 = arith.select %gt3A_910, %broadcast_in_dim3A_905, %select_n3A_895 : vector<16xi1>, vector<16xi32>
      %min3A_912 = arith.minimumf %max3A_898, %get3A_903 : vector<16xf32>
      %max3A_913 = arith.maximumf %max3A_897, %min3A_912 : vector<16xf32>
      %max3A_914 = arith.maximumf %max3A_898, %get3A_903 : vector<16xf32>
      %add3A_915 = arith.constant 7296 : i32
      %add3A_916 = arith.addi %add3A_915, %mul3A_4 : i32
      %get3A_917 = arith.index_cast %add3A_916 : i32 to index
      %get3A_918 = tpu.vector_load %arg4[%get3A_917] {strides = array<i32>} : memref<8192xf32, #tpu.memory_space<vmem>>, vector<16xf32>,
      %get3A_919 = vector.shape_cast %get3A_918 : vector<16xf32> to vector<16xf32>
      %broadcast_in_dim3A_920 = arith.constant 57 : i32
      %broadcast_in_dim3A_921 = vector.broadcast %broadcast_in_dim3A_920 : i32 to vector<16xi32>
      %gt3A_922 = arith.cmpf ogt, %get3A_919, %max3A_914 : vector<16xf32>
      %gt3A_923 = arith.cmpf ogt, %get3A_919, %max3A_913 : vector<16xf32>
      %select_n3A_924 = arith.select %gt3A_923, %broadcast_in_dim3A_921, %select_n3A_909 : vector<16xi1>, vector<16xi32>
      %select_n3A_925 = arith.select %gt3A_922, %select_n3A_911, %select_n3A_924 : vector<16xi1>, vector<16xi32>
      %gt3A_926 = arith.cmpf ogt, %get3A_919, %max3A_914 : vector<16xf32>
      %select_n3A_927 = arith.select %gt3A_926, %broadcast_in_dim3A_921, %select_n3A_911 : vector<16xi1>, vector<16xi32>
      %min3A_928 = arith.minimumf %max3A_914, %get3A_919 : vector<16xf32>
      %max3A_929 = arith.maximumf %max3A_913, %min3A_928 : vector<16xf32>
      %max3A_930 = arith.maximumf %max3A_914, %get3A_919 : vector<16xf32>
      %add3A_931 = arith.constant 7424 : i32
      %add3A_932 = arith.addi %add3A_931, %mul3A_4 : i32
      %get3A_933 = arith.index_cast %add3A_932 : i32 to index
      %get3A_934 = tpu.vector_load %arg4[%get3A_933] {strides = array<i32>} : memref<8192xf32, #tpu.memory_space<vmem>>, vector<16xf32>,
      %get3A_935 = vector.shape_cast %get3A_934 : vector<16xf32> to vector<16xf32>
      %broadcast_in_dim3A_936 = arith.constant 58 : i32
      %broadcast_in_dim3A_937 = vector.broadcast %broadcast_in_dim3A_936 : i32 to vector<16xi32>
      %gt3A_938 = arith.cmpf ogt, %get3A_935, %max3A_930 : vector<16xf32>
      %gt3A_939 = arith.cmpf ogt, %get3A_935, %max3A_929 : vector<16xf32>
      %select_n3A_940 = arith.select %gt3A_939, %broadcast_in_dim3A_937, %select_n3A_925 : vector<16xi1>, vector<16xi32>
      %select_n3A_941 = arith.select %gt3A_938, %select_n3A_927, %select_n3A_940 : vector<16xi1>, vector<16xi32>
      %gt3A_942 = arith.cmpf ogt, %get3A_935, %max3A_930 : vector<16xf32>
      %select_n3A_943 = arith.select %gt3A_942, %broadcast_in_dim3A_937, %select_n3A_927 : vector<16xi1>, vector<16xi32>
      %min3A_944 = arith.minimumf %max3A_930, %get3A_935 : vector<16xf32>
      %max3A_945 = arith.maximumf %max3A_929, %min3A_944 : vector<16xf32>
      %max3A_946 = arith.maximumf %max3A_930, %get3A_935 : vector<16xf32>
      %add3A_947 = arith.constant 7552 : i32
      %add3A_948 = arith.addi %add3A_947, %mul3A_4 : i32
      %get3A_949 = arith.index_cast %add3A_948 : i32 to index
      %get3A_950 = tpu.vector_load %arg4[%get3A_949] {strides = array<i32>} : memref<8192xf32, #tpu.memory_space<vmem>>, vector<16xf32>,
      %get3A_951 = vector.shape_cast %get3A_950 : vector<16xf32> to vector<16xf32>
      %broadcast_in_dim3A_952 = arith.constant 59 : i32
      %broadcast_in_dim3A_953 = vector.broadcast %broadcast_in_dim3A_952 : i32 to vector<16xi32>
      %gt3A_954 = arith.cmpf ogt, %get3A_951, %max3A_946 : vector<16xf32>
      %gt3A_955 = arith.cmpf ogt, %get3A_951, %max3A_945 : vector<16xf32>
      %select_n3A_956 = arith.select %gt3A_955, %broadcast_in_dim3A_953, %select_n3A_941 : vector<16xi1>, vector<16xi32>
      %select_n3A_957 = arith.select %gt3A_954, %select_n3A_943, %select_n3A_956 : vector<16xi1>, vector<16xi32>
      %gt3A_958 = arith.cmpf ogt, %get3A_951, %max3A_946 : vector<16xf32>
      %select_n3A_959 = arith.select %gt3A_958, %broadcast_in_dim3A_953, %select_n3A_943 : vector<16xi1>, vector<16xi32>
      %min3A_960 = arith.minimumf %max3A_946, %get3A_951 : vector<16xf32>
      %max3A_961 = arith.maximumf %max3A_945, %min3A_960 : vector<16xf32>
      %max3A_962 = arith.maximumf %max3A_946, %get3A_951 : vector<16xf32>
      %add3A_963 = arith.constant 7680 : i32
      %add3A_964 = arith.addi %add3A_963, %mul3A_4 : i32
      %get3A_965 = arith.index_cast %add3A_964 : i32 to index
      %get3A_966 = tpu.vector_load %arg4[%get3A_965] {strides = array<i32>} : memref<8192xf32, #tpu.memory_space<vmem>>, vector<16xf32>,
      %get3A_967 = vector.shape_cast %get3A_966 : vector<16xf32> to vector<16xf32>
      %broadcast_in_dim3A_968 = arith.constant 60 : i32
      %broadcast_in_dim3A_969 = vector.broadcast %broadcast_in_dim3A_968 : i32 to vector<16xi32>
      %gt3A_970 = arith.cmpf ogt, %get3A_967, %max3A_962 : vector<16xf32>
      %gt3A_971 = arith.cmpf ogt, %get3A_967, %max3A_961 : vector<16xf32>
      %select_n3A_972 = arith.select %gt3A_971, %broadcast_in_dim3A_969, %select_n3A_957 : vector<16xi1>, vector<16xi32>
      %select_n3A_973 = arith.select %gt3A_970, %select_n3A_959, %select_n3A_972 : vector<16xi1>, vector<16xi32>
      %gt3A_974 = arith.cmpf ogt, %get3A_967, %max3A_962 : vector<16xf32>
      %select_n3A_975 = arith.select %gt3A_974, %broadcast_in_dim3A_969, %select_n3A_959 : vector<16xi1>, vector<16xi32>
      %min3A_976 = arith.minimumf %max3A_962, %get3A_967 : vector<16xf32>
      %max3A_977 = arith.maximumf %max3A_961, %min3A_976 : vector<16xf32>
      %max3A_978 = arith.maximumf %max3A_962, %get3A_967 : vector<16xf32>
      %add3A_979 = arith.constant 7808 : i32
      %add3A_980 = arith.addi %add3A_979, %mul3A_4 : i32
      %get3A_981 = arith.index_cast %add3A_980 : i32 to index
      %get3A_982 = tpu.vector_load %arg4[%get3A_981] {strides = array<i32>} : memref<8192xf32, #tpu.memory_space<vmem>>, vector<16xf32>,
      %get3A_983 = vector.shape_cast %get3A_982 : vector<16xf32> to vector<16xf32>
      %broadcast_in_dim3A_984 = arith.constant 61 : i32
      %broadcast_in_dim3A_985 = vector.broadcast %broadcast_in_dim3A_984 : i32 to vector<16xi32>
      %gt3A_986 = arith.cmpf ogt, %get3A_983, %max3A_978 : vector<16xf32>
      %gt3A_987 = arith.cmpf ogt, %get3A_983, %max3A_977 : vector<16xf32>
      %select_n3A_988 = arith.select %gt3A_987, %broadcast_in_dim3A_985, %select_n3A_973 : vector<16xi1>, vector<16xi32>
      %select_n3A_989 = arith.select %gt3A_986, %select_n3A_975, %select_n3A_988 : vector<16xi1>, vector<16xi32>
      %gt3A_990 = arith.cmpf ogt, %get3A_983, %max3A_978 : vector<16xf32>
      %select_n3A_991 = arith.select %gt3A_990, %broadcast_in_dim3A_985, %select_n3A_975 : vector<16xi1>, vector<16xi32>
      %min3A_992 = arith.minimumf %max3A_978, %get3A_983 : vector<16xf32>
      %max3A_993 = arith.maximumf %max3A_977, %min3A_992 : vector<16xf32>
      %max3A_994 = arith.maximumf %max3A_978, %get3A_983 : vector<16xf32>
      %add3A_995 = arith.constant 7936 : i32
      %add3A_996 = arith.addi %add3A_995, %mul3A_4 : i32
      %get3A_997 = arith.index_cast %add3A_996 : i32 to index
      %get3A_998 = tpu.vector_load %arg4[%get3A_997] {strides = array<i32>} : memref<8192xf32, #tpu.memory_space<vmem>>, vector<16xf32>,
      %get3A_999 = vector.shape_cast %get3A_998 : vector<16xf32> to vector<16xf32>
      %broadcast_in_dim3A_1000 = arith.constant 62 : i32
      %broadcast_in_dim3A_1001 = vector.broadcast %broadcast_in_dim3A_1000 : i32 to vector<16xi32>
      %gt3A_1002 = arith.cmpf ogt, %get3A_999, %max3A_994 : vector<16xf32>
      %gt3A_1003 = arith.cmpf ogt, %get3A_999, %max3A_993 : vector<16xf32>
      %select_n3A_1004 = arith.select %gt3A_1003, %broadcast_in_dim3A_1001, %select_n3A_989 : vector<16xi1>, vector<16xi32>
      %select_n3A_1005 = arith.select %gt3A_1002, %select_n3A_991, %select_n3A_1004 : vector<16xi1>, vector<16xi32>
      %gt3A_1006 = arith.cmpf ogt, %get3A_999, %max3A_994 : vector<16xf32>
      %select_n3A_1007 = arith.select %gt3A_1006, %broadcast_in_dim3A_1001, %select_n3A_991 : vector<16xi1>, vector<16xi32>
      %min3A_1008 = arith.minimumf %max3A_994, %get3A_999 : vector<16xf32>
      %max3A_1009 = arith.maximumf %max3A_993, %min3A_1008 : vector<16xf32>
      %max3A_1010 = arith.maximumf %max3A_994, %get3A_999 : vector<16xf32>
      %add3A_1011 = arith.constant 8064 : i32
      %add3A_1012 = arith.addi %add3A_1011, %mul3A_4 : i32
      %get3A_1013 = arith.index_cast %add3A_1012 : i32 to index
      %get3A_1014 = tpu.vector_load %arg4[%get3A_1013] {strides = array<i32>} : memref<8192xf32, #tpu.memory_space<vmem>>, vector<16xf32>,
      %get3A_1015 = vector.shape_cast %get3A_1014 : vector<16xf32> to vector<16xf32>
      %broadcast_in_dim3A_1016 = arith.constant 63 : i32
      %broadcast_in_dim3A_1017 = vector.broadcast %broadcast_in_dim3A_1016 : i32 to vector<16xi32>
      %gt3A_1018 = arith.cmpf ogt, %get3A_1015, %max3A_1010 : vector<16xf32>
      %gt3A_1019 = arith.cmpf ogt, %get3A_1015, %max3A_1009 : vector<16xf32>
      %select_n3A_1020 = arith.select %gt3A_1019, %broadcast_in_dim3A_1017, %select_n3A_1005 : vector<16xi1>, vector<16xi32>
      %select_n3A_1021 = arith.select %gt3A_1018, %select_n3A_1007, %select_n3A_1020 : vector<16xi1>, vector<16xi32>
      %gt3A_1022 = arith.cmpf ogt, %get3A_1015, %max3A_1010 : vector<16xf32>
      %select_n3A_1023 = arith.select %gt3A_1022, %broadcast_in_dim3A_1017, %select_n3A_1007 : vector<16xi1>, vector<16xi32>
      %min3A_1024 = arith.minimumf %max3A_1010, %get3A_1015 : vector<16xf32>
      %max3A_1025 = arith.maximumf %max3A_1009, %min3A_1024 : vector<16xf32>
      %max3A_1026 = arith.maximumf %max3A_1010, %get3A_1015 : vector<16xf32>
      %sub3A = arith.subf %max3A_1025, %max3A_1026 : vector<16xf32>
      %exp3A = math.exp %sub3A : vector<16xf32>
      %add3A_1027 = arith.constant 1.000000e+00 : f32
      %add3A_1028 = vector.broadcast %add3A_1027 : f32 to vector<16xf32>
      %add3A_1029 = arith.addf %add3A_1028, %exp3A : vector<16xf32>
      %div3A = arith.constant 1.000000e+00 : f32
      %div3A_1030 = vector.broadcast %div3A : f32 to vector<16xf32>
      %div3A_1031 = arith.divf %div3A_1030, %add3A_1029 : vector<16xf32>
      %sub3A_1032 = arith.constant 1.000000e+00 : f32
      %sub3A_1033 = vector.broadcast %sub3A_1032 : f32 to vector<16xf32>
      %sub3A_1034 = arith.subf %sub3A_1033, %div3A_1031 : vector<16xf32>
      %broadcast_in_dim3A_1035 = arith.constant 0.000000e+00 : f32
      %broadcast_in_dim3A_1036 = vector.broadcast %broadcast_in_dim3A_1035 : f32 to vector<16xf32>
      %eq3A = arith.constant 0 : i32
      %eq3A_1037 = vector.broadcast %eq3A : i32 to vector<16xi32>
      %eq3A_1038 = arith.cmpi eq, %select_n3A_1023, %eq3A_1037 : vector<16xi32>
      %eq3A_1039 = arith.constant 0 : i32
      %eq3A_1040 = vector.broadcast %eq3A_1039 : i32 to vector<16xi32>
      %eq3A_1041 = arith.cmpi eq, %select_n3A_1021, %eq3A_1040 : vector<16xi32>
      %select_n3A_1042 = arith.select %eq3A_1041, %sub3A_1034, %broadcast_in_dim3A_1036 : vector<16xi1>, vector<16xf32>
      %select_n3A_1043 = arith.select %eq3A_1038, %div3A_1031, %select_n3A_1042 : vector<16xi1>, vector<16xf32>
      %swap3A = arith.constant 0 : i32
      %swap3A_1044 = arith.index_cast %swap3A : i32 to index
      %swap3A_1045 = arith.constant 0 : index
      %swap3A_1046 = tpu.vector_load %arg5[%swap3A_1044, %swap3A_1045] {strides = array<i32>} : memref<64x16xf32, #tpu.memory_space<vmem>>, vector<1x16xf32>,
      %swap3A_1047 = vector.shape_cast %swap3A_1046 : vector<1x16xf32> to vector<16xf32>
      %swap3A_1048 = vector.shape_cast %select_n3A_1043 : vector<16xf32> to vector<1x16xf32>
      tpu.vector_store %arg5[%swap3A_1044, %swap3A_1045], %swap3A_1048 {strides = array<i32>} : memref<64x16xf32, #tpu.memory_space<vmem>>, vector<1x16xf32>,
      %eq3A_1049 = arith.constant 1 : i32
      %eq3A_1050 = vector.broadcast %eq3A_1049 : i32 to vector<16xi32>
      %eq3A_1051 = arith.cmpi eq, %select_n3A_1023, %eq3A_1050 : vector<16xi32>
      %eq3A_1052 = arith.constant 1 : i32
      %eq3A_1053 = vector.broadcast %eq3A_1052 : i32 to vector<16xi32>
      %eq3A_1054 = arith.cmpi eq, %select_n3A_1021, %eq3A_1053 : vector<16xi32>
      %select_n3A_1055 = arith.select %eq3A_1054, %sub3A_1034, %broadcast_in_dim3A_1036 : vector<16xi1>, vector<16xf32>
      %select_n3A_1056 = arith.select %eq3A_1051, %div3A_1031, %select_n3A_1055 : vector<16xi1>, vector<16xf32>
      %swap3A_1057 = arith.constant 1 : i32
      %swap3A_1058 = arith.index_cast %swap3A_1057 : i32 to index
      %swap3A_1059 = arith.constant 0 : index
      %swap3A_1060 = tpu.vector_load %arg5[%swap3A_1058, %swap3A_1059] {strides = array<i32>} : memref<64x16xf32, #tpu.memory_space<vmem>>, vector<1x16xf32>,
      %swap3A_1061 = vector.shape_cast %swap3A_1060 : vector<1x16xf32> to vector<16xf32>
      %swap3A_1062 = vector.shape_cast %select_n3A_1056 : vector<16xf32> to vector<1x16xf32>
      tpu.vector_store %arg5[%swap3A_1058, %swap3A_1059], %swap3A_1062 {strides = array<i32>} : memref<64x16xf32, #tpu.memory_space<vmem>>, vector<1x16xf32>,
      %eq3A_1063 = arith.constant 2 : i32
      %eq3A_1064 = vector.broadcast %eq3A_1063 : i32 to vector<16xi32>
      %eq3A_1065 = arith.cmpi eq, %select_n3A_1023, %eq3A_1064 : vector<16xi32>
      %eq3A_1066 = arith.constant 2 : i32
      %eq3A_1067 = vector.broadcast %eq3A_1066 : i32 to vector<16xi32>
      %eq3A_1068 = arith.cmpi eq, %select_n3A_1021, %eq3A_1067 : vector<16xi32>
      %select_n3A_1069 = arith.select %eq3A_1068, %sub3A_1034, %broadcast_in_dim3A_1036 : vector<16xi1>, vector<16xf32>
      %select_n3A_1070 = arith.select %eq3A_1065, %div3A_1031, %select_n3A_1069 : vector<16xi1>, vector<16xf32>
      %swap3A_1071 = arith.constant 2 : i32
      %swap3A_1072 = arith.index_cast %swap3A_1071 : i32 to index
      %swap3A_1073 = arith.constant 0 : index
      %swap3A_1074 = tpu.vector_load %arg5[%swap3A_1072, %swap3A_1073] {strides = array<i32>} : memref<64x16xf32, #tpu.memory_space<vmem>>, vector<1x16xf32>,
      %swap3A_1075 = vector.shape_cast %swap3A_1074 : vector<1x16xf32> to vector<16xf32>
      %swap3A_1076 = vector.shape_cast %select_n3A_1070 : vector<16xf32> to vector<1x16xf32>
      tpu.vector_store %arg5[%swap3A_1072, %swap3A_1073], %swap3A_1076 {strides = array<i32>} : memref<64x16xf32, #tpu.memory_space<vmem>>, vector<1x16xf32>,
      %eq3A_1077 = arith.constant 3 : i32
      %eq3A_1078 = vector.broadcast %eq3A_1077 : i32 to vector<16xi32>
      %eq3A_1079 = arith.cmpi eq, %select_n3A_1023, %eq3A_1078 : vector<16xi32>
      %eq3A_1080 = arith.constant 3 : i32
      %eq3A_1081 = vector.broadcast %eq3A_1080 : i32 to vector<16xi32>
      %eq3A_1082 = arith.cmpi eq, %select_n3A_1021, %eq3A_1081 : vector<16xi32>
      %select_n3A_1083 = arith.select %eq3A_1082, %sub3A_1034, %broadcast_in_dim3A_1036 : vector<16xi1>, vector<16xf32>
      %select_n3A_1084 = arith.select %eq3A_1079, %div3A_1031, %select_n3A_1083 : vector<16xi1>, vector<16xf32>
      %swap3A_1085 = arith.constant 3 : i32
      %swap3A_1086 = arith.index_cast %swap3A_1085 : i32 to index
      %swap3A_1087 = arith.constant 0 : index
      %swap3A_1088 = tpu.vector_load %arg5[%swap3A_1086, %swap3A_1087] {strides = array<i32>} : memref<64x16xf32, #tpu.memory_space<vmem>>, vector<1x16xf32>,
      %swap3A_1089 = vector.shape_cast %swap3A_1088 : vector<1x16xf32> to vector<16xf32>
      %swap3A_1090 = vector.shape_cast %select_n3A_1084 : vector<16xf32> to vector<1x16xf32>
      tpu.vector_store %arg5[%swap3A_1086, %swap3A_1087], %swap3A_1090 {strides = array<i32>} : memref<64x16xf32, #tpu.memory_space<vmem>>, vector<1x16xf32>,
      %eq3A_1091 = arith.constant 4 : i32
      %eq3A_1092 = vector.broadcast %eq3A_1091 : i32 to vector<16xi32>
      %eq3A_1093 = arith.cmpi eq, %select_n3A_1023, %eq3A_1092 : vector<16xi32>
      %eq3A_1094 = arith.constant 4 : i32
      %eq3A_1095 = vector.broadcast %eq3A_1094 : i32 to vector<16xi32>
      %eq3A_1096 = arith.cmpi eq, %select_n3A_1021, %eq3A_1095 : vector<16xi32>
      %select_n3A_1097 = arith.select %eq3A_1096, %sub3A_1034, %broadcast_in_dim3A_1036 : vector<16xi1>, vector<16xf32>
      %select_n3A_1098 = arith.select %eq3A_1093, %div3A_1031, %select_n3A_1097 : vector<16xi1>, vector<16xf32>
      %swap3A_1099 = arith.constant 4 : i32
      %swap3A_1100 = arith.index_cast %swap3A_1099 : i32 to index
      %swap3A_1101 = arith.constant 0 : index
      %swap3A_1102 = tpu.vector_load %arg5[%swap3A_1100, %swap3A_1101] {strides = array<i32>} : memref<64x16xf32, #tpu.memory_space<vmem>>, vector<1x16xf32>,
      %swap3A_1103 = vector.shape_cast %swap3A_1102 : vector<1x16xf32> to vector<16xf32>
      %swap3A_1104 = vector.shape_cast %select_n3A_1098 : vector<16xf32> to vector<1x16xf32>
      tpu.vector_store %arg5[%swap3A_1100, %swap3A_1101], %swap3A_1104 {strides = array<i32>} : memref<64x16xf32, #tpu.memory_space<vmem>>, vector<1x16xf32>,
      %eq3A_1105 = arith.constant 5 : i32
      %eq3A_1106 = vector.broadcast %eq3A_1105 : i32 to vector<16xi32>
      %eq3A_1107 = arith.cmpi eq, %select_n3A_1023, %eq3A_1106 : vector<16xi32>
      %eq3A_1108 = arith.constant 5 : i32
      %eq3A_1109 = vector.broadcast %eq3A_1108 : i32 to vector<16xi32>
      %eq3A_1110 = arith.cmpi eq, %select_n3A_1021, %eq3A_1109 : vector<16xi32>
      %select_n3A_1111 = arith.select %eq3A_1110, %sub3A_1034, %broadcast_in_dim3A_1036 : vector<16xi1>, vector<16xf32>
      %select_n3A_1112 = arith.select %eq3A_1107, %div3A_1031, %select_n3A_1111 : vector<16xi1>, vector<16xf32>
      %swap3A_1113 = arith.constant 5 : i32
      %swap3A_1114 = arith.index_cast %swap3A_1113 : i32 to index
      %swap3A_1115 = arith.constant 0 : index
      %swap3A_1116 = tpu.vector_load %arg5[%swap3A_1114, %swap3A_1115] {strides = array<i32>} : memref<64x16xf32, #tpu.memory_space<vmem>>, vector<1x16xf32>,
      %swap3A_1117 = vector.shape_cast %swap3A_1116 : vector<1x16xf32> to vector<16xf32>
      %swap3A_1118 = vector.shape_cast %select_n3A_1112 : vector<16xf32> to vector<1x16xf32>
      tpu.vector_store %arg5[%swap3A_1114, %swap3A_1115], %swap3A_1118 {strides = array<i32>} : memref<64x16xf32, #tpu.memory_space<vmem>>, vector<1x16xf32>,
      %eq3A_1119 = arith.constant 6 : i32
      %eq3A_1120 = vector.broadcast %eq3A_1119 : i32 to vector<16xi32>
      %eq3A_1121 = arith.cmpi eq, %select_n3A_1023, %eq3A_1120 : vector<16xi32>
      %eq3A_1122 = arith.constant 6 : i32
      %eq3A_1123 = vector.broadcast %eq3A_1122 : i32 to vector<16xi32>
      %eq3A_1124 = arith.cmpi eq, %select_n3A_1021, %eq3A_1123 : vector<16xi32>
      %select_n3A_1125 = arith.select %eq3A_1124, %sub3A_1034, %broadcast_in_dim3A_1036 : vector<16xi1>, vector<16xf32>
      %select_n3A_1126 = arith.select %eq3A_1121, %div3A_1031, %select_n3A_1125 : vector<16xi1>, vector<16xf32>
      %swap3A_1127 = arith.constant 6 : i32
      %swap3A_1128 = arith.index_cast %swap3A_1127 : i32 to index
      %swap3A_1129 = arith.constant 0 : index
      %swap3A_1130 = tpu.vector_load %arg5[%swap3A_1128, %swap3A_1129] {strides = array<i32>} : memref<64x16xf32, #tpu.memory_space<vmem>>, vector<1x16xf32>,
      %swap3A_1131 = vector.shape_cast %swap3A_1130 : vector<1x16xf32> to vector<16xf32>
      %swap3A_1132 = vector.shape_cast %select_n3A_1126 : vector<16xf32> to vector<1x16xf32>
      tpu.vector_store %arg5[%swap3A_1128, %swap3A_1129], %swap3A_1132 {strides = array<i32>} : memref<64x16xf32, #tpu.memory_space<vmem>>, vector<1x16xf32>,
      %eq3A_1133 = arith.constant 7 : i32
      %eq3A_1134 = vector.broadcast %eq3A_1133 : i32 to vector<16xi32>
      %eq3A_1135 = arith.cmpi eq, %select_n3A_1023, %eq3A_1134 : vector<16xi32>
      %eq3A_1136 = arith.constant 7 : i32
      %eq3A_1137 = vector.broadcast %eq3A_1136 : i32 to vector<16xi32>
      %eq3A_1138 = arith.cmpi eq, %select_n3A_1021, %eq3A_1137 : vector<16xi32>
      %select_n3A_1139 = arith.select %eq3A_1138, %sub3A_1034, %broadcast_in_dim3A_1036 : vector<16xi1>, vector<16xf32>
      %select_n3A_1140 = arith.select %eq3A_1135, %div3A_1031, %select_n3A_1139 : vector<16xi1>, vector<16xf32>
      %swap3A_1141 = arith.constant 7 : i32
      %swap3A_1142 = arith.index_cast %swap3A_1141 : i32 to index
      %swap3A_1143 = arith.constant 0 : index
      %swap3A_1144 = tpu.vector_load %arg5[%swap3A_1142, %swap3A_1143] {strides = array<i32>} : memref<64x16xf32, #tpu.memory_space<vmem>>, vector<1x16xf32>,
      %swap3A_1145 = vector.shape_cast %swap3A_1144 : vector<1x16xf32> to vector<16xf32>
      %swap3A_1146 = vector.shape_cast %select_n3A_1140 : vector<16xf32> to vector<1x16xf32>
      tpu.vector_store %arg5[%swap3A_1142, %swap3A_1143], %swap3A_1146 {strides = array<i32>} : memref<64x16xf32, #tpu.memory_space<vmem>>, vector<1x16xf32>,
      %eq3A_1147 = arith.constant 8 : i32
      %eq3A_1148 = vector.broadcast %eq3A_1147 : i32 to vector<16xi32>
      %eq3A_1149 = arith.cmpi eq, %select_n3A_1023, %eq3A_1148 : vector<16xi32>
      %eq3A_1150 = arith.constant 8 : i32
      %eq3A_1151 = vector.broadcast %eq3A_1150 : i32 to vector<16xi32>
      %eq3A_1152 = arith.cmpi eq, %select_n3A_1021, %eq3A_1151 : vector<16xi32>
      %select_n3A_1153 = arith.select %eq3A_1152, %sub3A_1034, %broadcast_in_dim3A_1036 : vector<16xi1>, vector<16xf32>
      %select_n3A_1154 = arith.select %eq3A_1149, %div3A_1031, %select_n3A_1153 : vector<16xi1>, vector<16xf32>
      %swap3A_1155 = arith.constant 8 : i32
      %swap3A_1156 = arith.index_cast %swap3A_1155 : i32 to index
      %swap3A_1157 = arith.constant 0 : index
      %swap3A_1158 = tpu.vector_load %arg5[%swap3A_1156, %swap3A_1157] {strides = array<i32>} : memref<64x16xf32, #tpu.memory_space<vmem>>, vector<1x16xf32>,
      %swap3A_1159 = vector.shape_cast %swap3A_1158 : vector<1x16xf32> to vector<16xf32>
      %swap3A_1160 = vector.shape_cast %select_n3A_1154 : vector<16xf32> to vector<1x16xf32>
      tpu.vector_store %arg5[%swap3A_1156, %swap3A_1157], %swap3A_1160 {strides = array<i32>} : memref<64x16xf32, #tpu.memory_space<vmem>>, vector<1x16xf32>,
      %eq3A_1161 = arith.constant 9 : i32
      %eq3A_1162 = vector.broadcast %eq3A_1161 : i32 to vector<16xi32>
      %eq3A_1163 = arith.cmpi eq, %select_n3A_1023, %eq3A_1162 : vector<16xi32>
      %eq3A_1164 = arith.constant 9 : i32
      %eq3A_1165 = vector.broadcast %eq3A_1164 : i32 to vector<16xi32>
      %eq3A_1166 = arith.cmpi eq, %select_n3A_1021, %eq3A_1165 : vector<16xi32>
      %select_n3A_1167 = arith.select %eq3A_1166, %sub3A_1034, %broadcast_in_dim3A_1036 : vector<16xi1>, vector<16xf32>
      %select_n3A_1168 = arith.select %eq3A_1163, %div3A_1031, %select_n3A_1167 : vector<16xi1>, vector<16xf32>
      %swap3A_1169 = arith.constant 9 : i32
      %swap3A_1170 = arith.index_cast %swap3A_1169 : i32 to index
      %swap3A_1171 = arith.constant 0 : index
      %swap3A_1172 = tpu.vector_load %arg5[%swap3A_1170, %swap3A_1171] {strides = array<i32>} : memref<64x16xf32, #tpu.memory_space<vmem>>, vector<1x16xf32>,
      %swap3A_1173 = vector.shape_cast %swap3A_1172 : vector<1x16xf32> to vector<16xf32>
      %swap3A_1174 = vector.shape_cast %select_n3A_1168 : vector<16xf32> to vector<1x16xf32>
      tpu.vector_store %arg5[%swap3A_1170, %swap3A_1171], %swap3A_1174 {strides = array<i32>} : memref<64x16xf32, #tpu.memory_space<vmem>>, vector<1x16xf32>,
      %eq3A_1175 = arith.constant 10 : i32
      %eq3A_1176 = vector.broadcast %eq3A_1175 : i32 to vector<16xi32>
      %eq3A_1177 = arith.cmpi eq, %select_n3A_1023, %eq3A_1176 : vector<16xi32>
      %eq3A_1178 = arith.constant 10 : i32
      %eq3A_1179 = vector.broadcast %eq3A_1178 : i32 to vector<16xi32>
      %eq3A_1180 = arith.cmpi eq, %select_n3A_1021, %eq3A_1179 : vector<16xi32>
      %select_n3A_1181 = arith.select %eq3A_1180, %sub3A_1034, %broadcast_in_dim3A_1036 : vector<16xi1>, vector<16xf32>
      %select_n3A_1182 = arith.select %eq3A_1177, %div3A_1031, %select_n3A_1181 : vector<16xi1>, vector<16xf32>
      %swap3A_1183 = arith.constant 10 : i32
      %swap3A_1184 = arith.index_cast %swap3A_1183 : i32 to index
      %swap3A_1185 = arith.constant 0 : index
      %swap3A_1186 = tpu.vector_load %arg5[%swap3A_1184, %swap3A_1185] {strides = array<i32>} : memref<64x16xf32, #tpu.memory_space<vmem>>, vector<1x16xf32>,
      %swap3A_1187 = vector.shape_cast %swap3A_1186 : vector<1x16xf32> to vector<16xf32>
      %swap3A_1188 = vector.shape_cast %select_n3A_1182 : vector<16xf32> to vector<1x16xf32>
      tpu.vector_store %arg5[%swap3A_1184, %swap3A_1185], %swap3A_1188 {strides = array<i32>} : memref<64x16xf32, #tpu.memory_space<vmem>>, vector<1x16xf32>,
      %eq3A_1189 = arith.constant 11 : i32
      %eq3A_1190 = vector.broadcast %eq3A_1189 : i32 to vector<16xi32>
      %eq3A_1191 = arith.cmpi eq, %select_n3A_1023, %eq3A_1190 : vector<16xi32>
      %eq3A_1192 = arith.constant 11 : i32
      %eq3A_1193 = vector.broadcast %eq3A_1192 : i32 to vector<16xi32>
      %eq3A_1194 = arith.cmpi eq, %select_n3A_1021, %eq3A_1193 : vector<16xi32>
      %select_n3A_1195 = arith.select %eq3A_1194, %sub3A_1034, %broadcast_in_dim3A_1036 : vector<16xi1>, vector<16xf32>
      %select_n3A_1196 = arith.select %eq3A_1191, %div3A_1031, %select_n3A_1195 : vector<16xi1>, vector<16xf32>
      %swap3A_1197 = arith.constant 11 : i32
      %swap3A_1198 = arith.index_cast %swap3A_1197 : i32 to index
      %swap3A_1199 = arith.constant 0 : index
      %swap3A_1200 = tpu.vector_load %arg5[%swap3A_1198, %swap3A_1199] {strides = array<i32>} : memref<64x16xf32, #tpu.memory_space<vmem>>, vector<1x16xf32>,
      %swap3A_1201 = vector.shape_cast %swap3A_1200 : vector<1x16xf32> to vector<16xf32>
      %swap3A_1202 = vector.shape_cast %select_n3A_1196 : vector<16xf32> to vector<1x16xf32>
      tpu.vector_store %arg5[%swap3A_1198, %swap3A_1199], %swap3A_1202 {strides = array<i32>} : memref<64x16xf32, #tpu.memory_space<vmem>>, vector<1x16xf32>,
      %eq3A_1203 = arith.constant 12 : i32
      %eq3A_1204 = vector.broadcast %eq3A_1203 : i32 to vector<16xi32>
      %eq3A_1205 = arith.cmpi eq, %select_n3A_1023, %eq3A_1204 : vector<16xi32>
      %eq3A_1206 = arith.constant 12 : i32
      %eq3A_1207 = vector.broadcast %eq3A_1206 : i32 to vector<16xi32>
      %eq3A_1208 = arith.cmpi eq, %select_n3A_1021, %eq3A_1207 : vector<16xi32>
      %select_n3A_1209 = arith.select %eq3A_1208, %sub3A_1034, %broadcast_in_dim3A_1036 : vector<16xi1>, vector<16xf32>
      %select_n3A_1210 = arith.select %eq3A_1205, %div3A_1031, %select_n3A_1209 : vector<16xi1>, vector<16xf32>
      %swap3A_1211 = arith.constant 12 : i32
      %swap3A_1212 = arith.index_cast %swap3A_1211 : i32 to index
      %swap3A_1213 = arith.constant 0 : index
      %swap3A_1214 = tpu.vector_load %arg5[%swap3A_1212, %swap3A_1213] {strides = array<i32>} : memref<64x16xf32, #tpu.memory_space<vmem>>, vector<1x16xf32>,
      %swap3A_1215 = vector.shape_cast %swap3A_1214 : vector<1x16xf32> to vector<16xf32>
      %swap3A_1216 = vector.shape_cast %select_n3A_1210 : vector<16xf32> to vector<1x16xf32>
      tpu.vector_store %arg5[%swap3A_1212, %swap3A_1213], %swap3A_1216 {strides = array<i32>} : memref<64x16xf32, #tpu.memory_space<vmem>>, vector<1x16xf32>,
      %eq3A_1217 = arith.constant 13 : i32
      %eq3A_1218 = vector.broadcast %eq3A_1217 : i32 to vector<16xi32>
      %eq3A_1219 = arith.cmpi eq, %select_n3A_1023, %eq3A_1218 : vector<16xi32>
      %eq3A_1220 = arith.constant 13 : i32
      %eq3A_1221 = vector.broadcast %eq3A_1220 : i32 to vector<16xi32>
      %eq3A_1222 = arith.cmpi eq, %select_n3A_1021, %eq3A_1221 : vector<16xi32>
      %select_n3A_1223 = arith.select %eq3A_1222, %sub3A_1034, %broadcast_in_dim3A_1036 : vector<16xi1>, vector<16xf32>
      %select_n3A_1224 = arith.select %eq3A_1219, %div3A_1031, %select_n3A_1223 : vector<16xi1>, vector<16xf32>
      %swap3A_1225 = arith.constant 13 : i32
      %swap3A_1226 = arith.index_cast %swap3A_1225 : i32 to index
      %swap3A_1227 = arith.constant 0 : index
      %swap3A_1228 = tpu.vector_load %arg5[%swap3A_1226, %swap3A_1227] {strides = array<i32>} : memref<64x16xf32, #tpu.memory_space<vmem>>, vector<1x16xf32>,
      %swap3A_1229 = vector.shape_cast %swap3A_1228 : vector<1x16xf32> to vector<16xf32>
      %swap3A_1230 = vector.shape_cast %select_n3A_1224 : vector<16xf32> to vector<1x16xf32>
      tpu.vector_store %arg5[%swap3A_1226, %swap3A_1227], %swap3A_1230 {strides = array<i32>} : memref<64x16xf32, #tpu.memory_space<vmem>>, vector<1x16xf32>,
      %eq3A_1231 = arith.constant 14 : i32
      %eq3A_1232 = vector.broadcast %eq3A_1231 : i32 to vector<16xi32>
      %eq3A_1233 = arith.cmpi eq, %select_n3A_1023, %eq3A_1232 : vector<16xi32>
      %eq3A_1234 = arith.constant 14 : i32
      %eq3A_1235 = vector.broadcast %eq3A_1234 : i32 to vector<16xi32>
      %eq3A_1236 = arith.cmpi eq, %select_n3A_1021, %eq3A_1235 : vector<16xi32>
      %select_n3A_1237 = arith.select %eq3A_1236, %sub3A_1034, %broadcast_in_dim3A_1036 : vector<16xi1>, vector<16xf32>
      %select_n3A_1238 = arith.select %eq3A_1233, %div3A_1031, %select_n3A_1237 : vector<16xi1>, vector<16xf32>
      %swap3A_1239 = arith.constant 14 : i32
      %swap3A_1240 = arith.index_cast %swap3A_1239 : i32 to index
      %swap3A_1241 = arith.constant 0 : index
      %swap3A_1242 = tpu.vector_load %arg5[%swap3A_1240, %swap3A_1241] {strides = array<i32>} : memref<64x16xf32, #tpu.memory_space<vmem>>, vector<1x16xf32>,
      %swap3A_1243 = vector.shape_cast %swap3A_1242 : vector<1x16xf32> to vector<16xf32>
      %swap3A_1244 = vector.shape_cast %select_n3A_1238 : vector<16xf32> to vector<1x16xf32>
      tpu.vector_store %arg5[%swap3A_1240, %swap3A_1241], %swap3A_1244 {strides = array<i32>} : memref<64x16xf32, #tpu.memory_space<vmem>>, vector<1x16xf32>,
      %eq3A_1245 = arith.constant 15 : i32
      %eq3A_1246 = vector.broadcast %eq3A_1245 : i32 to vector<16xi32>
      %eq3A_1247 = arith.cmpi eq, %select_n3A_1023, %eq3A_1246 : vector<16xi32>
      %eq3A_1248 = arith.constant 15 : i32
      %eq3A_1249 = vector.broadcast %eq3A_1248 : i32 to vector<16xi32>
      %eq3A_1250 = arith.cmpi eq, %select_n3A_1021, %eq3A_1249 : vector<16xi32>
      %select_n3A_1251 = arith.select %eq3A_1250, %sub3A_1034, %broadcast_in_dim3A_1036 : vector<16xi1>, vector<16xf32>
      %select_n3A_1252 = arith.select %eq3A_1247, %div3A_1031, %select_n3A_1251 : vector<16xi1>, vector<16xf32>
      %swap3A_1253 = arith.constant 15 : i32
      %swap3A_1254 = arith.index_cast %swap3A_1253 : i32 to index
      %swap3A_1255 = arith.constant 0 : index
      %swap3A_1256 = tpu.vector_load %arg5[%swap3A_1254, %swap3A_1255] {strides = array<i32>} : memref<64x16xf32, #tpu.memory_space<vmem>>, vector<1x16xf32>,
      %swap3A_1257 = vector.shape_cast %swap3A_1256 : vector<1x16xf32> to vector<16xf32>
      %swap3A_1258 = vector.shape_cast %select_n3A_1252 : vector<16xf32> to vector<1x16xf32>
      tpu.vector_store %arg5[%swap3A_1254, %swap3A_1255], %swap3A_1258 {strides = array<i32>} : memref<64x16xf32, #tpu.memory_space<vmem>>, vector<1x16xf32>,
      %eq3A_1259 = arith.constant 16 : i32
      %eq3A_1260 = vector.broadcast %eq3A_1259 : i32 to vector<16xi32>
      %eq3A_1261 = arith.cmpi eq, %select_n3A_1023, %eq3A_1260 : vector<16xi32>
      %eq3A_1262 = arith.constant 16 : i32
      %eq3A_1263 = vector.broadcast %eq3A_1262 : i32 to vector<16xi32>
      %eq3A_1264 = arith.cmpi eq, %select_n3A_1021, %eq3A_1263 : vector<16xi32>
      %select_n3A_1265 = arith.select %eq3A_1264, %sub3A_1034, %broadcast_in_dim3A_1036 : vector<16xi1>, vector<16xf32>
      %select_n3A_1266 = arith.select %eq3A_1261, %div3A_1031, %select_n3A_1265 : vector<16xi1>, vector<16xf32>
      %swap3A_1267 = arith.constant 16 : i32
      %swap3A_1268 = arith.index_cast %swap3A_1267 : i32 to index
      %swap3A_1269 = arith.constant 0 : index
      %swap3A_1270 = tpu.vector_load %arg5[%swap3A_1268, %swap3A_1269] {strides = array<i32>} : memref<64x16xf32, #tpu.memory_space<vmem>>, vector<1x16xf32>,
      %swap3A_1271 = vector.shape_cast %swap3A_1270 : vector<1x16xf32> to vector<16xf32>
      %swap3A_1272 = vector.shape_cast %select_n3A_1266 : vector<16xf32> to vector<1x16xf32>
      tpu.vector_store %arg5[%swap3A_1268, %swap3A_1269], %swap3A_1272 {strides = array<i32>} : memref<64x16xf32, #tpu.memory_space<vmem>>, vector<1x16xf32>,
      %eq3A_1273 = arith.constant 17 : i32
      %eq3A_1274 = vector.broadcast %eq3A_1273 : i32 to vector<16xi32>
      %eq3A_1275 = arith.cmpi eq, %select_n3A_1023, %eq3A_1274 : vector<16xi32>
      %eq3A_1276 = arith.constant 17 : i32
      %eq3A_1277 = vector.broadcast %eq3A_1276 : i32 to vector<16xi32>
      %eq3A_1278 = arith.cmpi eq, %select_n3A_1021, %eq3A_1277 : vector<16xi32>
      %select_n3A_1279 = arith.select %eq3A_1278, %sub3A_1034, %broadcast_in_dim3A_1036 : vector<16xi1>, vector<16xf32>
      %select_n3A_1280 = arith.select %eq3A_1275, %div3A_1031, %select_n3A_1279 : vector<16xi1>, vector<16xf32>
      %swap3A_1281 = arith.constant 17 : i32
      %swap3A_1282 = arith.index_cast %swap3A_1281 : i32 to index
      %swap3A_1283 = arith.constant 0 : index
      %swap3A_1284 = tpu.vector_load %arg5[%swap3A_1282, %swap3A_1283] {strides = array<i32>} : memref<64x16xf32, #tpu.memory_space<vmem>>, vector<1x16xf32>,
      %swap3A_1285 = vector.shape_cast %swap3A_1284 : vector<1x16xf32> to vector<16xf32>
      %swap3A_1286 = vector.shape_cast %select_n3A_1280 : vector<16xf32> to vector<1x16xf32>
      tpu.vector_store %arg5[%swap3A_1282, %swap3A_1283], %swap3A_1286 {strides = array<i32>} : memref<64x16xf32, #tpu.memory_space<vmem>>, vector<1x16xf32>,
      %eq3A_1287 = arith.constant 18 : i32
      %eq3A_1288 = vector.broadcast %eq3A_1287 : i32 to vector<16xi32>
      %eq3A_1289 = arith.cmpi eq, %select_n3A_1023, %eq3A_1288 : vector<16xi32>
      %eq3A_1290 = arith.constant 18 : i32
      %eq3A_1291 = vector.broadcast %eq3A_1290 : i32 to vector<16xi32>
      %eq3A_1292 = arith.cmpi eq, %select_n3A_1021, %eq3A_1291 : vector<16xi32>
      %select_n3A_1293 = arith.select %eq3A_1292, %sub3A_1034, %broadcast_in_dim3A_1036 : vector<16xi1>, vector<16xf32>
      %select_n3A_1294 = arith.select %eq3A_1289, %div3A_1031, %select_n3A_1293 : vector<16xi1>, vector<16xf32>
      %swap3A_1295 = arith.constant 18 : i32
      %swap3A_1296 = arith.index_cast %swap3A_1295 : i32 to index
      %swap3A_1297 = arith.constant 0 : index
      %swap3A_1298 = tpu.vector_load %arg5[%swap3A_1296, %swap3A_1297] {strides = array<i32>} : memref<64x16xf32, #tpu.memory_space<vmem>>, vector<1x16xf32>,
      %swap3A_1299 = vector.shape_cast %swap3A_1298 : vector<1x16xf32> to vector<16xf32>
      %swap3A_1300 = vector.shape_cast %select_n3A_1294 : vector<16xf32> to vector<1x16xf32>
      tpu.vector_store %arg5[%swap3A_1296, %swap3A_1297], %swap3A_1300 {strides = array<i32>} : memref<64x16xf32, #tpu.memory_space<vmem>>, vector<1x16xf32>,
      %eq3A_1301 = arith.constant 19 : i32
      %eq3A_1302 = vector.broadcast %eq3A_1301 : i32 to vector<16xi32>
      %eq3A_1303 = arith.cmpi eq, %select_n3A_1023, %eq3A_1302 : vector<16xi32>
      %eq3A_1304 = arith.constant 19 : i32
      %eq3A_1305 = vector.broadcast %eq3A_1304 : i32 to vector<16xi32>
      %eq3A_1306 = arith.cmpi eq, %select_n3A_1021, %eq3A_1305 : vector<16xi32>
      %select_n3A_1307 = arith.select %eq3A_1306, %sub3A_1034, %broadcast_in_dim3A_1036 : vector<16xi1>, vector<16xf32>
      %select_n3A_1308 = arith.select %eq3A_1303, %div3A_1031, %select_n3A_1307 : vector<16xi1>, vector<16xf32>
      %swap3A_1309 = arith.constant 19 : i32
      %swap3A_1310 = arith.index_cast %swap3A_1309 : i32 to index
      %swap3A_1311 = arith.constant 0 : index
      %swap3A_1312 = tpu.vector_load %arg5[%swap3A_1310, %swap3A_1311] {strides = array<i32>} : memref<64x16xf32, #tpu.memory_space<vmem>>, vector<1x16xf32>,
      %swap3A_1313 = vector.shape_cast %swap3A_1312 : vector<1x16xf32> to vector<16xf32>
      %swap3A_1314 = vector.shape_cast %select_n3A_1308 : vector<16xf32> to vector<1x16xf32>
      tpu.vector_store %arg5[%swap3A_1310, %swap3A_1311], %swap3A_1314 {strides = array<i32>} : memref<64x16xf32, #tpu.memory_space<vmem>>, vector<1x16xf32>,
      %eq3A_1315 = arith.constant 20 : i32
      %eq3A_1316 = vector.broadcast %eq3A_1315 : i32 to vector<16xi32>
      %eq3A_1317 = arith.cmpi eq, %select_n3A_1023, %eq3A_1316 : vector<16xi32>
      %eq3A_1318 = arith.constant 20 : i32
      %eq3A_1319 = vector.broadcast %eq3A_1318 : i32 to vector<16xi32>
      %eq3A_1320 = arith.cmpi eq, %select_n3A_1021, %eq3A_1319 : vector<16xi32>
      %select_n3A_1321 = arith.select %eq3A_1320, %sub3A_1034, %broadcast_in_dim3A_1036 : vector<16xi1>, vector<16xf32>
      %select_n3A_1322 = arith.select %eq3A_1317, %div3A_1031, %select_n3A_1321 : vector<16xi1>, vector<16xf32>
      %swap3A_1323 = arith.constant 20 : i32
      %swap3A_1324 = arith.index_cast %swap3A_1323 : i32 to index
      %swap3A_1325 = arith.constant 0 : index
      %swap3A_1326 = tpu.vector_load %arg5[%swap3A_1324, %swap3A_1325] {strides = array<i32>} : memref<64x16xf32, #tpu.memory_space<vmem>>, vector<1x16xf32>,
      %swap3A_1327 = vector.shape_cast %swap3A_1326 : vector<1x16xf32> to vector<16xf32>
      %swap3A_1328 = vector.shape_cast %select_n3A_1322 : vector<16xf32> to vector<1x16xf32>
      tpu.vector_store %arg5[%swap3A_1324, %swap3A_1325], %swap3A_1328 {strides = array<i32>} : memref<64x16xf32, #tpu.memory_space<vmem>>, vector<1x16xf32>,
      %eq3A_1329 = arith.constant 21 : i32
      %eq3A_1330 = vector.broadcast %eq3A_1329 : i32 to vector<16xi32>
      %eq3A_1331 = arith.cmpi eq, %select_n3A_1023, %eq3A_1330 : vector<16xi32>
      %eq3A_1332 = arith.constant 21 : i32
      %eq3A_1333 = vector.broadcast %eq3A_1332 : i32 to vector<16xi32>
      %eq3A_1334 = arith.cmpi eq, %select_n3A_1021, %eq3A_1333 : vector<16xi32>
      %select_n3A_1335 = arith.select %eq3A_1334, %sub3A_1034, %broadcast_in_dim3A_1036 : vector<16xi1>, vector<16xf32>
      %select_n3A_1336 = arith.select %eq3A_1331, %div3A_1031, %select_n3A_1335 : vector<16xi1>, vector<16xf32>
      %swap3A_1337 = arith.constant 21 : i32
      %swap3A_1338 = arith.index_cast %swap3A_1337 : i32 to index
      %swap3A_1339 = arith.constant 0 : index
      %swap3A_1340 = tpu.vector_load %arg5[%swap3A_1338, %swap3A_1339] {strides = array<i32>} : memref<64x16xf32, #tpu.memory_space<vmem>>, vector<1x16xf32>,
      %swap3A_1341 = vector.shape_cast %swap3A_1340 : vector<1x16xf32> to vector<16xf32>
      %swap3A_1342 = vector.shape_cast %select_n3A_1336 : vector<16xf32> to vector<1x16xf32>
      tpu.vector_store %arg5[%swap3A_1338, %swap3A_1339], %swap3A_1342 {strides = array<i32>} : memref<64x16xf32, #tpu.memory_space<vmem>>, vector<1x16xf32>,
      %eq3A_1343 = arith.constant 22 : i32
      %eq3A_1344 = vector.broadcast %eq3A_1343 : i32 to vector<16xi32>
      %eq3A_1345 = arith.cmpi eq, %select_n3A_1023, %eq3A_1344 : vector<16xi32>
      %eq3A_1346 = arith.constant 22 : i32
      %eq3A_1347 = vector.broadcast %eq3A_1346 : i32 to vector<16xi32>
      %eq3A_1348 = arith.cmpi eq, %select_n3A_1021, %eq3A_1347 : vector<16xi32>
      %select_n3A_1349 = arith.select %eq3A_1348, %sub3A_1034, %broadcast_in_dim3A_1036 : vector<16xi1>, vector<16xf32>
      %select_n3A_1350 = arith.select %eq3A_1345, %div3A_1031, %select_n3A_1349 : vector<16xi1>, vector<16xf32>
      %swap3A_1351 = arith.constant 22 : i32
      %swap3A_1352 = arith.index_cast %swap3A_1351 : i32 to index
      %swap3A_1353 = arith.constant 0 : index
      %swap3A_1354 = tpu.vector_load %arg5[%swap3A_1352, %swap3A_1353] {strides = array<i32>} : memref<64x16xf32, #tpu.memory_space<vmem>>, vector<1x16xf32>,
      %swap3A_1355 = vector.shape_cast %swap3A_1354 : vector<1x16xf32> to vector<16xf32>
      %swap3A_1356 = vector.shape_cast %select_n3A_1350 : vector<16xf32> to vector<1x16xf32>
      tpu.vector_store %arg5[%swap3A_1352, %swap3A_1353], %swap3A_1356 {strides = array<i32>} : memref<64x16xf32, #tpu.memory_space<vmem>>, vector<1x16xf32>,
      %eq3A_1357 = arith.constant 23 : i32
      %eq3A_1358 = vector.broadcast %eq3A_1357 : i32 to vector<16xi32>
      %eq3A_1359 = arith.cmpi eq, %select_n3A_1023, %eq3A_1358 : vector<16xi32>
      %eq3A_1360 = arith.constant 23 : i32
      %eq3A_1361 = vector.broadcast %eq3A_1360 : i32 to vector<16xi32>
      %eq3A_1362 = arith.cmpi eq, %select_n3A_1021, %eq3A_1361 : vector<16xi32>
      %select_n3A_1363 = arith.select %eq3A_1362, %sub3A_1034, %broadcast_in_dim3A_1036 : vector<16xi1>, vector<16xf32>
      %select_n3A_1364 = arith.select %eq3A_1359, %div3A_1031, %select_n3A_1363 : vector<16xi1>, vector<16xf32>
      %swap3A_1365 = arith.constant 23 : i32
      %swap3A_1366 = arith.index_cast %swap3A_1365 : i32 to index
      %swap3A_1367 = arith.constant 0 : index
      %swap3A_1368 = tpu.vector_load %arg5[%swap3A_1366, %swap3A_1367] {strides = array<i32>} : memref<64x16xf32, #tpu.memory_space<vmem>>, vector<1x16xf32>,
      %swap3A_1369 = vector.shape_cast %swap3A_1368 : vector<1x16xf32> to vector<16xf32>
      %swap3A_1370 = vector.shape_cast %select_n3A_1364 : vector<16xf32> to vector<1x16xf32>
      tpu.vector_store %arg5[%swap3A_1366, %swap3A_1367], %swap3A_1370 {strides = array<i32>} : memref<64x16xf32, #tpu.memory_space<vmem>>, vector<1x16xf32>,
      %eq3A_1371 = arith.constant 24 : i32
      %eq3A_1372 = vector.broadcast %eq3A_1371 : i32 to vector<16xi32>
      %eq3A_1373 = arith.cmpi eq, %select_n3A_1023, %eq3A_1372 : vector<16xi32>
      %eq3A_1374 = arith.constant 24 : i32
      %eq3A_1375 = vector.broadcast %eq3A_1374 : i32 to vector<16xi32>
      %eq3A_1376 = arith.cmpi eq, %select_n3A_1021, %eq3A_1375 : vector<16xi32>
      %select_n3A_1377 = arith.select %eq3A_1376, %sub3A_1034, %broadcast_in_dim3A_1036 : vector<16xi1>, vector<16xf32>
      %select_n3A_1378 = arith.select %eq3A_1373, %div3A_1031, %select_n3A_1377 : vector<16xi1>, vector<16xf32>
      %swap3A_1379 = arith.constant 24 : i32
      %swap3A_1380 = arith.index_cast %swap3A_1379 : i32 to index
      %swap3A_1381 = arith.constant 0 : index
      %swap3A_1382 = tpu.vector_load %arg5[%swap3A_1380, %swap3A_1381] {strides = array<i32>} : memref<64x16xf32, #tpu.memory_space<vmem>>, vector<1x16xf32>,
      %swap3A_1383 = vector.shape_cast %swap3A_1382 : vector<1x16xf32> to vector<16xf32>
      %swap3A_1384 = vector.shape_cast %select_n3A_1378 : vector<16xf32> to vector<1x16xf32>
      tpu.vector_store %arg5[%swap3A_1380, %swap3A_1381], %swap3A_1384 {strides = array<i32>} : memref<64x16xf32, #tpu.memory_space<vmem>>, vector<1x16xf32>,
      %eq3A_1385 = arith.constant 25 : i32
      %eq3A_1386 = vector.broadcast %eq3A_1385 : i32 to vector<16xi32>
      %eq3A_1387 = arith.cmpi eq, %select_n3A_1023, %eq3A_1386 : vector<16xi32>
      %eq3A_1388 = arith.constant 25 : i32
      %eq3A_1389 = vector.broadcast %eq3A_1388 : i32 to vector<16xi32>
      %eq3A_1390 = arith.cmpi eq, %select_n3A_1021, %eq3A_1389 : vector<16xi32>
      %select_n3A_1391 = arith.select %eq3A_1390, %sub3A_1034, %broadcast_in_dim3A_1036 : vector<16xi1>, vector<16xf32>
      %select_n3A_1392 = arith.select %eq3A_1387, %div3A_1031, %select_n3A_1391 : vector<16xi1>, vector<16xf32>
      %swap3A_1393 = arith.constant 25 : i32
      %swap3A_1394 = arith.index_cast %swap3A_1393 : i32 to index
      %swap3A_1395 = arith.constant 0 : index
      %swap3A_1396 = tpu.vector_load %arg5[%swap3A_1394, %swap3A_1395] {strides = array<i32>} : memref<64x16xf32, #tpu.memory_space<vmem>>, vector<1x16xf32>,
      %swap3A_1397 = vector.shape_cast %swap3A_1396 : vector<1x16xf32> to vector<16xf32>
      %swap3A_1398 = vector.shape_cast %select_n3A_1392 : vector<16xf32> to vector<1x16xf32>
      tpu.vector_store %arg5[%swap3A_1394, %swap3A_1395], %swap3A_1398 {strides = array<i32>} : memref<64x16xf32, #tpu.memory_space<vmem>>, vector<1x16xf32>,
      %eq3A_1399 = arith.constant 26 : i32
      %eq3A_1400 = vector.broadcast %eq3A_1399 : i32 to vector<16xi32>
      %eq3A_1401 = arith.cmpi eq, %select_n3A_1023, %eq3A_1400 : vector<16xi32>
      %eq3A_1402 = arith.constant 26 : i32
      %eq3A_1403 = vector.broadcast %eq3A_1402 : i32 to vector<16xi32>
      %eq3A_1404 = arith.cmpi eq, %select_n3A_1021, %eq3A_1403 : vector<16xi32>
      %select_n3A_1405 = arith.select %eq3A_1404, %sub3A_1034, %broadcast_in_dim3A_1036 : vector<16xi1>, vector<16xf32>
      %select_n3A_1406 = arith.select %eq3A_1401, %div3A_1031, %select_n3A_1405 : vector<16xi1>, vector<16xf32>
      %swap3A_1407 = arith.constant 26 : i32
      %swap3A_1408 = arith.index_cast %swap3A_1407 : i32 to index
      %swap3A_1409 = arith.constant 0 : index
      %swap3A_1410 = tpu.vector_load %arg5[%swap3A_1408, %swap3A_1409] {strides = array<i32>} : memref<64x16xf32, #tpu.memory_space<vmem>>, vector<1x16xf32>,
      %swap3A_1411 = vector.shape_cast %swap3A_1410 : vector<1x16xf32> to vector<16xf32>
      %swap3A_1412 = vector.shape_cast %select_n3A_1406 : vector<16xf32> to vector<1x16xf32>
      tpu.vector_store %arg5[%swap3A_1408, %swap3A_1409], %swap3A_1412 {strides = array<i32>} : memref<64x16xf32, #tpu.memory_space<vmem>>, vector<1x16xf32>,
      %eq3A_1413 = arith.constant 27 : i32
      %eq3A_1414 = vector.broadcast %eq3A_1413 : i32 to vector<16xi32>
      %eq3A_1415 = arith.cmpi eq, %select_n3A_1023, %eq3A_1414 : vector<16xi32>
      %eq3A_1416 = arith.constant 27 : i32
      %eq3A_1417 = vector.broadcast %eq3A_1416 : i32 to vector<16xi32>
      %eq3A_1418 = arith.cmpi eq, %select_n3A_1021, %eq3A_1417 : vector<16xi32>
      %select_n3A_1419 = arith.select %eq3A_1418, %sub3A_1034, %broadcast_in_dim3A_1036 : vector<16xi1>, vector<16xf32>
      %select_n3A_1420 = arith.select %eq3A_1415, %div3A_1031, %select_n3A_1419 : vector<16xi1>, vector<16xf32>
      %swap3A_1421 = arith.constant 27 : i32
      %swap3A_1422 = arith.index_cast %swap3A_1421 : i32 to index
      %swap3A_1423 = arith.constant 0 : index
      %swap3A_1424 = tpu.vector_load %arg5[%swap3A_1422, %swap3A_1423] {strides = array<i32>} : memref<64x16xf32, #tpu.memory_space<vmem>>, vector<1x16xf32>,
      %swap3A_1425 = vector.shape_cast %swap3A_1424 : vector<1x16xf32> to vector<16xf32>
      %swap3A_1426 = vector.shape_cast %select_n3A_1420 : vector<16xf32> to vector<1x16xf32>
      tpu.vector_store %arg5[%swap3A_1422, %swap3A_1423], %swap3A_1426 {strides = array<i32>} : memref<64x16xf32, #tpu.memory_space<vmem>>, vector<1x16xf32>,
      %eq3A_1427 = arith.constant 28 : i32
      %eq3A_1428 = vector.broadcast %eq3A_1427 : i32 to vector<16xi32>
      %eq3A_1429 = arith.cmpi eq, %select_n3A_1023, %eq3A_1428 : vector<16xi32>
      %eq3A_1430 = arith.constant 28 : i32
      %eq3A_1431 = vector.broadcast %eq3A_1430 : i32 to vector<16xi32>
      %eq3A_1432 = arith.cmpi eq, %select_n3A_1021, %eq3A_1431 : vector<16xi32>
      %select_n3A_1433 = arith.select %eq3A_1432, %sub3A_1034, %broadcast_in_dim3A_1036 : vector<16xi1>, vector<16xf32>
      %select_n3A_1434 = arith.select %eq3A_1429, %div3A_1031, %select_n3A_1433 : vector<16xi1>, vector<16xf32>
      %swap3A_1435 = arith.constant 28 : i32
      %swap3A_1436 = arith.index_cast %swap3A_1435 : i32 to index
      %swap3A_1437 = arith.constant 0 : index
      %swap3A_1438 = tpu.vector_load %arg5[%swap3A_1436, %swap3A_1437] {strides = array<i32>} : memref<64x16xf32, #tpu.memory_space<vmem>>, vector<1x16xf32>,
      %swap3A_1439 = vector.shape_cast %swap3A_1438 : vector<1x16xf32> to vector<16xf32>
      %swap3A_1440 = vector.shape_cast %select_n3A_1434 : vector<16xf32> to vector<1x16xf32>
      tpu.vector_store %arg5[%swap3A_1436, %swap3A_1437], %swap3A_1440 {strides = array<i32>} : memref<64x16xf32, #tpu.memory_space<vmem>>, vector<1x16xf32>,
      %eq3A_1441 = arith.constant 29 : i32
      %eq3A_1442 = vector.broadcast %eq3A_1441 : i32 to vector<16xi32>
      %eq3A_1443 = arith.cmpi eq, %select_n3A_1023, %eq3A_1442 : vector<16xi32>
      %eq3A_1444 = arith.constant 29 : i32
      %eq3A_1445 = vector.broadcast %eq3A_1444 : i32 to vector<16xi32>
      %eq3A_1446 = arith.cmpi eq, %select_n3A_1021, %eq3A_1445 : vector<16xi32>
      %select_n3A_1447 = arith.select %eq3A_1446, %sub3A_1034, %broadcast_in_dim3A_1036 : vector<16xi1>, vector<16xf32>
      %select_n3A_1448 = arith.select %eq3A_1443, %div3A_1031, %select_n3A_1447 : vector<16xi1>, vector<16xf32>
      %swap3A_1449 = arith.constant 29 : i32
      %swap3A_1450 = arith.index_cast %swap3A_1449 : i32 to index
      %swap3A_1451 = arith.constant 0 : index
      %swap3A_1452 = tpu.vector_load %arg5[%swap3A_1450, %swap3A_1451] {strides = array<i32>} : memref<64x16xf32, #tpu.memory_space<vmem>>, vector<1x16xf32>,
      %swap3A_1453 = vector.shape_cast %swap3A_1452 : vector<1x16xf32> to vector<16xf32>
      %swap3A_1454 = vector.shape_cast %select_n3A_1448 : vector<16xf32> to vector<1x16xf32>
      tpu.vector_store %arg5[%swap3A_1450, %swap3A_1451], %swap3A_1454 {strides = array<i32>} : memref<64x16xf32, #tpu.memory_space<vmem>>, vector<1x16xf32>,
      %eq3A_1455 = arith.constant 30 : i32
      %eq3A_1456 = vector.broadcast %eq3A_1455 : i32 to vector<16xi32>
      %eq3A_1457 = arith.cmpi eq, %select_n3A_1023, %eq3A_1456 : vector<16xi32>
      %eq3A_1458 = arith.constant 30 : i32
      %eq3A_1459 = vector.broadcast %eq3A_1458 : i32 to vector<16xi32>
      %eq3A_1460 = arith.cmpi eq, %select_n3A_1021, %eq3A_1459 : vector<16xi32>
      %select_n3A_1461 = arith.select %eq3A_1460, %sub3A_1034, %broadcast_in_dim3A_1036 : vector<16xi1>, vector<16xf32>
      %select_n3A_1462 = arith.select %eq3A_1457, %div3A_1031, %select_n3A_1461 : vector<16xi1>, vector<16xf32>
      %swap3A_1463 = arith.constant 30 : i32
      %swap3A_1464 = arith.index_cast %swap3A_1463 : i32 to index
      %swap3A_1465 = arith.constant 0 : index
      %swap3A_1466 = tpu.vector_load %arg5[%swap3A_1464, %swap3A_1465] {strides = array<i32>} : memref<64x16xf32, #tpu.memory_space<vmem>>, vector<1x16xf32>,
      %swap3A_1467 = vector.shape_cast %swap3A_1466 : vector<1x16xf32> to vector<16xf32>
      %swap3A_1468 = vector.shape_cast %select_n3A_1462 : vector<16xf32> to vector<1x16xf32>
      tpu.vector_store %arg5[%swap3A_1464, %swap3A_1465], %swap3A_1468 {strides = array<i32>} : memref<64x16xf32, #tpu.memory_space<vmem>>, vector<1x16xf32>,
      %eq3A_1469 = arith.constant 31 : i32
      %eq3A_1470 = vector.broadcast %eq3A_1469 : i32 to vector<16xi32>
      %eq3A_1471 = arith.cmpi eq, %select_n3A_1023, %eq3A_1470 : vector<16xi32>
      %eq3A_1472 = arith.constant 31 : i32
      %eq3A_1473 = vector.broadcast %eq3A_1472 : i32 to vector<16xi32>
      %eq3A_1474 = arith.cmpi eq, %select_n3A_1021, %eq3A_1473 : vector<16xi32>
      %select_n3A_1475 = arith.select %eq3A_1474, %sub3A_1034, %broadcast_in_dim3A_1036 : vector<16xi1>, vector<16xf32>
      %select_n3A_1476 = arith.select %eq3A_1471, %div3A_1031, %select_n3A_1475 : vector<16xi1>, vector<16xf32>
      %swap3A_1477 = arith.constant 31 : i32
      %swap3A_1478 = arith.index_cast %swap3A_1477 : i32 to index
      %swap3A_1479 = arith.constant 0 : index
      %swap3A_1480 = tpu.vector_load %arg5[%swap3A_1478, %swap3A_1479] {strides = array<i32>} : memref<64x16xf32, #tpu.memory_space<vmem>>, vector<1x16xf32>,
      %swap3A_1481 = vector.shape_cast %swap3A_1480 : vector<1x16xf32> to vector<16xf32>
      %swap3A_1482 = vector.shape_cast %select_n3A_1476 : vector<16xf32> to vector<1x16xf32>
      tpu.vector_store %arg5[%swap3A_1478, %swap3A_1479], %swap3A_1482 {strides = array<i32>} : memref<64x16xf32, #tpu.memory_space<vmem>>, vector<1x16xf32>,
      %eq3A_1483 = arith.constant 32 : i32
      %eq3A_1484 = vector.broadcast %eq3A_1483 : i32 to vector<16xi32>
      %eq3A_1485 = arith.cmpi eq, %select_n3A_1023, %eq3A_1484 : vector<16xi32>
      %eq3A_1486 = arith.constant 32 : i32
      %eq3A_1487 = vector.broadcast %eq3A_1486 : i32 to vector<16xi32>
      %eq3A_1488 = arith.cmpi eq, %select_n3A_1021, %eq3A_1487 : vector<16xi32>
      %select_n3A_1489 = arith.select %eq3A_1488, %sub3A_1034, %broadcast_in_dim3A_1036 : vector<16xi1>, vector<16xf32>
      %select_n3A_1490 = arith.select %eq3A_1485, %div3A_1031, %select_n3A_1489 : vector<16xi1>, vector<16xf32>
      %swap3A_1491 = arith.constant 32 : i32
      %swap3A_1492 = arith.index_cast %swap3A_1491 : i32 to index
      %swap3A_1493 = arith.constant 0 : index
      %swap3A_1494 = tpu.vector_load %arg5[%swap3A_1492, %swap3A_1493] {strides = array<i32>} : memref<64x16xf32, #tpu.memory_space<vmem>>, vector<1x16xf32>,
      %swap3A_1495 = vector.shape_cast %swap3A_1494 : vector<1x16xf32> to vector<16xf32>
      %swap3A_1496 = vector.shape_cast %select_n3A_1490 : vector<16xf32> to vector<1x16xf32>
      tpu.vector_store %arg5[%swap3A_1492, %swap3A_1493], %swap3A_1496 {strides = array<i32>} : memref<64x16xf32, #tpu.memory_space<vmem>>, vector<1x16xf32>,
      %eq3A_1497 = arith.constant 33 : i32
      %eq3A_1498 = vector.broadcast %eq3A_1497 : i32 to vector<16xi32>
      %eq3A_1499 = arith.cmpi eq, %select_n3A_1023, %eq3A_1498 : vector<16xi32>
      %eq3A_1500 = arith.constant 33 : i32
      %eq3A_1501 = vector.broadcast %eq3A_1500 : i32 to vector<16xi32>
      %eq3A_1502 = arith.cmpi eq, %select_n3A_1021, %eq3A_1501 : vector<16xi32>
      %select_n3A_1503 = arith.select %eq3A_1502, %sub3A_1034, %broadcast_in_dim3A_1036 : vector<16xi1>, vector<16xf32>
      %select_n3A_1504 = arith.select %eq3A_1499, %div3A_1031, %select_n3A_1503 : vector<16xi1>, vector<16xf32>
      %swap3A_1505 = arith.constant 33 : i32
      %swap3A_1506 = arith.index_cast %swap3A_1505 : i32 to index
      %swap3A_1507 = arith.constant 0 : index
      %swap3A_1508 = tpu.vector_load %arg5[%swap3A_1506, %swap3A_1507] {strides = array<i32>} : memref<64x16xf32, #tpu.memory_space<vmem>>, vector<1x16xf32>,
      %swap3A_1509 = vector.shape_cast %swap3A_1508 : vector<1x16xf32> to vector<16xf32>
      %swap3A_1510 = vector.shape_cast %select_n3A_1504 : vector<16xf32> to vector<1x16xf32>
      tpu.vector_store %arg5[%swap3A_1506, %swap3A_1507], %swap3A_1510 {strides = array<i32>} : memref<64x16xf32, #tpu.memory_space<vmem>>, vector<1x16xf32>,
      %eq3A_1511 = arith.constant 34 : i32
      %eq3A_1512 = vector.broadcast %eq3A_1511 : i32 to vector<16xi32>
      %eq3A_1513 = arith.cmpi eq, %select_n3A_1023, %eq3A_1512 : vector<16xi32>
      %eq3A_1514 = arith.constant 34 : i32
      %eq3A_1515 = vector.broadcast %eq3A_1514 : i32 to vector<16xi32>
      %eq3A_1516 = arith.cmpi eq, %select_n3A_1021, %eq3A_1515 : vector<16xi32>
      %select_n3A_1517 = arith.select %eq3A_1516, %sub3A_1034, %broadcast_in_dim3A_1036 : vector<16xi1>, vector<16xf32>
      %select_n3A_1518 = arith.select %eq3A_1513, %div3A_1031, %select_n3A_1517 : vector<16xi1>, vector<16xf32>
      %swap3A_1519 = arith.constant 34 : i32
      %swap3A_1520 = arith.index_cast %swap3A_1519 : i32 to index
      %swap3A_1521 = arith.constant 0 : index
      %swap3A_1522 = tpu.vector_load %arg5[%swap3A_1520, %swap3A_1521] {strides = array<i32>} : memref<64x16xf32, #tpu.memory_space<vmem>>, vector<1x16xf32>,
      %swap3A_1523 = vector.shape_cast %swap3A_1522 : vector<1x16xf32> to vector<16xf32>
      %swap3A_1524 = vector.shape_cast %select_n3A_1518 : vector<16xf32> to vector<1x16xf32>
      tpu.vector_store %arg5[%swap3A_1520, %swap3A_1521], %swap3A_1524 {strides = array<i32>} : memref<64x16xf32, #tpu.memory_space<vmem>>, vector<1x16xf32>,
      %eq3A_1525 = arith.constant 35 : i32
      %eq3A_1526 = vector.broadcast %eq3A_1525 : i32 to vector<16xi32>
      %eq3A_1527 = arith.cmpi eq, %select_n3A_1023, %eq3A_1526 : vector<16xi32>
      %eq3A_1528 = arith.constant 35 : i32
      %eq3A_1529 = vector.broadcast %eq3A_1528 : i32 to vector<16xi32>
      %eq3A_1530 = arith.cmpi eq, %select_n3A_1021, %eq3A_1529 : vector<16xi32>
      %select_n3A_1531 = arith.select %eq3A_1530, %sub3A_1034, %broadcast_in_dim3A_1036 : vector<16xi1>, vector<16xf32>
      %select_n3A_1532 = arith.select %eq3A_1527, %div3A_1031, %select_n3A_1531 : vector<16xi1>, vector<16xf32>
      %swap3A_1533 = arith.constant 35 : i32
      %swap3A_1534 = arith.index_cast %swap3A_1533 : i32 to index
      %swap3A_1535 = arith.constant 0 : index
      %swap3A_1536 = tpu.vector_load %arg5[%swap3A_1534, %swap3A_1535] {strides = array<i32>} : memref<64x16xf32, #tpu.memory_space<vmem>>, vector<1x16xf32>,
      %swap3A_1537 = vector.shape_cast %swap3A_1536 : vector<1x16xf32> to vector<16xf32>
      %swap3A_1538 = vector.shape_cast %select_n3A_1532 : vector<16xf32> to vector<1x16xf32>
      tpu.vector_store %arg5[%swap3A_1534, %swap3A_1535], %swap3A_1538 {strides = array<i32>} : memref<64x16xf32, #tpu.memory_space<vmem>>, vector<1x16xf32>,
      %eq3A_1539 = arith.constant 36 : i32
      %eq3A_1540 = vector.broadcast %eq3A_1539 : i32 to vector<16xi32>
      %eq3A_1541 = arith.cmpi eq, %select_n3A_1023, %eq3A_1540 : vector<16xi32>
      %eq3A_1542 = arith.constant 36 : i32
      %eq3A_1543 = vector.broadcast %eq3A_1542 : i32 to vector<16xi32>
      %eq3A_1544 = arith.cmpi eq, %select_n3A_1021, %eq3A_1543 : vector<16xi32>
      %select_n3A_1545 = arith.select %eq3A_1544, %sub3A_1034, %broadcast_in_dim3A_1036 : vector<16xi1>, vector<16xf32>
      %select_n3A_1546 = arith.select %eq3A_1541, %div3A_1031, %select_n3A_1545 : vector<16xi1>, vector<16xf32>
      %swap3A_1547 = arith.constant 36 : i32
      %swap3A_1548 = arith.index_cast %swap3A_1547 : i32 to index
      %swap3A_1549 = arith.constant 0 : index
      %swap3A_1550 = tpu.vector_load %arg5[%swap3A_1548, %swap3A_1549] {strides = array<i32>} : memref<64x16xf32, #tpu.memory_space<vmem>>, vector<1x16xf32>,
      %swap3A_1551 = vector.shape_cast %swap3A_1550 : vector<1x16xf32> to vector<16xf32>
      %swap3A_1552 = vector.shape_cast %select_n3A_1546 : vector<16xf32> to vector<1x16xf32>
      tpu.vector_store %arg5[%swap3A_1548, %swap3A_1549], %swap3A_1552 {strides = array<i32>} : memref<64x16xf32, #tpu.memory_space<vmem>>, vector<1x16xf32>,
      %eq3A_1553 = arith.constant 37 : i32
      %eq3A_1554 = vector.broadcast %eq3A_1553 : i32 to vector<16xi32>
      %eq3A_1555 = arith.cmpi eq, %select_n3A_1023, %eq3A_1554 : vector<16xi32>
      %eq3A_1556 = arith.constant 37 : i32
      %eq3A_1557 = vector.broadcast %eq3A_1556 : i32 to vector<16xi32>
      %eq3A_1558 = arith.cmpi eq, %select_n3A_1021, %eq3A_1557 : vector<16xi32>
      %select_n3A_1559 = arith.select %eq3A_1558, %sub3A_1034, %broadcast_in_dim3A_1036 : vector<16xi1>, vector<16xf32>
      %select_n3A_1560 = arith.select %eq3A_1555, %div3A_1031, %select_n3A_1559 : vector<16xi1>, vector<16xf32>
      %swap3A_1561 = arith.constant 37 : i32
      %swap3A_1562 = arith.index_cast %swap3A_1561 : i32 to index
      %swap3A_1563 = arith.constant 0 : index
      %swap3A_1564 = tpu.vector_load %arg5[%swap3A_1562, %swap3A_1563] {strides = array<i32>} : memref<64x16xf32, #tpu.memory_space<vmem>>, vector<1x16xf32>,
      %swap3A_1565 = vector.shape_cast %swap3A_1564 : vector<1x16xf32> to vector<16xf32>
      %swap3A_1566 = vector.shape_cast %select_n3A_1560 : vector<16xf32> to vector<1x16xf32>
      tpu.vector_store %arg5[%swap3A_1562, %swap3A_1563], %swap3A_1566 {strides = array<i32>} : memref<64x16xf32, #tpu.memory_space<vmem>>, vector<1x16xf32>,
      %eq3A_1567 = arith.constant 38 : i32
      %eq3A_1568 = vector.broadcast %eq3A_1567 : i32 to vector<16xi32>
      %eq3A_1569 = arith.cmpi eq, %select_n3A_1023, %eq3A_1568 : vector<16xi32>
      %eq3A_1570 = arith.constant 38 : i32
      %eq3A_1571 = vector.broadcast %eq3A_1570 : i32 to vector<16xi32>
      %eq3A_1572 = arith.cmpi eq, %select_n3A_1021, %eq3A_1571 : vector<16xi32>
      %select_n3A_1573 = arith.select %eq3A_1572, %sub3A_1034, %broadcast_in_dim3A_1036 : vector<16xi1>, vector<16xf32>
      %select_n3A_1574 = arith.select %eq3A_1569, %div3A_1031, %select_n3A_1573 : vector<16xi1>, vector<16xf32>
      %swap3A_1575 = arith.constant 38 : i32
      %swap3A_1576 = arith.index_cast %swap3A_1575 : i32 to index
      %swap3A_1577 = arith.constant 0 : index
      %swap3A_1578 = tpu.vector_load %arg5[%swap3A_1576, %swap3A_1577] {strides = array<i32>} : memref<64x16xf32, #tpu.memory_space<vmem>>, vector<1x16xf32>,
      %swap3A_1579 = vector.shape_cast %swap3A_1578 : vector<1x16xf32> to vector<16xf32>
      %swap3A_1580 = vector.shape_cast %select_n3A_1574 : vector<16xf32> to vector<1x16xf32>
      tpu.vector_store %arg5[%swap3A_1576, %swap3A_1577], %swap3A_1580 {strides = array<i32>} : memref<64x16xf32, #tpu.memory_space<vmem>>, vector<1x16xf32>,
      %eq3A_1581 = arith.constant 39 : i32
      %eq3A_1582 = vector.broadcast %eq3A_1581 : i32 to vector<16xi32>
      %eq3A_1583 = arith.cmpi eq, %select_n3A_1023, %eq3A_1582 : vector<16xi32>
      %eq3A_1584 = arith.constant 39 : i32
      %eq3A_1585 = vector.broadcast %eq3A_1584 : i32 to vector<16xi32>
      %eq3A_1586 = arith.cmpi eq, %select_n3A_1021, %eq3A_1585 : vector<16xi32>
      %select_n3A_1587 = arith.select %eq3A_1586, %sub3A_1034, %broadcast_in_dim3A_1036 : vector<16xi1>, vector<16xf32>
      %select_n3A_1588 = arith.select %eq3A_1583, %div3A_1031, %select_n3A_1587 : vector<16xi1>, vector<16xf32>
      %swap3A_1589 = arith.constant 39 : i32
      %swap3A_1590 = arith.index_cast %swap3A_1589 : i32 to index
      %swap3A_1591 = arith.constant 0 : index
      %swap3A_1592 = tpu.vector_load %arg5[%swap3A_1590, %swap3A_1591] {strides = array<i32>} : memref<64x16xf32, #tpu.memory_space<vmem>>, vector<1x16xf32>,
      %swap3A_1593 = vector.shape_cast %swap3A_1592 : vector<1x16xf32> to vector<16xf32>
      %swap3A_1594 = vector.shape_cast %select_n3A_1588 : vector<16xf32> to vector<1x16xf32>
      tpu.vector_store %arg5[%swap3A_1590, %swap3A_1591], %swap3A_1594 {strides = array<i32>} : memref<64x16xf32, #tpu.memory_space<vmem>>, vector<1x16xf32>,
      %eq3A_1595 = arith.constant 40 : i32
      %eq3A_1596 = vector.broadcast %eq3A_1595 : i32 to vector<16xi32>
      %eq3A_1597 = arith.cmpi eq, %select_n3A_1023, %eq3A_1596 : vector<16xi32>
      %eq3A_1598 = arith.constant 40 : i32
      %eq3A_1599 = vector.broadcast %eq3A_1598 : i32 to vector<16xi32>
      %eq3A_1600 = arith.cmpi eq, %select_n3A_1021, %eq3A_1599 : vector<16xi32>
      %select_n3A_1601 = arith.select %eq3A_1600, %sub3A_1034, %broadcast_in_dim3A_1036 : vector<16xi1>, vector<16xf32>
      %select_n3A_1602 = arith.select %eq3A_1597, %div3A_1031, %select_n3A_1601 : vector<16xi1>, vector<16xf32>
      %swap3A_1603 = arith.constant 40 : i32
      %swap3A_1604 = arith.index_cast %swap3A_1603 : i32 to index
      %swap3A_1605 = arith.constant 0 : index
      %swap3A_1606 = tpu.vector_load %arg5[%swap3A_1604, %swap3A_1605] {strides = array<i32>} : memref<64x16xf32, #tpu.memory_space<vmem>>, vector<1x16xf32>,
      %swap3A_1607 = vector.shape_cast %swap3A_1606 : vector<1x16xf32> to vector<16xf32>
      %swap3A_1608 = vector.shape_cast %select_n3A_1602 : vector<16xf32> to vector<1x16xf32>
      tpu.vector_store %arg5[%swap3A_1604, %swap3A_1605], %swap3A_1608 {strides = array<i32>} : memref<64x16xf32, #tpu.memory_space<vmem>>, vector<1x16xf32>,
      %eq3A_1609 = arith.constant 41 : i32
      %eq3A_1610 = vector.broadcast %eq3A_1609 : i32 to vector<16xi32>
      %eq3A_1611 = arith.cmpi eq, %select_n3A_1023, %eq3A_1610 : vector<16xi32>
      %eq3A_1612 = arith.constant 41 : i32
      %eq3A_1613 = vector.broadcast %eq3A_1612 : i32 to vector<16xi32>
      %eq3A_1614 = arith.cmpi eq, %select_n3A_1021, %eq3A_1613 : vector<16xi32>
      %select_n3A_1615 = arith.select %eq3A_1614, %sub3A_1034, %broadcast_in_dim3A_1036 : vector<16xi1>, vector<16xf32>
      %select_n3A_1616 = arith.select %eq3A_1611, %div3A_1031, %select_n3A_1615 : vector<16xi1>, vector<16xf32>
      %swap3A_1617 = arith.constant 41 : i32
      %swap3A_1618 = arith.index_cast %swap3A_1617 : i32 to index
      %swap3A_1619 = arith.constant 0 : index
      %swap3A_1620 = tpu.vector_load %arg5[%swap3A_1618, %swap3A_1619] {strides = array<i32>} : memref<64x16xf32, #tpu.memory_space<vmem>>, vector<1x16xf32>,
      %swap3A_1621 = vector.shape_cast %swap3A_1620 : vector<1x16xf32> to vector<16xf32>
      %swap3A_1622 = vector.shape_cast %select_n3A_1616 : vector<16xf32> to vector<1x16xf32>
      tpu.vector_store %arg5[%swap3A_1618, %swap3A_1619], %swap3A_1622 {strides = array<i32>} : memref<64x16xf32, #tpu.memory_space<vmem>>, vector<1x16xf32>,
      %eq3A_1623 = arith.constant 42 : i32
      %eq3A_1624 = vector.broadcast %eq3A_1623 : i32 to vector<16xi32>
      %eq3A_1625 = arith.cmpi eq, %select_n3A_1023, %eq3A_1624 : vector<16xi32>
      %eq3A_1626 = arith.constant 42 : i32
      %eq3A_1627 = vector.broadcast %eq3A_1626 : i32 to vector<16xi32>
      %eq3A_1628 = arith.cmpi eq, %select_n3A_1021, %eq3A_1627 : vector<16xi32>
      %select_n3A_1629 = arith.select %eq3A_1628, %sub3A_1034, %broadcast_in_dim3A_1036 : vector<16xi1>, vector<16xf32>
      %select_n3A_1630 = arith.select %eq3A_1625, %div3A_1031, %select_n3A_1629 : vector<16xi1>, vector<16xf32>
      %swap3A_1631 = arith.constant 42 : i32
      %swap3A_1632 = arith.index_cast %swap3A_1631 : i32 to index
      %swap3A_1633 = arith.constant 0 : index
      %swap3A_1634 = tpu.vector_load %arg5[%swap3A_1632, %swap3A_1633] {strides = array<i32>} : memref<64x16xf32, #tpu.memory_space<vmem>>, vector<1x16xf32>,
      %swap3A_1635 = vector.shape_cast %swap3A_1634 : vector<1x16xf32> to vector<16xf32>
      %swap3A_1636 = vector.shape_cast %select_n3A_1630 : vector<16xf32> to vector<1x16xf32>
      tpu.vector_store %arg5[%swap3A_1632, %swap3A_1633], %swap3A_1636 {strides = array<i32>} : memref<64x16xf32, #tpu.memory_space<vmem>>, vector<1x16xf32>,
      %eq3A_1637 = arith.constant 43 : i32
      %eq3A_1638 = vector.broadcast %eq3A_1637 : i32 to vector<16xi32>
      %eq3A_1639 = arith.cmpi eq, %select_n3A_1023, %eq3A_1638 : vector<16xi32>
      %eq3A_1640 = arith.constant 43 : i32
      %eq3A_1641 = vector.broadcast %eq3A_1640 : i32 to vector<16xi32>
      %eq3A_1642 = arith.cmpi eq, %select_n3A_1021, %eq3A_1641 : vector<16xi32>
      %select_n3A_1643 = arith.select %eq3A_1642, %sub3A_1034, %broadcast_in_dim3A_1036 : vector<16xi1>, vector<16xf32>
      %select_n3A_1644 = arith.select %eq3A_1639, %div3A_1031, %select_n3A_1643 : vector<16xi1>, vector<16xf32>
      %swap3A_1645 = arith.constant 43 : i32
      %swap3A_1646 = arith.index_cast %swap3A_1645 : i32 to index
      %swap3A_1647 = arith.constant 0 : index
      %swap3A_1648 = tpu.vector_load %arg5[%swap3A_1646, %swap3A_1647] {strides = array<i32>} : memref<64x16xf32, #tpu.memory_space<vmem>>, vector<1x16xf32>,
      %swap3A_1649 = vector.shape_cast %swap3A_1648 : vector<1x16xf32> to vector<16xf32>
      %swap3A_1650 = vector.shape_cast %select_n3A_1644 : vector<16xf32> to vector<1x16xf32>
      tpu.vector_store %arg5[%swap3A_1646, %swap3A_1647], %swap3A_1650 {strides = array<i32>} : memref<64x16xf32, #tpu.memory_space<vmem>>, vector<1x16xf32>,
      %eq3A_1651 = arith.constant 44 : i32
      %eq3A_1652 = vector.broadcast %eq3A_1651 : i32 to vector<16xi32>
      %eq3A_1653 = arith.cmpi eq, %select_n3A_1023, %eq3A_1652 : vector<16xi32>
      %eq3A_1654 = arith.constant 44 : i32
      %eq3A_1655 = vector.broadcast %eq3A_1654 : i32 to vector<16xi32>
      %eq3A_1656 = arith.cmpi eq, %select_n3A_1021, %eq3A_1655 : vector<16xi32>
      %select_n3A_1657 = arith.select %eq3A_1656, %sub3A_1034, %broadcast_in_dim3A_1036 : vector<16xi1>, vector<16xf32>
      %select_n3A_1658 = arith.select %eq3A_1653, %div3A_1031, %select_n3A_1657 : vector<16xi1>, vector<16xf32>
      %swap3A_1659 = arith.constant 44 : i32
      %swap3A_1660 = arith.index_cast %swap3A_1659 : i32 to index
      %swap3A_1661 = arith.constant 0 : index
      %swap3A_1662 = tpu.vector_load %arg5[%swap3A_1660, %swap3A_1661] {strides = array<i32>} : memref<64x16xf32, #tpu.memory_space<vmem>>, vector<1x16xf32>,
      %swap3A_1663 = vector.shape_cast %swap3A_1662 : vector<1x16xf32> to vector<16xf32>
      %swap3A_1664 = vector.shape_cast %select_n3A_1658 : vector<16xf32> to vector<1x16xf32>
      tpu.vector_store %arg5[%swap3A_1660, %swap3A_1661], %swap3A_1664 {strides = array<i32>} : memref<64x16xf32, #tpu.memory_space<vmem>>, vector<1x16xf32>,
      %eq3A_1665 = arith.constant 45 : i32
      %eq3A_1666 = vector.broadcast %eq3A_1665 : i32 to vector<16xi32>
      %eq3A_1667 = arith.cmpi eq, %select_n3A_1023, %eq3A_1666 : vector<16xi32>
      %eq3A_1668 = arith.constant 45 : i32
      %eq3A_1669 = vector.broadcast %eq3A_1668 : i32 to vector<16xi32>
      %eq3A_1670 = arith.cmpi eq, %select_n3A_1021, %eq3A_1669 : vector<16xi32>
      %select_n3A_1671 = arith.select %eq3A_1670, %sub3A_1034, %broadcast_in_dim3A_1036 : vector<16xi1>, vector<16xf32>
      %select_n3A_1672 = arith.select %eq3A_1667, %div3A_1031, %select_n3A_1671 : vector<16xi1>, vector<16xf32>
      %swap3A_1673 = arith.constant 45 : i32
      %swap3A_1674 = arith.index_cast %swap3A_1673 : i32 to index
      %swap3A_1675 = arith.constant 0 : index
      %swap3A_1676 = tpu.vector_load %arg5[%swap3A_1674, %swap3A_1675] {strides = array<i32>} : memref<64x16xf32, #tpu.memory_space<vmem>>, vector<1x16xf32>,
      %swap3A_1677 = vector.shape_cast %swap3A_1676 : vector<1x16xf32> to vector<16xf32>
      %swap3A_1678 = vector.shape_cast %select_n3A_1672 : vector<16xf32> to vector<1x16xf32>
      tpu.vector_store %arg5[%swap3A_1674, %swap3A_1675], %swap3A_1678 {strides = array<i32>} : memref<64x16xf32, #tpu.memory_space<vmem>>, vector<1x16xf32>,
      %eq3A_1679 = arith.constant 46 : i32
      %eq3A_1680 = vector.broadcast %eq3A_1679 : i32 to vector<16xi32>
      %eq3A_1681 = arith.cmpi eq, %select_n3A_1023, %eq3A_1680 : vector<16xi32>
      %eq3A_1682 = arith.constant 46 : i32
      %eq3A_1683 = vector.broadcast %eq3A_1682 : i32 to vector<16xi32>
      %eq3A_1684 = arith.cmpi eq, %select_n3A_1021, %eq3A_1683 : vector<16xi32>
      %select_n3A_1685 = arith.select %eq3A_1684, %sub3A_1034, %broadcast_in_dim3A_1036 : vector<16xi1>, vector<16xf32>
      %select_n3A_1686 = arith.select %eq3A_1681, %div3A_1031, %select_n3A_1685 : vector<16xi1>, vector<16xf32>
      %swap3A_1687 = arith.constant 46 : i32
      %swap3A_1688 = arith.index_cast %swap3A_1687 : i32 to index
      %swap3A_1689 = arith.constant 0 : index
      %swap3A_1690 = tpu.vector_load %arg5[%swap3A_1688, %swap3A_1689] {strides = array<i32>} : memref<64x16xf32, #tpu.memory_space<vmem>>, vector<1x16xf32>,
      %swap3A_1691 = vector.shape_cast %swap3A_1690 : vector<1x16xf32> to vector<16xf32>
      %swap3A_1692 = vector.shape_cast %select_n3A_1686 : vector<16xf32> to vector<1x16xf32>
      tpu.vector_store %arg5[%swap3A_1688, %swap3A_1689], %swap3A_1692 {strides = array<i32>} : memref<64x16xf32, #tpu.memory_space<vmem>>, vector<1x16xf32>,
      %eq3A_1693 = arith.constant 47 : i32
      %eq3A_1694 = vector.broadcast %eq3A_1693 : i32 to vector<16xi32>
      %eq3A_1695 = arith.cmpi eq, %select_n3A_1023, %eq3A_1694 : vector<16xi32>
      %eq3A_1696 = arith.constant 47 : i32
      %eq3A_1697 = vector.broadcast %eq3A_1696 : i32 to vector<16xi32>
      %eq3A_1698 = arith.cmpi eq, %select_n3A_1021, %eq3A_1697 : vector<16xi32>
      %select_n3A_1699 = arith.select %eq3A_1698, %sub3A_1034, %broadcast_in_dim3A_1036 : vector<16xi1>, vector<16xf32>
      %select_n3A_1700 = arith.select %eq3A_1695, %div3A_1031, %select_n3A_1699 : vector<16xi1>, vector<16xf32>
      %swap3A_1701 = arith.constant 47 : i32
      %swap3A_1702 = arith.index_cast %swap3A_1701 : i32 to index
      %swap3A_1703 = arith.constant 0 : index
      %swap3A_1704 = tpu.vector_load %arg5[%swap3A_1702, %swap3A_1703] {strides = array<i32>} : memref<64x16xf32, #tpu.memory_space<vmem>>, vector<1x16xf32>,
      %swap3A_1705 = vector.shape_cast %swap3A_1704 : vector<1x16xf32> to vector<16xf32>
      %swap3A_1706 = vector.shape_cast %select_n3A_1700 : vector<16xf32> to vector<1x16xf32>
      tpu.vector_store %arg5[%swap3A_1702, %swap3A_1703], %swap3A_1706 {strides = array<i32>} : memref<64x16xf32, #tpu.memory_space<vmem>>, vector<1x16xf32>,
      %eq3A_1707 = arith.constant 48 : i32
      %eq3A_1708 = vector.broadcast %eq3A_1707 : i32 to vector<16xi32>
      %eq3A_1709 = arith.cmpi eq, %select_n3A_1023, %eq3A_1708 : vector<16xi32>
      %eq3A_1710 = arith.constant 48 : i32
      %eq3A_1711 = vector.broadcast %eq3A_1710 : i32 to vector<16xi32>
      %eq3A_1712 = arith.cmpi eq, %select_n3A_1021, %eq3A_1711 : vector<16xi32>
      %select_n3A_1713 = arith.select %eq3A_1712, %sub3A_1034, %broadcast_in_dim3A_1036 : vector<16xi1>, vector<16xf32>
      %select_n3A_1714 = arith.select %eq3A_1709, %div3A_1031, %select_n3A_1713 : vector<16xi1>, vector<16xf32>
      %swap3A_1715 = arith.constant 48 : i32
      %swap3A_1716 = arith.index_cast %swap3A_1715 : i32 to index
      %swap3A_1717 = arith.constant 0 : index
      %swap3A_1718 = tpu.vector_load %arg5[%swap3A_1716, %swap3A_1717] {strides = array<i32>} : memref<64x16xf32, #tpu.memory_space<vmem>>, vector<1x16xf32>,
      %swap3A_1719 = vector.shape_cast %swap3A_1718 : vector<1x16xf32> to vector<16xf32>
      %swap3A_1720 = vector.shape_cast %select_n3A_1714 : vector<16xf32> to vector<1x16xf32>
      tpu.vector_store %arg5[%swap3A_1716, %swap3A_1717], %swap3A_1720 {strides = array<i32>} : memref<64x16xf32, #tpu.memory_space<vmem>>, vector<1x16xf32>,
      %eq3A_1721 = arith.constant 49 : i32
      %eq3A_1722 = vector.broadcast %eq3A_1721 : i32 to vector<16xi32>
      %eq3A_1723 = arith.cmpi eq, %select_n3A_1023, %eq3A_1722 : vector<16xi32>
      %eq3A_1724 = arith.constant 49 : i32
      %eq3A_1725 = vector.broadcast %eq3A_1724 : i32 to vector<16xi32>
      %eq3A_1726 = arith.cmpi eq, %select_n3A_1021, %eq3A_1725 : vector<16xi32>
      %select_n3A_1727 = arith.select %eq3A_1726, %sub3A_1034, %broadcast_in_dim3A_1036 : vector<16xi1>, vector<16xf32>
      %select_n3A_1728 = arith.select %eq3A_1723, %div3A_1031, %select_n3A_1727 : vector<16xi1>, vector<16xf32>
      %swap3A_1729 = arith.constant 49 : i32
      %swap3A_1730 = arith.index_cast %swap3A_1729 : i32 to index
      %swap3A_1731 = arith.constant 0 : index
      %swap3A_1732 = tpu.vector_load %arg5[%swap3A_1730, %swap3A_1731] {strides = array<i32>} : memref<64x16xf32, #tpu.memory_space<vmem>>, vector<1x16xf32>,
      %swap3A_1733 = vector.shape_cast %swap3A_1732 : vector<1x16xf32> to vector<16xf32>
      %swap3A_1734 = vector.shape_cast %select_n3A_1728 : vector<16xf32> to vector<1x16xf32>
      tpu.vector_store %arg5[%swap3A_1730, %swap3A_1731], %swap3A_1734 {strides = array<i32>} : memref<64x16xf32, #tpu.memory_space<vmem>>, vector<1x16xf32>,
      %eq3A_1735 = arith.constant 50 : i32
      %eq3A_1736 = vector.broadcast %eq3A_1735 : i32 to vector<16xi32>
      %eq3A_1737 = arith.cmpi eq, %select_n3A_1023, %eq3A_1736 : vector<16xi32>
      %eq3A_1738 = arith.constant 50 : i32
      %eq3A_1739 = vector.broadcast %eq3A_1738 : i32 to vector<16xi32>
      %eq3A_1740 = arith.cmpi eq, %select_n3A_1021, %eq3A_1739 : vector<16xi32>
      %select_n3A_1741 = arith.select %eq3A_1740, %sub3A_1034, %broadcast_in_dim3A_1036 : vector<16xi1>, vector<16xf32>
      %select_n3A_1742 = arith.select %eq3A_1737, %div3A_1031, %select_n3A_1741 : vector<16xi1>, vector<16xf32>
      %swap3A_1743 = arith.constant 50 : i32
      %swap3A_1744 = arith.index_cast %swap3A_1743 : i32 to index
      %swap3A_1745 = arith.constant 0 : index
      %swap3A_1746 = tpu.vector_load %arg5[%swap3A_1744, %swap3A_1745] {strides = array<i32>} : memref<64x16xf32, #tpu.memory_space<vmem>>, vector<1x16xf32>,
      %swap3A_1747 = vector.shape_cast %swap3A_1746 : vector<1x16xf32> to vector<16xf32>
      %swap3A_1748 = vector.shape_cast %select_n3A_1742 : vector<16xf32> to vector<1x16xf32>
      tpu.vector_store %arg5[%swap3A_1744, %swap3A_1745], %swap3A_1748 {strides = array<i32>} : memref<64x16xf32, #tpu.memory_space<vmem>>, vector<1x16xf32>,
      %eq3A_1749 = arith.constant 51 : i32
      %eq3A_1750 = vector.broadcast %eq3A_1749 : i32 to vector<16xi32>
      %eq3A_1751 = arith.cmpi eq, %select_n3A_1023, %eq3A_1750 : vector<16xi32>
      %eq3A_1752 = arith.constant 51 : i32
      %eq3A_1753 = vector.broadcast %eq3A_1752 : i32 to vector<16xi32>
      %eq3A_1754 = arith.cmpi eq, %select_n3A_1021, %eq3A_1753 : vector<16xi32>
      %select_n3A_1755 = arith.select %eq3A_1754, %sub3A_1034, %broadcast_in_dim3A_1036 : vector<16xi1>, vector<16xf32>
      %select_n3A_1756 = arith.select %eq3A_1751, %div3A_1031, %select_n3A_1755 : vector<16xi1>, vector<16xf32>
      %swap3A_1757 = arith.constant 51 : i32
      %swap3A_1758 = arith.index_cast %swap3A_1757 : i32 to index
      %swap3A_1759 = arith.constant 0 : index
      %swap3A_1760 = tpu.vector_load %arg5[%swap3A_1758, %swap3A_1759] {strides = array<i32>} : memref<64x16xf32, #tpu.memory_space<vmem>>, vector<1x16xf32>,
      %swap3A_1761 = vector.shape_cast %swap3A_1760 : vector<1x16xf32> to vector<16xf32>
      %swap3A_1762 = vector.shape_cast %select_n3A_1756 : vector<16xf32> to vector<1x16xf32>
      tpu.vector_store %arg5[%swap3A_1758, %swap3A_1759], %swap3A_1762 {strides = array<i32>} : memref<64x16xf32, #tpu.memory_space<vmem>>, vector<1x16xf32>,
      %eq3A_1763 = arith.constant 52 : i32
      %eq3A_1764 = vector.broadcast %eq3A_1763 : i32 to vector<16xi32>
      %eq3A_1765 = arith.cmpi eq, %select_n3A_1023, %eq3A_1764 : vector<16xi32>
      %eq3A_1766 = arith.constant 52 : i32
      %eq3A_1767 = vector.broadcast %eq3A_1766 : i32 to vector<16xi32>
      %eq3A_1768 = arith.cmpi eq, %select_n3A_1021, %eq3A_1767 : vector<16xi32>
      %select_n3A_1769 = arith.select %eq3A_1768, %sub3A_1034, %broadcast_in_dim3A_1036 : vector<16xi1>, vector<16xf32>
      %select_n3A_1770 = arith.select %eq3A_1765, %div3A_1031, %select_n3A_1769 : vector<16xi1>, vector<16xf32>
      %swap3A_1771 = arith.constant 52 : i32
      %swap3A_1772 = arith.index_cast %swap3A_1771 : i32 to index
      %swap3A_1773 = arith.constant 0 : index
      %swap3A_1774 = tpu.vector_load %arg5[%swap3A_1772, %swap3A_1773] {strides = array<i32>} : memref<64x16xf32, #tpu.memory_space<vmem>>, vector<1x16xf32>,
      %swap3A_1775 = vector.shape_cast %swap3A_1774 : vector<1x16xf32> to vector<16xf32>
      %swap3A_1776 = vector.shape_cast %select_n3A_1770 : vector<16xf32> to vector<1x16xf32>
      tpu.vector_store %arg5[%swap3A_1772, %swap3A_1773], %swap3A_1776 {strides = array<i32>} : memref<64x16xf32, #tpu.memory_space<vmem>>, vector<1x16xf32>,
      %eq3A_1777 = arith.constant 53 : i32
      %eq3A_1778 = vector.broadcast %eq3A_1777 : i32 to vector<16xi32>
      %eq3A_1779 = arith.cmpi eq, %select_n3A_1023, %eq3A_1778 : vector<16xi32>
      %eq3A_1780 = arith.constant 53 : i32
      %eq3A_1781 = vector.broadcast %eq3A_1780 : i32 to vector<16xi32>
      %eq3A_1782 = arith.cmpi eq, %select_n3A_1021, %eq3A_1781 : vector<16xi32>
      %select_n3A_1783 = arith.select %eq3A_1782, %sub3A_1034, %broadcast_in_dim3A_1036 : vector<16xi1>, vector<16xf32>
      %select_n3A_1784 = arith.select %eq3A_1779, %div3A_1031, %select_n3A_1783 : vector<16xi1>, vector<16xf32>
      %swap3A_1785 = arith.constant 53 : i32
      %swap3A_1786 = arith.index_cast %swap3A_1785 : i32 to index
      %swap3A_1787 = arith.constant 0 : index
      %swap3A_1788 = tpu.vector_load %arg5[%swap3A_1786, %swap3A_1787] {strides = array<i32>} : memref<64x16xf32, #tpu.memory_space<vmem>>, vector<1x16xf32>,
      %swap3A_1789 = vector.shape_cast %swap3A_1788 : vector<1x16xf32> to vector<16xf32>
      %swap3A_1790 = vector.shape_cast %select_n3A_1784 : vector<16xf32> to vector<1x16xf32>
      tpu.vector_store %arg5[%swap3A_1786, %swap3A_1787], %swap3A_1790 {strides = array<i32>} : memref<64x16xf32, #tpu.memory_space<vmem>>, vector<1x16xf32>,
      %eq3A_1791 = arith.constant 54 : i32
      %eq3A_1792 = vector.broadcast %eq3A_1791 : i32 to vector<16xi32>
      %eq3A_1793 = arith.cmpi eq, %select_n3A_1023, %eq3A_1792 : vector<16xi32>
      %eq3A_1794 = arith.constant 54 : i32
      %eq3A_1795 = vector.broadcast %eq3A_1794 : i32 to vector<16xi32>
      %eq3A_1796 = arith.cmpi eq, %select_n3A_1021, %eq3A_1795 : vector<16xi32>
      %select_n3A_1797 = arith.select %eq3A_1796, %sub3A_1034, %broadcast_in_dim3A_1036 : vector<16xi1>, vector<16xf32>
      %select_n3A_1798 = arith.select %eq3A_1793, %div3A_1031, %select_n3A_1797 : vector<16xi1>, vector<16xf32>
      %swap3A_1799 = arith.constant 54 : i32
      %swap3A_1800 = arith.index_cast %swap3A_1799 : i32 to index
      %swap3A_1801 = arith.constant 0 : index
      %swap3A_1802 = tpu.vector_load %arg5[%swap3A_1800, %swap3A_1801] {strides = array<i32>} : memref<64x16xf32, #tpu.memory_space<vmem>>, vector<1x16xf32>,
      %swap3A_1803 = vector.shape_cast %swap3A_1802 : vector<1x16xf32> to vector<16xf32>
      %swap3A_1804 = vector.shape_cast %select_n3A_1798 : vector<16xf32> to vector<1x16xf32>
      tpu.vector_store %arg5[%swap3A_1800, %swap3A_1801], %swap3A_1804 {strides = array<i32>} : memref<64x16xf32, #tpu.memory_space<vmem>>, vector<1x16xf32>,
      %eq3A_1805 = arith.constant 55 : i32
      %eq3A_1806 = vector.broadcast %eq3A_1805 : i32 to vector<16xi32>
      %eq3A_1807 = arith.cmpi eq, %select_n3A_1023, %eq3A_1806 : vector<16xi32>
      %eq3A_1808 = arith.constant 55 : i32
      %eq3A_1809 = vector.broadcast %eq3A_1808 : i32 to vector<16xi32>
      %eq3A_1810 = arith.cmpi eq, %select_n3A_1021, %eq3A_1809 : vector<16xi32>
      %select_n3A_1811 = arith.select %eq3A_1810, %sub3A_1034, %broadcast_in_dim3A_1036 : vector<16xi1>, vector<16xf32>
      %select_n3A_1812 = arith.select %eq3A_1807, %div3A_1031, %select_n3A_1811 : vector<16xi1>, vector<16xf32>
      %swap3A_1813 = arith.constant 55 : i32
      %swap3A_1814 = arith.index_cast %swap3A_1813 : i32 to index
      %swap3A_1815 = arith.constant 0 : index
      %swap3A_1816 = tpu.vector_load %arg5[%swap3A_1814, %swap3A_1815] {strides = array<i32>} : memref<64x16xf32, #tpu.memory_space<vmem>>, vector<1x16xf32>,
      %swap3A_1817 = vector.shape_cast %swap3A_1816 : vector<1x16xf32> to vector<16xf32>
      %swap3A_1818 = vector.shape_cast %select_n3A_1812 : vector<16xf32> to vector<1x16xf32>
      tpu.vector_store %arg5[%swap3A_1814, %swap3A_1815], %swap3A_1818 {strides = array<i32>} : memref<64x16xf32, #tpu.memory_space<vmem>>, vector<1x16xf32>,
      %eq3A_1819 = arith.constant 56 : i32
      %eq3A_1820 = vector.broadcast %eq3A_1819 : i32 to vector<16xi32>
      %eq3A_1821 = arith.cmpi eq, %select_n3A_1023, %eq3A_1820 : vector<16xi32>
      %eq3A_1822 = arith.constant 56 : i32
      %eq3A_1823 = vector.broadcast %eq3A_1822 : i32 to vector<16xi32>
      %eq3A_1824 = arith.cmpi eq, %select_n3A_1021, %eq3A_1823 : vector<16xi32>
      %select_n3A_1825 = arith.select %eq3A_1824, %sub3A_1034, %broadcast_in_dim3A_1036 : vector<16xi1>, vector<16xf32>
      %select_n3A_1826 = arith.select %eq3A_1821, %div3A_1031, %select_n3A_1825 : vector<16xi1>, vector<16xf32>
      %swap3A_1827 = arith.constant 56 : i32
      %swap3A_1828 = arith.index_cast %swap3A_1827 : i32 to index
      %swap3A_1829 = arith.constant 0 : index
      %swap3A_1830 = tpu.vector_load %arg5[%swap3A_1828, %swap3A_1829] {strides = array<i32>} : memref<64x16xf32, #tpu.memory_space<vmem>>, vector<1x16xf32>,
      %swap3A_1831 = vector.shape_cast %swap3A_1830 : vector<1x16xf32> to vector<16xf32>
      %swap3A_1832 = vector.shape_cast %select_n3A_1826 : vector<16xf32> to vector<1x16xf32>
      tpu.vector_store %arg5[%swap3A_1828, %swap3A_1829], %swap3A_1832 {strides = array<i32>} : memref<64x16xf32, #tpu.memory_space<vmem>>, vector<1x16xf32>,
      %eq3A_1833 = arith.constant 57 : i32
      %eq3A_1834 = vector.broadcast %eq3A_1833 : i32 to vector<16xi32>
      %eq3A_1835 = arith.cmpi eq, %select_n3A_1023, %eq3A_1834 : vector<16xi32>
      %eq3A_1836 = arith.constant 57 : i32
      %eq3A_1837 = vector.broadcast %eq3A_1836 : i32 to vector<16xi32>
      %eq3A_1838 = arith.cmpi eq, %select_n3A_1021, %eq3A_1837 : vector<16xi32>
      %select_n3A_1839 = arith.select %eq3A_1838, %sub3A_1034, %broadcast_in_dim3A_1036 : vector<16xi1>, vector<16xf32>
      %select_n3A_1840 = arith.select %eq3A_1835, %div3A_1031, %select_n3A_1839 : vector<16xi1>, vector<16xf32>
      %swap3A_1841 = arith.constant 57 : i32
      %swap3A_1842 = arith.index_cast %swap3A_1841 : i32 to index
      %swap3A_1843 = arith.constant 0 : index
      %swap3A_1844 = tpu.vector_load %arg5[%swap3A_1842, %swap3A_1843] {strides = array<i32>} : memref<64x16xf32, #tpu.memory_space<vmem>>, vector<1x16xf32>,
      %swap3A_1845 = vector.shape_cast %swap3A_1844 : vector<1x16xf32> to vector<16xf32>
      %swap3A_1846 = vector.shape_cast %select_n3A_1840 : vector<16xf32> to vector<1x16xf32>
      tpu.vector_store %arg5[%swap3A_1842, %swap3A_1843], %swap3A_1846 {strides = array<i32>} : memref<64x16xf32, #tpu.memory_space<vmem>>, vector<1x16xf32>,
      %eq3A_1847 = arith.constant 58 : i32
      %eq3A_1848 = vector.broadcast %eq3A_1847 : i32 to vector<16xi32>
      %eq3A_1849 = arith.cmpi eq, %select_n3A_1023, %eq3A_1848 : vector<16xi32>
      %eq3A_1850 = arith.constant 58 : i32
      %eq3A_1851 = vector.broadcast %eq3A_1850 : i32 to vector<16xi32>
      %eq3A_1852 = arith.cmpi eq, %select_n3A_1021, %eq3A_1851 : vector<16xi32>
      %select_n3A_1853 = arith.select %eq3A_1852, %sub3A_1034, %broadcast_in_dim3A_1036 : vector<16xi1>, vector<16xf32>
      %select_n3A_1854 = arith.select %eq3A_1849, %div3A_1031, %select_n3A_1853 : vector<16xi1>, vector<16xf32>
      %swap3A_1855 = arith.constant 58 : i32
      %swap3A_1856 = arith.index_cast %swap3A_1855 : i32 to index
      %swap3A_1857 = arith.constant 0 : index
      %swap3A_1858 = tpu.vector_load %arg5[%swap3A_1856, %swap3A_1857] {strides = array<i32>} : memref<64x16xf32, #tpu.memory_space<vmem>>, vector<1x16xf32>,
      %swap3A_1859 = vector.shape_cast %swap3A_1858 : vector<1x16xf32> to vector<16xf32>
      %swap3A_1860 = vector.shape_cast %select_n3A_1854 : vector<16xf32> to vector<1x16xf32>
      tpu.vector_store %arg5[%swap3A_1856, %swap3A_1857], %swap3A_1860 {strides = array<i32>} : memref<64x16xf32, #tpu.memory_space<vmem>>, vector<1x16xf32>,
      %eq3A_1861 = arith.constant 59 : i32
      %eq3A_1862 = vector.broadcast %eq3A_1861 : i32 to vector<16xi32>
      %eq3A_1863 = arith.cmpi eq, %select_n3A_1023, %eq3A_1862 : vector<16xi32>
      %eq3A_1864 = arith.constant 59 : i32
      %eq3A_1865 = vector.broadcast %eq3A_1864 : i32 to vector<16xi32>
      %eq3A_1866 = arith.cmpi eq, %select_n3A_1021, %eq3A_1865 : vector<16xi32>
      %select_n3A_1867 = arith.select %eq3A_1866, %sub3A_1034, %broadcast_in_dim3A_1036 : vector<16xi1>, vector<16xf32>
      %select_n3A_1868 = arith.select %eq3A_1863, %div3A_1031, %select_n3A_1867 : vector<16xi1>, vector<16xf32>
      %swap3A_1869 = arith.constant 59 : i32
      %swap3A_1870 = arith.index_cast %swap3A_1869 : i32 to index
      %swap3A_1871 = arith.constant 0 : index
      %swap3A_1872 = tpu.vector_load %arg5[%swap3A_1870, %swap3A_1871] {strides = array<i32>} : memref<64x16xf32, #tpu.memory_space<vmem>>, vector<1x16xf32>,
      %swap3A_1873 = vector.shape_cast %swap3A_1872 : vector<1x16xf32> to vector<16xf32>
      %swap3A_1874 = vector.shape_cast %select_n3A_1868 : vector<16xf32> to vector<1x16xf32>
      tpu.vector_store %arg5[%swap3A_1870, %swap3A_1871], %swap3A_1874 {strides = array<i32>} : memref<64x16xf32, #tpu.memory_space<vmem>>, vector<1x16xf32>,
      %eq3A_1875 = arith.constant 60 : i32
      %eq3A_1876 = vector.broadcast %eq3A_1875 : i32 to vector<16xi32>
      %eq3A_1877 = arith.cmpi eq, %select_n3A_1023, %eq3A_1876 : vector<16xi32>
      %eq3A_1878 = arith.constant 60 : i32
      %eq3A_1879 = vector.broadcast %eq3A_1878 : i32 to vector<16xi32>
      %eq3A_1880 = arith.cmpi eq, %select_n3A_1021, %eq3A_1879 : vector<16xi32>
      %select_n3A_1881 = arith.select %eq3A_1880, %sub3A_1034, %broadcast_in_dim3A_1036 : vector<16xi1>, vector<16xf32>
      %select_n3A_1882 = arith.select %eq3A_1877, %div3A_1031, %select_n3A_1881 : vector<16xi1>, vector<16xf32>
      %swap3A_1883 = arith.constant 60 : i32
      %swap3A_1884 = arith.index_cast %swap3A_1883 : i32 to index
      %swap3A_1885 = arith.constant 0 : index
      %swap3A_1886 = tpu.vector_load %arg5[%swap3A_1884, %swap3A_1885] {strides = array<i32>} : memref<64x16xf32, #tpu.memory_space<vmem>>, vector<1x16xf32>,
      %swap3A_1887 = vector.shape_cast %swap3A_1886 : vector<1x16xf32> to vector<16xf32>
      %swap3A_1888 = vector.shape_cast %select_n3A_1882 : vector<16xf32> to vector<1x16xf32>
      tpu.vector_store %arg5[%swap3A_1884, %swap3A_1885], %swap3A_1888 {strides = array<i32>} : memref<64x16xf32, #tpu.memory_space<vmem>>, vector<1x16xf32>,
      %eq3A_1889 = arith.constant 61 : i32
      %eq3A_1890 = vector.broadcast %eq3A_1889 : i32 to vector<16xi32>
      %eq3A_1891 = arith.cmpi eq, %select_n3A_1023, %eq3A_1890 : vector<16xi32>
      %eq3A_1892 = arith.constant 61 : i32
      %eq3A_1893 = vector.broadcast %eq3A_1892 : i32 to vector<16xi32>
      %eq3A_1894 = arith.cmpi eq, %select_n3A_1021, %eq3A_1893 : vector<16xi32>
      %select_n3A_1895 = arith.select %eq3A_1894, %sub3A_1034, %broadcast_in_dim3A_1036 : vector<16xi1>, vector<16xf32>
      %select_n3A_1896 = arith.select %eq3A_1891, %div3A_1031, %select_n3A_1895 : vector<16xi1>, vector<16xf32>
      %swap3A_1897 = arith.constant 61 : i32
      %swap3A_1898 = arith.index_cast %swap3A_1897 : i32 to index
      %swap3A_1899 = arith.constant 0 : index
      %swap3A_1900 = tpu.vector_load %arg5[%swap3A_1898, %swap3A_1899] {strides = array<i32>} : memref<64x16xf32, #tpu.memory_space<vmem>>, vector<1x16xf32>,
      %swap3A_1901 = vector.shape_cast %swap3A_1900 : vector<1x16xf32> to vector<16xf32>
      %swap3A_1902 = vector.shape_cast %select_n3A_1896 : vector<16xf32> to vector<1x16xf32>
      tpu.vector_store %arg5[%swap3A_1898, %swap3A_1899], %swap3A_1902 {strides = array<i32>} : memref<64x16xf32, #tpu.memory_space<vmem>>, vector<1x16xf32>,
      %eq3A_1903 = arith.constant 62 : i32
      %eq3A_1904 = vector.broadcast %eq3A_1903 : i32 to vector<16xi32>
      %eq3A_1905 = arith.cmpi eq, %select_n3A_1023, %eq3A_1904 : vector<16xi32>
      %eq3A_1906 = arith.constant 62 : i32
      %eq3A_1907 = vector.broadcast %eq3A_1906 : i32 to vector<16xi32>
      %eq3A_1908 = arith.cmpi eq, %select_n3A_1021, %eq3A_1907 : vector<16xi32>
      %select_n3A_1909 = arith.select %eq3A_1908, %sub3A_1034, %broadcast_in_dim3A_1036 : vector<16xi1>, vector<16xf32>
      %select_n3A_1910 = arith.select %eq3A_1905, %div3A_1031, %select_n3A_1909 : vector<16xi1>, vector<16xf32>
      %swap3A_1911 = arith.constant 62 : i32
      %swap3A_1912 = arith.index_cast %swap3A_1911 : i32 to index
      %swap3A_1913 = arith.constant 0 : index
      %swap3A_1914 = tpu.vector_load %arg5[%swap3A_1912, %swap3A_1913] {strides = array<i32>} : memref<64x16xf32, #tpu.memory_space<vmem>>, vector<1x16xf32>,
      %swap3A_1915 = vector.shape_cast %swap3A_1914 : vector<1x16xf32> to vector<16xf32>
      %swap3A_1916 = vector.shape_cast %select_n3A_1910 : vector<16xf32> to vector<1x16xf32>
      tpu.vector_store %arg5[%swap3A_1912, %swap3A_1913], %swap3A_1916 {strides = array<i32>} : memref<64x16xf32, #tpu.memory_space<vmem>>, vector<1x16xf32>,
      %eq3A_1917 = arith.constant 63 : i32
      %eq3A_1918 = vector.broadcast %eq3A_1917 : i32 to vector<16xi32>
      %eq3A_1919 = arith.cmpi eq, %select_n3A_1023, %eq3A_1918 : vector<16xi32>
      %eq3A_1920 = arith.constant 63 : i32
      %eq3A_1921 = vector.broadcast %eq3A_1920 : i32 to vector<16xi32>
      %eq3A_1922 = arith.cmpi eq, %select_n3A_1021, %eq3A_1921 : vector<16xi32>
      %select_n3A_1923 = arith.select %eq3A_1922, %sub3A_1034, %broadcast_in_dim3A_1036 : vector<16xi1>, vector<16xf32>
      %select_n3A_1924 = arith.select %eq3A_1919, %div3A_1031, %select_n3A_1923 : vector<16xi1>, vector<16xf32>
      %swap3A_1925 = arith.constant 63 : i32
      %swap3A_1926 = arith.index_cast %swap3A_1925 : i32 to index
      %swap3A_1927 = arith.constant 0 : index
      %swap3A_1928 = tpu.vector_load %arg5[%swap3A_1926, %swap3A_1927] {strides = array<i32>} : memref<64x16xf32, #tpu.memory_space<vmem>>, vector<1x16xf32>,
      %swap3A_1929 = vector.shape_cast %swap3A_1928 : vector<1x16xf32> to vector<16xf32>
      %swap3A_1930 = vector.shape_cast %select_n3A_1924 : vector<16xf32> to vector<1x16xf32>
      tpu.vector_store %arg5[%swap3A_1926, %swap3A_1927], %swap3A_1930 {strides = array<i32>} : memref<64x16xf32, #tpu.memory_space<vmem>>, vector<1x16xf32>,
      "tpu.region"() ({
        %run_scoped3A = tpu.sem_alloc : memref<!tpu.dma_semaphore, #tpu.memory_space<semaphore_mem>>
        %dma_start3A = arith.constant 0 : i32
        %dma_start3A_1931 = arith.constant 0 : i32
        %dma_start3A_1932 = tpu.memref_slice %arg3[%add3A, %dma_start3A, %dma_start3A_1931] : memref<8x64x16xf32, #tpu.memory_space<hbm>> -> memref<1x64x16xf32, #tpu.memory_space<hbm>>
        %dma_start3A_1933 = tpu.memref_squeeze %dma_start3A_1932 : memref<1x64x16xf32, #tpu.memory_space<hbm>> -> memref<64x16xf32, #tpu.memory_space<hbm>>
        %dma_start3A_1934 = arith.constant 0 : i32
        %dma_start3A_1935 = arith.constant 0 : i32
        %dma_start3A_1936 = tpu.memref_slice %arg3[%add3A, %dma_start3A_1934, %dma_start3A_1935] : memref<8x64x16xf32, #tpu.memory_space<hbm>> -> memref<1x64x16xf32, #tpu.memory_space<hbm>>
        %dma_start3A_1937 = tpu.memref_squeeze %dma_start3A_1936 : memref<1x64x16xf32, #tpu.memory_space<hbm>> -> memref<64x16xf32, #tpu.memory_space<hbm>>
        tpu.enqueue_dma source(%arg5 : memref<64x16xf32, #tpu.memory_space<vmem>>) target(%dma_start3A_1937 : memref<64x16xf32, #tpu.memory_space<hbm>>) target_semaphore(%run_scoped3A : memref<!tpu.dma_semaphore, #tpu.memory_space<semaphore_mem>>)
        %dma_wait3A = arith.constant 0 : i32
        %dma_wait3A_1938 = arith.constant 0 : i32
        %dma_wait3A_1939 = tpu.memref_slice %arg3[%add3A, %dma_wait3A, %dma_wait3A_1938] : memref<8x64x16xf32, #tpu.memory_space<hbm>> -> memref<1x64x16xf32, #tpu.memory_space<hbm>>
        %dma_wait3A_1940 = tpu.memref_squeeze %dma_wait3A_1939 : memref<1x64x16xf32, #tpu.memory_space<hbm>> -> memref<64x16xf32, #tpu.memory_space<hbm>>
        %dma_wait3A_1941 = arith.constant 0 : i32
        %dma_wait3A_1942 = arith.constant 0 : i32
        %dma_wait3A_1943 = tpu.memref_slice %arg3[%add3A, %dma_wait3A_1941, %dma_wait3A_1942] : memref<8x64x16xf32, #tpu.memory_space<hbm>> -> memref<1x64x16xf32, #tpu.memory_space<hbm>>
        %dma_wait3A_1944 = tpu.memref_squeeze %dma_wait3A_1943 : memref<1x64x16xf32, #tpu.memory_space<hbm>> -> memref<64x16xf32, #tpu.memory_space<hbm>>
        tpu.wait_dma2 semaphore(%run_scoped3A : memref<!tpu.dma_semaphore, #tpu.memory_space<semaphore_mem>>) src(%arg5 : memref<64x16xf32, #tpu.memory_space<vmem>>) dst(%dma_wait3A_1944 : memref<64x16xf32, #tpu.memory_space<hbm>>)
        tpu.yield
      }) : () -> ()
    } else {
    }
    return
  }
}

module attributes {stable_mosaic.version = 14 : i64} {
  func.func @_logits_body(%arg0: memref<128x1024xf32, #tpu.memory_space<vmem>>, %arg1: memref<64x1024xf32, #tpu.memory_space<vmem>>, %arg2: memref<64x128xf32, #tpu.memory_space<vmem>>) attributes {dimension_semantics = [], scalar_prefetch = 0 : i64, scratch_operands = 0 : i64, tpu.core_type = #tpu.core_type<tc>} {
    %get3A = arith.constant 0 : index
    %get3A_0 = arith.constant 0 : index
    %get3A_1 = vector.load %arg1[%get3A, %get3A_0] : memref<64x1024xf32, #tpu.memory_space<vmem>>, vector<64x1024xf32>
    %get3A_2 = arith.constant 0 : index
    %get3A_3 = arith.constant 0 : index
    %get3A_4 = vector.load %arg0[%get3A_2, %get3A_3] : memref<128x1024xf32, #tpu.memory_space<vmem>>, vector<128x1024xf32>
    %dot_general3A = arith.constant dense<0.000000e+00> : vector<64x128xf32>
    %dot_general3A_5 = tpu.matmul %get3A_1, %get3A_4, %dot_general3A {dimension_numbers = #tpu.dot_dimension_numbers<[1], [1], [0], [0], [0, 0, 1, 0], [], []>, transpose_lhs_hint = false} : vector<64x1024xf32>, vector<128x1024xf32>, vector<64x128xf32> -> vector<64x128xf32>
    %swap3A = arith.constant 0 : index
    %swap3A_6 = arith.constant 0 : index
    %swap3A_7 = vector.load %arg2[%swap3A, %swap3A_6] : memref<64x128xf32, #tpu.memory_space<vmem>>, vector<64x128xf32>
    tpu.vector_store %arg2[%swap3A, %swap3A_6], %dot_general3A_5 {strides = array<i32>} : memref<64x128xf32, #tpu.memory_space<vmem>>, vector<64x128xf32>,
    return
  }
}

module attributes {stable_mosaic.version = 14 : i64} {
  func.func @_moe_body(%arg0: i32, %arg1: memref<128x1024xf32, #tpu.memory_space<vmem>>, %arg2: memref<128x64xf32, #tpu.memory_space<vmem>>, %arg3: memref<1024x1024xf32, #tpu.memory_space<vmem>>, %arg4: memref<1024x1024xf32, #tpu.memory_space<vmem>>, %arg5: memref<1024x1024xf32, #tpu.memory_space<vmem>>, %arg6: memref<128x1024xf32, #tpu.memory_space<vmem>>) attributes {dimension_semantics = [#tpu.dimension_semantics<arbitrary>], iteration_bounds = array<i64: 32>, scalar_prefetch = 0 : i64, scratch_operands = 0 : i64, tpu.core_type = #tpu.core_type<tc>, window_params = [{pipeline_mode = #tpu.pipeline_mode<synchronous>, transform_indices = @transform_0, window_bounds = array<i64: 128, 1024>}, {pipeline_mode = #tpu.pipeline_mode<synchronous>, transform_indices = @transform_1, window_bounds = array<i64: 128, 64>}, {transform_indices = @transform_2, window_bounds = array<i64: 1024, 1024>}, {transform_indices = @transform_3, window_bounds = array<i64: 1024, 1024>}, {transform_indices = @transform_4, window_bounds = array<i64: 1024, 1024>}, {pipeline_mode = #tpu.pipeline_mode<synchronous>, transform_indices = @transform_5, window_bounds = array<i64: 128, 1024>}]} {
    %eq3A = arith.constant 0 : i32
    %eq3A_0 = arith.cmpi eq, %arg0, %eq3A : i32
    %convert_element_type3A = arith.extui %eq3A_0 : i1 to i32
    %cond3A = arith.constant 0 : i32
    %cond3A_1 = arith.cmpi ne, %convert_element_type3A, %cond3A : i32
    scf.if %cond3A_1 {
      %broadcast_in_dim3A_57 = arith.constant 0.000000e+00 : f32
      %broadcast_in_dim3A_58 = vector.broadcast %broadcast_in_dim3A_57 : f32 to vector<128x1024xf32>
      %swap3A_59 = arith.constant 0 : index
      %swap3A_60 = arith.constant 0 : index
      %swap3A_61 = vector.load %arg6[%swap3A_59, %swap3A_60] : memref<128x1024xf32, #tpu.memory_space<vmem>>, vector<128x1024xf32>
      tpu.vector_store %arg6[%swap3A_59, %swap3A_60], %broadcast_in_dim3A_58 {strides = array<i32>} : memref<128x1024xf32, #tpu.memory_space<vmem>>, vector<128x1024xf32>,
    } else {
    }
    %get3A = arith.constant 0 : index
    %get3A_2 = arith.constant 0 : index
    %get3A_3 = vector.load %arg1[%get3A, %get3A_2] : memref<128x1024xf32, #tpu.memory_space<vmem>>, vector<128x1024xf32>
    %get3A_4 = arith.constant 0 : index
    %get3A_5 = arith.constant 0 : index
    %get3A_6 = vector.load %arg3[%get3A_4, %get3A_5] : memref<1024x1024xf32, #tpu.memory_space<vmem>>, vector<1024x1024xf32>
    %dot_general3A = arith.constant dense<0.000000e+00> : vector<128x1024xf32>
    %dot_general3A_7 = tpu.matmul %get3A_3, %get3A_6, %dot_general3A {dimension_numbers = #tpu.dot_dimension_numbers<[1], [1], [0], [0], [0, 0, 1, 0], [], []>, transpose_lhs_hint = false} : vector<128x1024xf32>, vector<1024x1024xf32>, vector<128x1024xf32> -> vector<128x1024xf32>
    %get3A_8 = arith.constant 0 : index
    %get3A_9 = arith.constant 0 : index
    %get3A_10 = vector.load %arg5[%get3A_8, %get3A_9] : memref<1024x1024xf32, #tpu.memory_space<vmem>>, vector<1024x1024xf32>
    %dot_general3A_11 = arith.constant dense<0.000000e+00> : vector<128x1024xf32>
    %dot_general3A_12 = tpu.matmul %get3A_3, %get3A_10, %dot_general3A_11 {dimension_numbers = #tpu.dot_dimension_numbers<[1], [1], [0], [0], [0, 0, 1, 0], [], []>, transpose_lhs_hint = false} : vector<128x1024xf32>, vector<1024x1024xf32>, vector<128x1024xf32> -> vector<128x1024xf32>
    %logistic3A = arith.negf %dot_general3A_7 : vector<128x1024xf32>
    %logistic3A_13 = math.exp %logistic3A : vector<128x1024xf32>
    %logistic3A_14 = arith.constant 1.000000e+00 : f32
    %logistic3A_15 = vector.broadcast %logistic3A_14 : f32 to vector<128x1024xf32>
    %logistic3A_16 = arith.addf %logistic3A_15, %logistic3A_13 : vector<128x1024xf32>
    %logistic3A_17 = arith.divf %logistic3A_15, %logistic3A_16 : vector<128x1024xf32>
    %mul3A = arith.mulf %dot_general3A_7, %logistic3A_17 : vector<128x1024xf32>
    %mul3A_18 = arith.mulf %mul3A, %dot_general3A_12 : vector<128x1024xf32>
    %iota3A = tpu.iota {dimensions = array<i32: 1>} : vector<128x64xi32>
    %get3A_19 = arith.constant 0 : index
    %get3A_20 = arith.constant 0 : index
    %get3A_21 = vector.load %arg2[%get3A_19, %get3A_20] : memref<128x64xf32, #tpu.memory_space<vmem>>, vector<128x64xf32>
    %mul3A_22 = arith.constant 2 : i32
    %mul3A_23 = arith.muli %arg0, %mul3A_22 : i32
    %add3A = arith.constant 0 : i32
    %add3A_24 = arith.addi %mul3A_23, %add3A : i32
    %eq3A_25 = vector.broadcast %add3A_24 : i32 to vector<128x64xi32>
    %eq3A_26 = arith.cmpi eq, %iota3A, %eq3A_25 : vector<128x64xi32>
    %jit3A = arith.constant 0.000000e+00 : f32
    %broadcast_in_dim3A = vector.broadcast %jit3A : f32 to vector<128x64xf32>
    %select_n3A = arith.select %eq3A_26, %get3A_21, %broadcast_in_dim3A : vector<128x64xi1>, vector<128x64xf32>
    %reduce_sum3A = arith.constant dense<0.000000e+00> : vector<128xf32>
    %reduce_sum3A_27 = vector.multi_reduction <add>, %select_n3A, %reduce_sum3A [1] : vector<128x64xf32> to vector<128xf32>
    %broadcast_in_dim3A_28 = vector.shape_cast %reduce_sum3A_27 : vector<128xf32> to vector<128x1xf32>
    %slice3A = vector.extract_strided_slice %mul3A_18 {offsets = [0, 0], sizes = [128, 512], strides = [1, 1]} : vector<128x1024xf32> to vector<128x512xf32>
    %mul3A_29 = vector.broadcast %broadcast_in_dim3A_28 : vector<128x1xf32> to vector<128x512xf32>
    %mul3A_30 = arith.mulf %slice3A, %mul3A_29 : vector<128x512xf32>
    %mul3A_31 = arith.constant 2 : i32
    %mul3A_32 = arith.muli %arg0, %mul3A_31 : i32
    %add3A_33 = arith.constant 1 : i32
    %add3A_34 = arith.addi %mul3A_32, %add3A_33 : i32
    %eq3A_35 = vector.broadcast %add3A_34 : i32 to vector<128x64xi32>
    %eq3A_36 = arith.cmpi eq, %iota3A, %eq3A_35 : vector<128x64xi32>
    %jit3A_37 = arith.constant 0.000000e+00 : f32
    %broadcast_in_dim3A_38 = vector.broadcast %jit3A_37 : f32 to vector<128x64xf32>
    %select_n3A_39 = arith.select %eq3A_36, %get3A_21, %broadcast_in_dim3A_38 : vector<128x64xi1>, vector<128x64xf32>
    %reduce_sum3A_40 = arith.constant dense<0.000000e+00> : vector<128xf32>
    %reduce_sum3A_41 = vector.multi_reduction <add>, %select_n3A_39, %reduce_sum3A_40 [1] : vector<128x64xf32> to vector<128xf32>
    %broadcast_in_dim3A_42 = vector.shape_cast %reduce_sum3A_41 : vector<128xf32> to vector<128x1xf32>
    %slice3A_43 = vector.extract_strided_slice %mul3A_18 {offsets = [0, 512], sizes = [128, 512], strides = [1, 1]} : vector<128x1024xf32> to vector<128x512xf32>
    %mul3A_44 = vector.broadcast %broadcast_in_dim3A_42 : vector<128x1xf32> to vector<128x512xf32>
    %mul3A_45 = arith.mulf %slice3A_43, %mul3A_44 : vector<128x512xf32>
    %concatenate3A = tpu.concatenate %mul3A_30, %mul3A_45 in 1 : vector<128x512xf32>, vector<128x512xf32> -> vector<128x1024xf32>
    %get3A_46 = arith.constant 0 : index
    %get3A_47 = arith.constant 0 : index
    %get3A_48 = vector.load %arg6[%get3A_46, %get3A_47] : memref<128x1024xf32, #tpu.memory_space<vmem>>, vector<128x1024xf32>
    %get3A_49 = arith.constant 0 : index
    %get3A_50 = arith.constant 0 : index
    %get3A_51 = vector.load %arg4[%get3A_49, %get3A_50] : memref<1024x1024xf32, #tpu.memory_space<vmem>>, vector<1024x1024xf32>
    %dot_general3A_52 = arith.constant dense<0.000000e+00> : vector<128x1024xf32>
    %dot_general3A_53 = tpu.matmul %concatenate3A, %get3A_51, %dot_general3A_52 {dimension_numbers = #tpu.dot_dimension_numbers<[1], [0], [0], [1], [0, 0, 1, 1], [], []>, transpose_lhs_hint = false} : vector<128x1024xf32>, vector<1024x1024xf32>, vector<128x1024xf32> -> vector<128x1024xf32>
    %add3A_54 = arith.addf %get3A_48, %dot_general3A_53 : vector<128x1024xf32>
    %swap3A = arith.constant 0 : index
    %swap3A_55 = arith.constant 0 : index
    %swap3A_56 = vector.load %arg6[%swap3A, %swap3A_55] : memref<128x1024xf32, #tpu.memory_space<vmem>>, vector<128x1024xf32>
    tpu.vector_store %arg6[%swap3A, %swap3A_55], %add3A_54 {strides = array<i32>} : memref<128x1024xf32, #tpu.memory_space<vmem>>, vector<128x1024xf32>,
    return
  }
  func.func @transform_0(%arg0: i32) -> (i32, i32) {
    %c0_i32 = arith.constant 0 : i32
    %c0_i32_0 = arith.constant 0 : i32
    %c0_i32_1 = arith.constant 0 : i32
    return %c0_i32, %c0_i32_0 : i32, i32
  }
  func.func @transform_1(%arg0: i32) -> (i32, i32) {
    %c0_i32 = arith.constant 0 : i32
    %c0_i32_0 = arith.constant 0 : i32
    %c0_i32_1 = arith.constant 0 : i32
    return %c0_i32, %c0_i32_0 : i32, i32
  }
  func.func @transform_2(%arg0: i32) -> (i32, i32) {
    %c0_i32 = arith.constant 0 : i32
    %c0_i32_0 = arith.constant 0 : i32
    return %arg0, %c0_i32 : i32, i32
  }
  func.func @transform_3(%arg0: i32) -> (i32, i32) {
    %c0_i32 = arith.constant 0 : i32
    %c0_i32_0 = arith.constant 0 : i32
    return %arg0, %c0_i32 : i32, i32
  }
  func.func @transform_4(%arg0: i32) -> (i32, i32) {
    %c0_i32 = arith.constant 0 : i32
    %c0_i32_0 = arith.constant 0 : i32
    return %arg0, %c0_i32 : i32, i32
  }
  func.func @transform_5(%arg0: i32) -> (i32, i32) {
    %c0_i32 = arith.constant 0 : i32
    %c0_i32_0 = arith.constant 0 : i32
    %c0_i32_1 = arith.constant 0 : i32
    return %c0_i32, %c0_i32_0 : i32, i32
  }
}

</mosaic_0001>

<sc_bundles>
// kernel: kernel.5.cloned.1.call-start
scs
__scs_entry_jumppad:
0x0: {  	(pc) =	sbr.rel $0x88, $3  }
0x1: {  	(tag) =	ssettag $0x0;
	lr =	simm.s32 $0x1  }
0x2: {  	[smem:$0x3F9C] =	sst lr;
	_ =	strace $0xD0000000  }
0x3: {  	_ = 	snop  }
0x4: {  	_ = 	snop  }
0x5: {  	_ = 	snop  }
0x6: {  	_ = 	snop  }
0x7: {  	_ = 	snop  }
__scs_overlays_trampoline_lowered:
0x8: {  	[smem:$0x3FAB] =	sst s0  }
0x9: {  	[smem:$0x3FAC] =	sst s1  }
0xa: {  	[smem:$0x3FAD] =	sst s2  }
0xb: {  	[smem:$0x3FAE] =	sst s3  }
0xc: {  	[smem:$0x3FAF] =	sst s4  }
0xd: {  	[smem:$0x3FB0] =	sst s5  }
0xe: {  	[smem:$0x3FB1] =	sst s6  }
0xf: {  	[smem:$0x3FB2] =	sst s7  }
0x10: {  	[smem:$0x3FB3] =	sst s8  }
0x11: {  	[smem:$0x3FB4] =	sst s9;
	s0 =	simm.s32 @!p0 $0x0  }
0x12: {  	s1 =	sld [smem:$0x3F9A];
	s0 =	simm.s32 @p0 $0x1  }
0x13: {  	[smem:$0x3FB5] =	sst s0;
	s0 =	simm.s32 @!p1 $0x0  }
0x14: {  	s2 =	sld [smem:$0x3F99];
	s0 =	simm.s32 @p1 $0x1  }
0x15: {  	[smem:$0x3FB6] =	sst s0;
	s0 =	simm.s32 @!p2 $0x0  }
0x16: {  	s3 =	sld [smem:$0x3FDB];
	s0 =	simm.s32 @p2 $0x1  }
0x17: {  	s4 =	simm.s32 $0x1BF5;
	[smem:$0x3FB8] =	sst s0  }
0x18: {  	s0 =	sld [smem:$0x3F9B];
	_ =	swait.ge [sflag:s4], $0x0  }
0x19: {  	s7 =	sld [smem:$0x3F9C]  }
0x1a: {  	s8 =	sadd.s32 $0xFFFFE003, lr  }
0x1b: {  	s9 =	sadd.s32 $0xFFFFFEF7, lr;
	s5 =	simm.s32 $0xFFFFFFFF;
	p2 =	slt.u32 s8, $0xFFFFF086  }
0x1c: {  	p1 =	slt.u32 s9, $0xF7A;
	s5 =	simm.s32 @!p2 $0x0  }
0x1d: {  	s5 =	simm.s32 @p1 $0x1;
	p0 =	seq.s32 s7, s2  }
0x1e: {  	s7 =	smul.u32 @!p0 $0xF7A, s2;
	p2 =	seq.s32 @!p0 s5, $0x0  }
0x1f: {  	s9 =	smul.u32 $0xF7A, s1;
	s8 =	simm.s32 @!p0 $0x1BF5;
	p2 =	por !p2, p0  }
0x20: {  	[sflag:s8] =	ssyncset.s32 @!p0 $0xFFFFF086;
	s6 =	sadd.s32 @!p0 s3, s7;
	s7 =	simm.s32 @!p0 $0x108  }
0x21: {  	s3 =	sadd.s32 s3, s9;
	s6 =	sadd.s32 @!p0 $0x88, s6;
	s7 =	simm.s32 @p2 $0x1082  }
0x22: {  	[simem:s7], [sflag:s8] =	dma.local @!p0 [hbm:s6], $0xF7A  }
0x23: {  	s9 =	sor.u32 $0xD0000000, s2;
	s6 =	simm.s32 $0x108;
	_ =	swait.ge @!p0 [sflag:s8], $0x0  }
0x24: {  	s3 =	sadd.s32 $0x88, s3;
	s6 =	simm.s32 @!p1 $0x1082;
	[sflag:s4] =	ssyncset.s32 $0xFFFFF086  }
0x25: {  	[simem:s6], [sflag:s4] =	dma.local [hbm:s3], $0xF7A  }
0x26: {  	[smem:$0x3F9C] =	sst s1;
	(tag) =	ssettag s2;
	_ =	strace s9  }
0x27: {  	s1 =	sld [smem:$0x3FAC]  }
0x28: {  	s2 =	sld [smem:$0x3FAD]  }
0x29: {  	s4 =	sld [smem:$0x3FAF]  }
0x2a: {  	p0 =	seq.s32 s5, $0x0;
	s5 =	sld [smem:$0x3FB0]  }
0x2b: {  	s6 =	sld [smem:$0x3FB1]  }
0x2c: {  	s7 =	sld [smem:$0x3FB2]  }
0x2d: {  	s3 =	simm.s32 $0x108;
	s8 =	sld [smem:$0x3FB3]  }
0x2e: {  	s3 =	simm.s32 @!p0 $0x1082;
	s9 =	sld [smem:$0x3FB4]  }
0x2f: {  	lr =	sadd.s32 s0, s3;
	s0 =	sld [smem:$0x3FAB]  }
0x30: {  	s3 =	sld [smem:$0x3FAE]  }
0x31: {  	[smem:$0x3FB7] =	sst s10  }
0x32: {  	s10 =	sld [smem:$0x3FB5];
	_ =	sdelay $0x3  }
0x33: {  	p0 =	seq.s32 s10, $0x1;
	s10 =	sld [smem:$0x3FB7];
	_ =	sdelay $0x3  }
0x34: {  	[smem:$0x3FB7] =	sst s10  }
0x35: {  	s10 =	sld [smem:$0x3FB6];
	_ =	sdelay $0x3  }
0x36: {  	p1 =	seq.s32 s10, $0x1;
	s10 =	sld [smem:$0x3FB7];
	_ =	sdelay $0x3  }
0x37: {  	[smem:$0x3FB7] =	sst s10  }
0x38: {  	s10 =	sld [smem:$0x3FB8]  }
0x39: {  	_ = 	snop;
	(pc) =	sbr.ind lr, $3  }
0x3a: {  	_ = 	snop  }
0x3b: {  	_ = 	snop  }
0x3c: {  	p2 =	seq.s32 s10, $0x1;
	s10 =	sld [smem:$0x3FB7]  }
0x3d: {  	_ =	shalt  }
0x3e: {  	_ =	shalt  }
0x3f: {  	_ =	shalt  }
0x40: {  	_ =	shalt  }
0x41: {  	_ =	shalt  }
0x42: {  	_ =	shalt  }
0x43: {  	_ =	shalt  }
0x44: {  	_ =	shalt  }
0x45: {  	_ =	shalt  }
0x46: {  	_ =	shalt  }
0x47: {  	_ =	shalt  }
0x48: {  	_ =	shalt  }
0x49: {  	_ =	shalt  }
0x4a: {  	_ =	shalt  }
0x4b: {  	_ =	shalt  }
0x4c: {  	_ =	shalt  }
0x4d: {  	_ =	shalt  }
0x4e: {  	_ =	shalt  }
0x4f: {  	_ =	shalt  }
0x50: {  	_ =	shalt  }
0x51: {  	_ =	shalt  }
0x52: {  	_ =	shalt  }
0x53: {  	_ =	shalt  }
0x54: {  	_ =	shalt  }
0x55: {  	_ =	shalt  }
0x56: {  	_ =	shalt  }
0x57: {  	_ =	shalt  }
0x58: {  	_ =	shalt  }
0x59: {  	_ =	shalt  }
0x5a: {  	_ =	shalt  }
0x5b: {  	_ =	shalt  }
0x5c: {  	_ =	shalt  }
0x5d: {  	_ =	shalt  }
0x5e: {  	_ =	shalt  }
0x5f: {  	_ =	shalt  }
0x60: {  	_ =	shalt  }
0x61: {  	_ =	shalt  }
0x62: {  	_ =	shalt  }
0x63: {  	_ =	shalt  }
0x64: {  	_ =	shalt  }
0x65: {  	_ =	shalt  }
0x66: {  	_ =	shalt  }
0x67: {  	_ =	shalt  }
0x68: {  	_ =	shalt  }
0x69: {  	_ =	shalt  }
0x6a: {  	_ =	shalt  }
0x6b: {  	_ =	shalt  }
0x6c: {  	_ =	shalt  }
0x6d: {  	_ =	shalt  }
0x6e: {  	_ =	shalt  }
0x6f: {  	_ =	shalt  }
0x70: {  	_ =	shalt  }
0x71: {  	_ =	shalt  }
0x72: {  	_ =	shalt  }
0x73: {  	_ =	shalt  }
0x74: {  	_ =	shalt  }
0x75: {  	_ =	shalt  }
0x76: {  	_ =	shalt  }
0x77: {  	_ =	shalt  }
0x78: {  	_ =	shalt  }
0x79: {  	_ =	shalt  }
0x7a: {  	_ =	shalt  }
0x7b: {  	_ =	shalt  }
0x7c: {  	_ =	shalt  }
0x7d: {  	_ =	shalt  }
0x7e: {  	_ =	shalt  }
0x7f: {  	_ =	shalt  }
0x80: {  	_ =	shalt  }
0x81: {  	_ =	shalt  }
0x82: {  	_ =	shalt  }
0x83: {  	_ =	shalt  }
0x84: {  	_ =	shalt  }
0x85: {  	_ =	shalt  }
0x86: {  	_ =	shalt  }
0x87: {  	_ =	shalt  }
.Lfunc_end0:
.L_simem_size_0:
called_computation_lowered:
.L_overlay_start_0:
0x88: {  	s0 =	sld [smem:$0x3FD9]  }
0x89: {  	s1 =	sld [smem:$0x3FFE];
	_ =	sdelay $0x3  }
0x8a: {  	s0 =	sadd.s32 s1, s0  }
0x8b: {  	[smem:$0x3FC3] =	sst s0  }
0x8c: {  	_ = 	snop  }
0x8d: {  	s0 =	sld [smem:$0x3FD0];
	(tm) =	ssettm $0x1  }
0x8e: {  	s16 =	sld [smem:$0x3FFB];
	_ =	sdelay $0x3  }
0x8f: {  	_ =	strace s16  }
0x90: {  	s1 =	sld [smem:$0x3FFC];
	_ =	sdelay $0x3  }
0x91: {  	_ =	strace s1  }
0x92: {  	s1 =	sld [smem:$0x3FFD];
	_ =	sdelay $0x3  }
0x93: {  	_ =	strace s1  }
0x94: {  	_ =	strace $0x8FFFFFFF  }
0x95: {  	s17 =	sld [smem:$0x3FDB];
	_ =	sdelay $0x1  }
0x96: {  	s2 =	simm.s32 $_scs_section_size  }
0x97: {  	s3 =	simm.s32 $_size__tile_overlayer_lowered;
	s4 =	simm.s32 $_tile_overlayer_lowered  }
0x98: {  	s20 =	simm.s32 $0x1BFF;
	s19 =	sshll.u32 s4, $0x1;
	s1 =	sadd.s32 s2, s17  }
0x99: {  	s5 =	simm.s32 $0x0;
	s18 =	sshll.u32 s3, $0x1;
	s3 =	sadd.s32 s19, s1  }
0x9a: {  	[timem:s5], [sflag:s20] =	dma.local [hbm:s3], s18  }
0x9b: {  	_ =	swait.ge [sflag:s20], s18  }
0x9c: {  	s2 =	ssub.s32 $0x0, s18;
	[sflag:s20] =	ssyncset.done $0x0  }
0x9d: {  	[sflag:s20] =	ssyncadd.s32 s2;
	_ =	sdelay $0x1  }
0x9e: {  	s21 =	simm.s32 $0x1B8B  }
0x9f: {  	_ =	swait.ge [sflag:s21], $0x1  }
0xa0: {  	[sflag:s21] =	ssyncset.done $0x0  }
0xa1: {  	s23 =	simm.s32 $0x1B8E;
	s22 =	sld [smem:$0x3FFE];
	[sflag:s21] =	ssyncadd.s32 $0xFFFFFFFF  }
0xa2: {  	s24 =	simm.s32 $execute0_lowered;
	[smem:$0x3FD2] =	sst s23  }
0xa3: {  	s3 =	sshll.u32 s24, $0x1;
	_ =	strace $0x80000046;
	[dreg:$0x1] =	wrdreg $0xFFFFFFFF  }
0xa4: {  	s25 =	simm.s32 $_size_execute0_lowered;
	s1 =	sadd.s32 s1, s3;
	[dreg:$0x0] =	wrdreg $0x0  }
0xa5: {  	s3 =	sshll.u32 s25, $0x1;
	[dreg:$0x2] =	wrdreg s1  }
0xa6: {  	[dreg:$0x3] =	wrdreg s3  }
0xa7: {  	[dreg:$0x4] =	wrdreg $0xC0  }
0xa8: {  	_ =	task [dreg:s5], $0x5FFFF  }
0xa9: {  	[dreg:$0x1] =	wrdreg $0xFFFFFFFF  }
0xaa: {  	[dreg:$0x0] =	wrdreg $0x60  }
0xab: {  	[dreg:$0x2] =	wrdreg s22  }
0xac: {  	[dreg:$0x3] =	wrdreg s0  }
0xad: {  	[dreg:$0x4] =	wrdreg $0x9  }
0xae: {  	_ =	task.clear_ibuf [dreg:s5], $0x5FFFF;
	_ =	strace $0x90000046  }
0xaf: {  	s26 =	simm.s32 $0x9;
	_ =	strace $0x80000048  }
0xb0: {  	_ =	swait.ge [sflag:s26], $0x1  }
0xb1: {  	[sflag:s26] =	ssyncadd.s32 $0xFFFFFFFF  }
0xb2: {  	_ =	strace $0x90000048  }
0xb3: {  	_ =	sfence  }
0xb4: {  	s28 =	sld [smem:$0x0];
	_ =	sdelay $0x1  }
0xb5: {  	s29 =	srdreg.scid  }
0xb6: {  	s30 =	sshll.u32 s29, $0xD;
	s31 =	sshrl.u32 s29, $0x2  }
0xb7: {  	s2 =	sand.u32 $0x4000, s30;
	s1 =	sand.u32 $0x1, s29;
	s0 =	sadd.s32 s31, s28  }
0xb8: {  	s1 =	sor.u32 s2, s1;
	s0 =	sshll.u32 s0, $0x11  }
0xb9: {  	s0 =	sor.u32 s0, s1  }
0xba: {  	s0 =	sadd.s32 $0x8F2B, s0  }
0xbb: {  	[sflag:s0] =	ssyncadd.remote.s32 $0x1  }
0xbc: {  	_ =	sfence.sel $0xFFFF  }
0xbd: {  	[dreg:$0x0] =	wrdreg $0xFFFFFFFF;
	(pc) =	sbr.abs _section_cstart, $3  }
0xbe: {  	[dreg:$0x1] =	wrdreg $0xFFFFFFFF  }
0xbf: {  	_ =	task.clear_ibuf [dreg:s5], $0x2FFFF;
	_ =	strace $0x9FFFFFFF  }
0xc0: {  	(tm) =	ssettm $0x7FFFFFFF  }
0xc1: {  	_ =	shalt  }
tec
execute0_lowered:
.L_overlay_start_1:
0x0: {  	(tag) =	ssettag $0x1  }
0x1: {  	s1 =	stileid.u32  }
0x2: {  	p0 =	sgt.u32 s1, $0x7  }
.Ltmp0:
0x3: {  	_ = 	snop;
	(pc) =	sbr.rel @p0 .LBB2_2-.Ltmp0, $4  }
0x4: {  	s4 =	rddreg [dreg:$0x0]  }
0x5: {  	s3 =	rddreg [dreg:$0x1];
	s2 =	simm.s32 $0x0  }
0x6: {  	[smem:$0x7FF] =	sst s2  }
0x7: {  	s0 =	rddreg [dreg:$0x2];
	_ =	strace $0x80000047  }
0x8: {  	s4 =	sadd.s32 $0xC00, s4;
	s29 =	simm.s32 $0x1  }
0x9: {  	[tilespmem:s2], [sflag:$0x1] =	stream.linear.gather [hbm4b:s4+s2], $0x2000, $0x38;
	[tilespmem:$0x4000] =	vst v63  }
0xa: {  	_ =	swait.ge [sflag:s29], $0x2000  }
0xb: {  	[sflag:s29] =	ssyncset.done $0x0  }
0xc: {  	s5 =	sshll.u32 s1, $0x4;
	[sflag:s29] =	ssyncadd.s32 $0xFFFFE000  }
0xd: {  	v0 =	vld [tilespmem:s5+$0x0]  }
0xe: {  	v1 =	vld [tilespmem:s5+$0x80];
	_ =	sdelay $0x1  }
0xf: {  	v2 =	vld [tilespmem:s5+$0x100];
	_ =	sdelay $0x1  }
0x10: {  	v6 =	vld [tilespmem:s5+$0x180]  }
0x11: {  	v4 =	vimm.s32 $0x0;
	v3 =	vmin.f32 v0, $-Inf;
	vm0 =	vgt.f32 v1, v0  }
0x12: {  	v5 =	vmin.f32 v0, v1;
	v0 =	vmax.f32 v0, v1;
	vm1 =	vmneg vm0  }
0x13: {  	v21 =	vld [tilespmem:s5+$0x200];
	vm2 =	vgt.f32 v1, v3;
	v3 =	vmax.f32 v3, v5;
	vm5 =	vgt.f32 v2, v0  }
0x14: {  	v20 =	vmin.f32 v0, v2;
	v0 =	vmax.f32 v0, v2;
	vm1 =	vmand vm1, vm2  }
0x15: {  	v22 =	vld [tilespmem:s5+$0x280];
	vm4 =	vgt.f32 v2, v3;
	v3 =	vmax.f32 v3, v20;
	vm7 =	vgt.f32 v6, v0  }
0x16: {  	v2 =	vmin.f32 v0, v6;
	v0 =	vmax.f32 v0, v6;
	v7 =	vsel vm1, $0x1, v4  }
0x17: {  	v25 =	vld [tilespmem:s5+$0x300];
	v4 =	vsel vm0, $0x1, v4;
	vm6 =	vgt.f32 v6, v3;
	v2 =	vmax.f32 v3, v2  }
0x18: {  	vm9 =	vgt.f32 v21, v0;
	v24 =	vmin.f32 v0, v21;
	v0 =	vmax.f32 v0, v21  }
0x19: {  	v27 =	vld [tilespmem:s5+$0x380];
	v19 =	vsel vm4, $0x2, v7;
	vm8 =	vgt.f32 v21, v2;
	v2 =	vmax.f32 v2, v24  }
0x1a: {  	vm11 =	vgt.f32 v22, v0;
	v26 =	vmin.f32 v0, v22;
	v0 =	vmax.f32 v0, v22  }
0x1b: {  	v1 =	vsel vm5, v4, v19;
	v4 =	vsel vm5, $0x2, v4;
	vm10 =	vgt.f32 v22, v2  }
0x1c: {  	v29 =	vld [tilespmem:s5+$0x400];
	v2 =	vmax.f32 v2, v26;
	vm13 =	vgt.f32 v25, v0;
	v28 =	vmin.f32 v0, v25  }
0x1d: {  	v0 =	vmax.f32 v0, v25;
	v1 =	vsel vm6, $0x3, v1;
	v23 =	vsel vm7, $0x3, v4  }
0x1e: {  	v31 =	vld [tilespmem:s5+$0x480];
	vm12 =	vgt.f32 v25, v2;
	v2 =	vmax.f32 v2, v28;
	vm15 =	vgt.f32 v27, v0  }
0x1f: {  	v30 =	vmin.f32 v0, v27;
	v0 =	vmax.f32 v0, v27;
	v1 =	vsel vm7, v4, v1  }
0x20: {  	v33 =	vld [tilespmem:s5+$0x500];
	v3 =	vsel vm9, $0x4, v23;
	vm14 =	vgt.f32 v27, v2;
	v2 =	vmax.f32 v2, v30  }
0x21: {  	vm5 =	vgt.f32 v29, v0;
	v32 =	vmin.f32 v0, v29;
	v0 =	vmax.f32 v0, v29  }
0x22: {  	v35 =	vld [tilespmem:s5+$0x580];
	v1 =	vsel vm8, $0x4, v1;
	vm4 =	vgt.f32 v29, v2;
	v2 =	vmax.f32 v2, v32  }
0x23: {  	vm7 =	vgt.f32 v31, v0;
	v34 =	vmin.f32 v0, v31;
	v0 =	vmax.f32 v0, v31  }
0x24: {  	v37 =	vld [tilespmem:s5+$0x600];
	v1 =	vsel vm9, v23, v1;
	vm6 =	vgt.f32 v31, v2;
	v2 =	vmax.f32 v2, v34  }
0x25: {  	vm9 =	vgt.f32 v33, v0;
	v36 =	vmin.f32 v0, v33;
	v0 =	vmax.f32 v0, v33  }
0x26: {  	v1 =	vsel vm10, $0x5, v1;
	vm8 =	vgt.f32 v33, v2;
	v2 =	vmax.f32 v2, v36  }
0x27: {  	v39 =	vld [tilespmem:s5+$0x680];
	v38 =	vmin.f32 v0, v35;
	v1 =	vsel vm11, v3, v1;
	v3 =	vsel vm11, $0x5, v3  }
0x28: {  	vm10 =	vgt.f32 v35, v2;
	vm11 =	vgt.f32 v35, v0;
	v2 =	vmax.f32 v2, v38  }
0x29: {  	v0 =	vmax.f32 v0, v35;
	v1 =	vsel vm12, $0x6, v1;
	vm12 =	vgt.f32 v37, v2  }
0x2a: {  	v41 =	vld [tilespmem:s5+$0x700];
	v40 =	vmin.f32 v0, v37;
	v1 =	vsel vm13, v3, v1;
	v3 =	vsel vm13, $0x6, v3  }
0x2b: {  	vm13 =	vgt.f32 v37, v0;
	v2 =	vmax.f32 v2, v40;
	v0 =	vmax.f32 v0, v37  }
0x2c: {  	v43 =	vld [tilespmem:s5+$0x780];
	v1 =	vsel vm14, $0x7, v1;
	vm14 =	vgt.f32 v39, v2;
	v42 =	vmin.f32 v0, v39  }
0x2d: {  	v1 =	vsel vm15, v3, v1;
	v3 =	vsel vm15, $0x7, v3;
	vm15 =	vgt.f32 v39, v0  }
0x2e: {  	v2 =	vmax.f32 v2, v42;
	v0 =	vmax.f32 v0, v39;
	v1 =	vsel vm4, $0x8, v1  }
0x2f: {  	v45 =	vld [tilespmem:s5+$0x800];
	vm4 =	vgt.f32 v41, v2;
	v44 =	vmin.f32 v0, v41;
	v1 =	vsel vm5, v3, v1  }
0x30: {  	v3 =	vsel vm5, $0x8, v3;
	vm5 =	vgt.f32 v41, v0;
	v2 =	vmax.f32 v2, v44  }
0x31: {  	v0 =	vmax.f32 v0, v41;
	v1 =	vsel vm6, $0x9, v1;
	vm6 =	vgt.f32 v43, v2  }
0x32: {  	v47 =	vld [tilespmem:s5+$0x880];
	v46 =	vmin.f32 v0, v43;
	v1 =	vsel vm7, v3, v1;
	v3 =	vsel vm7, $0x9, v3  }
0x33: {  	vm7 =	vgt.f32 v43, v0;
	v2 =	vmax.f32 v2, v46;
	v0 =	vmax.f32 v0, v43  }
0x34: {  	v49 =	vld [tilespmem:s5+$0x900];
	v1 =	vsel vm8, $0xA, v1;
	vm8 =	vgt.f32 v45, v2;
	v48 =	vmin.f32 v0, v45  }
0x35: {  	v1 =	vsel vm9, v3, v1;
	v3 =	vsel vm9, $0xA, v3;
	vm9 =	vgt.f32 v45, v0  }
0x36: {  	v2 =	vmax.f32 v2, v48;
	v0 =	vmax.f32 v0, v45;
	v1 =	vsel vm10, $0xB, v1  }
0x37: {  	v51 =	vld [tilespmem:s5+$0x980];
	vm10 =	vgt.f32 v47, v2;
	v50 =	vmin.f32 v0, v47;
	v1 =	vsel vm11, v3, v1  }
0x38: {  	v3 =	vsel vm11, $0xB, v3;
	vm11 =	vgt.f32 v47, v0;
	v2 =	vmax.f32 v2, v50  }
0x39: {  	v0 =	vmax.f32 v0, v47;
	v1 =	vsel vm12, $0xC, v1;
	vm12 =	vgt.f32 v49, v2  }
0x3a: {  	v53 =	vld [tilespmem:s5+$0xA00];
	v52 =	vmin.f32 v0, v49;
	v1 =	vsel vm13, v3, v1;
	v3 =	vsel vm13, $0xC, v3  }
0x3b: {  	vm13 =	vgt.f32 v49, v0;
	v2 =	vmax.f32 v2, v52;
	v0 =	vmax.f32 v0, v49  }
0x3c: {  	v55 =	vld [tilespmem:s5+$0xA80];
	v1 =	vsel vm14, $0xD, v1;
	vm14 =	vgt.f32 v51, v2;
	v54 =	vmin.f32 v0, v51  }
0x3d: {  	v1 =	vsel vm15, v3, v1;
	v3 =	vsel vm15, $0xD, v3;
	vm15 =	vgt.f32 v51, v0  }
0x3e: {  	v2 =	vmax.f32 v2, v54;
	v0 =	vmax.f32 v0, v51;
	v1 =	vsel vm4, $0xE, v1  }
0x3f: {  	v57 =	vld [tilespmem:s5+$0xB00];
	vm4 =	vgt.f32 v53, v2;
	v56 =	vmin.f32 v0, v53;
	v1 =	vsel vm5, v3, v1  }
0x40: {  	v3 =	vsel vm5, $0xE, v3;
	vm5 =	vgt.f32 v53, v0;
	v2 =	vmax.f32 v2, v56  }
0x41: {  	v0 =	vmax.f32 v0, v53;
	v1 =	vsel vm6, $0xF, v1;
	vm6 =	vgt.f32 v55, v2  }
0x42: {  	v59 =	vld [tilespmem:s5+$0xB80];
	v58 =	vmin.f32 v0, v55;
	v1 =	vsel vm7, v3, v1;
	v3 =	vsel vm7, $0xF, v3  }
0x43: {  	vm7 =	vgt.f32 v55, v0;
	v2 =	vmax.f32 v2, v58;
	v0 =	vmax.f32 v0, v55  }
0x44: {  	v61 =	vld [tilespmem:s5+$0xC00];
	v1 =	vsel vm8, $0x10, v1;
	vm8 =	vgt.f32 v57, v2;
	v60 =	vmin.f32 v0, v57  }
0x45: {  	v1 =	vsel vm9, v3, v1;
	v3 =	vsel vm9, $0x10, v3;
	vm9 =	vgt.f32 v57, v0  }
0x46: {  	v2 =	vmax.f32 v2, v60;
	v0 =	vmax.f32 v0, v57;
	v1 =	vsel vm10, $0x11, v1  }
0x47: {  	v63 =	vld [tilespmem:s5+$0xC80];
	vm10 =	vgt.f32 v59, v2;
	v62 =	vmin.f32 v0, v59;
	v1 =	vsel vm11, v3, v1  }
0x48: {  	v3 =	vsel vm11, $0x11, v3;
	vm11 =	vgt.f32 v59, v0;
	v2 =	vmax.f32 v2, v62  }
0x49: {  	v0 =	vmax.f32 v0, v59;
	v1 =	vsel vm12, $0x12, v1;
	vm12 =	vgt.f32 v61, v2  }
0x4a: {  	v10 =	vld [tilespmem:s5+$0xD00];
	v9 =	vmin.f32 v0, v61;
	v1 =	vsel vm13, v3, v1;
	v3 =	vsel vm13, $0x12, v3  }
0x4b: {  	vm13 =	vgt.f32 v61, v0;
	v2 =	vmax.f32 v2, v9;
	v0 =	vmax.f32 v0, v61  }
0x4c: {  	v12 =	vld [tilespmem:s5+$0xD80];
	v1 =	vsel vm14, $0x13, v1;
	vm14 =	vgt.f32 v63, v2;
	v11 =	vmin.f32 v0, v63  }
0x4d: {  	v1 =	vsel vm15, v3, v1;
	v3 =	vsel vm15, $0x13, v3;
	vm15 =	vgt.f32 v63, v0  }
0x4e: {  	v2 =	vmax.f32 v2, v11;
	v0 =	vmax.f32 v0, v63;
	v1 =	vsel vm4, $0x14, v1  }
0x4f: {  	v14 =	vld [tilespmem:s5+$0xE00];
	vm4 =	vgt.f32 v10, v2;
	v13 =	vmin.f32 v0, v10;
	v1 =	vsel vm5, v3, v1  }
0x50: {  	v3 =	vsel vm5, $0x14, v3;
	vm5 =	vgt.f32 v10, v0;
	v2 =	vmax.f32 v2, v13  }
0x51: {  	v0 =	vmax.f32 v0, v10;
	v1 =	vsel vm6, $0x15, v1;
	vm6 =	vgt.f32 v12, v2  }
0x52: {  	v16 =	vld [tilespmem:s5+$0xE80];
	v15 =	vmin.f32 v0, v12;
	v1 =	vsel vm7, v3, v1;
	v3 =	vsel vm7, $0x15, v3  }
0x53: {  	vm7 =	vgt.f32 v12, v0;
	v2 =	vmax.f32 v2, v15;
	v0 =	vmax.f32 v0, v12  }
0x54: {  	v18 =	vld [tilespmem:s5+$0xF00];
	v1 =	vsel vm8, $0x16, v1;
	vm8 =	vgt.f32 v14, v2;
	v17 =	vmin.f32 v0, v14  }
0x55: {  	v1 =	vsel vm9, v3, v1;
	v3 =	vsel vm9, $0x16, v3;
	vm9 =	vgt.f32 v14, v0  }
0x56: {  	v2 =	vmax.f32 v2, v17;
	v0 =	vmax.f32 v0, v14;
	v1 =	vsel vm10, $0x17, v1  }
0x57: {  	v20 =	vld [tilespmem:s5+$0xF80];
	vm10 =	vgt.f32 v16, v2;
	v19 =	vmin.f32 v0, v16;
	v1 =	vsel vm11, v3, v1  }
0x58: {  	v3 =	vsel vm11, $0x17, v3;
	vm11 =	vgt.f32 v16, v0;
	v2 =	vmax.f32 v2, v19  }
0x59: {  	v0 =	vmax.f32 v0, v16;
	v1 =	vsel vm12, $0x18, v1;
	vm12 =	vgt.f32 v18, v2  }
0x5a: {  	v22 =	vld [tilespmem:s5+$0x1000];
	v21 =	vmin.f32 v0, v18;
	v1 =	vsel vm13, v3, v1;
	v3 =	vsel vm13, $0x18, v3  }
0x5b: {  	vm13 =	vgt.f32 v18, v0;
	v2 =	vmax.f32 v2, v21;
	v0 =	vmax.f32 v0, v18  }
0x5c: {  	v24 =	vld [tilespmem:s5+$0x1080];
	v1 =	vsel vm14, $0x19, v1;
	vm14 =	vgt.f32 v20, v2;
	v23 =	vmin.f32 v0, v20  }
0x5d: {  	v1 =	vsel vm15, v3, v1;
	v3 =	vsel vm15, $0x19, v3;
	vm15 =	vgt.f32 v20, v0  }
0x5e: {  	v2 =	vmax.f32 v2, v23;
	v0 =	vmax.f32 v0, v20;
	v1 =	vsel vm4, $0x1A, v1  }
0x5f: {  	v26 =	vld [tilespmem:s5+$0x1100];
	vm4 =	vgt.f32 v22, v2;
	v25 =	vmin.f32 v0, v22;
	v1 =	vsel vm5, v3, v1  }
0x60: {  	v3 =	vsel vm5, $0x1A, v3;
	vm5 =	vgt.f32 v22, v0;
	v2 =	vmax.f32 v2, v25  }
0x61: {  	v0 =	vmax.f32 v0, v22;
	v1 =	vsel vm6, $0x1B, v1;
	vm6 =	vgt.f32 v24, v2  }
0x62: {  	v28 =	vld [tilespmem:s5+$0x1180];
	v27 =	vmin.f32 v0, v24;
	v1 =	vsel vm7, v3, v1;
	v3 =	vsel vm7, $0x1B, v3  }
0x63: {  	vm7 =	vgt.f32 v24, v0;
	v2 =	vmax.f32 v2, v27;
	v0 =	vmax.f32 v0, v24  }
0x64: {  	v30 =	vld [tilespmem:s5+$0x1200];
	v1 =	vsel vm8, $0x1C, v1;
	vm8 =	vgt.f32 v26, v2;
	v29 =	vmin.f32 v0, v26  }
0x65: {  	v1 =	vsel vm9, v3, v1;
	v3 =	vsel vm9, $0x1C, v3;
	vm9 =	vgt.f32 v26, v0  }
0x66: {  	v2 =	vmax.f32 v2, v29;
	v0 =	vmax.f32 v0, v26;
	v1 =	vsel vm10, $0x1D, v1  }
0x67: {  	v32 =	vld [tilespmem:s5+$0x1280];
	vm10 =	vgt.f32 v28, v2;
	v31 =	vmin.f32 v0, v28;
	v1 =	vsel vm11, v3, v1  }
0x68: {  	v3 =	vsel vm11, $0x1D, v3;
	vm11 =	vgt.f32 v28, v0;
	v2 =	vmax.f32 v2, v31  }
0x69: {  	v0 =	vmax.f32 v0, v28;
	v1 =	vsel vm12, $0x1E, v1;
	vm12 =	vgt.f32 v30, v2  }
0x6a: {  	v34 =	vld [tilespmem:s5+$0x1300];
	v33 =	vmin.f32 v0, v30;
	v1 =	vsel vm13, v3, v1;
	v3 =	vsel vm13, $0x1E, v3  }
0x6b: {  	vm13 =	vgt.f32 v30, v0;
	v2 =	vmax.f32 v2, v33;
	v0 =	vmax.f32 v0, v30  }
0x6c: {  	v36 =	vld [tilespmem:s5+$0x1380];
	v1 =	vsel vm14, $0x1F, v1;
	vm14 =	vgt.f32 v32, v2;
	v35 =	vmin.f32 v0, v32  }
0x6d: {  	v1 =	vsel vm15, v3, v1;
	v3 =	vsel vm15, $0x1F, v3;
	vm15 =	vgt.f32 v32, v0  }
0x6e: {  	v2 =	vmax.f32 v2, v35;
	v0 =	vmax.f32 v0, v32;
	v1 =	vsel vm4, $0x20, v1  }
0x6f: {  	v38 =	vld [tilespmem:s5+$0x1400];
	vm4 =	vgt.f32 v34, v2;
	v37 =	vmin.f32 v0, v34;
	v1 =	vsel vm5, v3, v1  }
0x70: {  	v3 =	vsel vm5, $0x20, v3;
	vm5 =	vgt.f32 v34, v0;
	v2 =	vmax.f32 v2, v37  }
0x71: {  	v0 =	vmax.f32 v0, v34;
	v1 =	vsel vm6, $0x21, v1;
	vm6 =	vgt.f32 v36, v2  }
0x72: {  	v40 =	vld [tilespmem:s5+$0x1480];
	v39 =	vmin.f32 v0, v36;
	v1 =	vsel vm7, v3, v1;
	v3 =	vsel vm7, $0x21, v3  }
0x73: {  	vm7 =	vgt.f32 v36, v0;
	v2 =	vmax.f32 v2, v39;
	v0 =	vmax.f32 v0, v36  }
0x74: {  	v42 =	vld [tilespmem:s5+$0x1500];
	v1 =	vsel vm8, $0x22, v1;
	vm8 =	vgt.f32 v38, v2;
	v41 =	vmin.f32 v0, v38  }
0x75: {  	v1 =	vsel vm9, v3, v1;
	v3 =	vsel vm9, $0x22, v3;
	vm9 =	vgt.f32 v38, v0  }
0x76: {  	v2 =	vmax.f32 v2, v41;
	v0 =	vmax.f32 v0, v38;
	v1 =	vsel vm10, $0x23, v1  }
0x77: {  	v44 =	vld [tilespmem:s5+$0x1580];
	vm10 =	vgt.f32 v40, v2;
	v43 =	vmin.f32 v0, v40;
	v1 =	vsel vm11, v3, v1  }
0x78: {  	v3 =	vsel vm11, $0x23, v3;
	vm11 =	vgt.f32 v40, v0;
	v2 =	vmax.f32 v2, v43  }
0x79: {  	v0 =	vmax.f32 v0, v40;
	v1 =	vsel vm12, $0x24, v1;
	vm12 =	vgt.f32 v42, v2  }
0x7a: {  	v46 =	vld [tilespmem:s5+$0x1600];
	v45 =	vmin.f32 v0, v42;
	v1 =	vsel vm13, v3, v1;
	v3 =	vsel vm13, $0x24, v3  }
0x7b: {  	vm13 =	vgt.f32 v42, v0;
	v2 =	vmax.f32 v2, v45;
	v0 =	vmax.f32 v0, v42  }
0x7c: {  	v48 =	vld [tilespmem:s5+$0x1680];
	v1 =	vsel vm14, $0x25, v1;
	vm14 =	vgt.f32 v44, v2;
	v47 =	vmin.f32 v0, v44  }
0x7d: {  	v1 =	vsel vm15, v3, v1;
	v3 =	vsel vm15, $0x25, v3;
	vm15 =	vgt.f32 v44, v0  }
0x7e: {  	v2 =	vmax.f32 v2, v47;
	v0 =	vmax.f32 v0, v44;
	v1 =	vsel vm4, $0x26, v1  }
0x7f: {  	v50 =	vld [tilespmem:s5+$0x1700];
	vm4 =	vgt.f32 v46, v2;
	v49 =	vmin.f32 v0, v46;
	v1 =	vsel vm5, v3, v1  }
0x80: {  	v3 =	vsel vm5, $0x26, v3;
	vm5 =	vgt.f32 v46, v0;
	v2 =	vmax.f32 v2, v49  }
0x81: {  	v0 =	vmax.f32 v0, v46;
	v1 =	vsel vm6, $0x27, v1;
	vm6 =	vgt.f32 v48, v2  }
0x82: {  	v52 =	vld [tilespmem:s5+$0x1780];
	v51 =	vmin.f32 v0, v48;
	v1 =	vsel vm7, v3, v1;
	v3 =	vsel vm7, $0x27, v3  }
0x83: {  	vm7 =	vgt.f32 v48, v0;
	v2 =	vmax.f32 v2, v51;
	v0 =	vmax.f32 v0, v48  }
0x84: {  	v54 =	vld [tilespmem:s5+$0x1800];
	v1 =	vsel vm8, $0x28, v1;
	vm8 =	vgt.f32 v50, v2;
	v53 =	vmin.f32 v0, v50  }
0x85: {  	v1 =	vsel vm9, v3, v1;
	v3 =	vsel vm9, $0x28, v3;
	vm9 =	vgt.f32 v50, v0  }
0x86: {  	v2 =	vmax.f32 v2, v53;
	v0 =	vmax.f32 v0, v50;
	v1 =	vsel vm10, $0x29, v1  }
0x87: {  	v55 =	vld [tilespmem:s5+$0x1880];
	vm10 =	vgt.f32 v52, v2;
	v7 =	vmin.f32 v0, v52;
	v1 =	vsel vm11, v3, v1  }
0x88: {  	v3 =	vsel vm11, $0x29, v3;
	vm11 =	vgt.f32 v52, v0;
	v2 =	vmax.f32 v2, v7  }
0x89: {  	v0 =	vmax.f32 v0, v52;
	v1 =	vsel vm12, $0x2A, v1;
	vm12 =	vgt.f32 v54, v2  }
0x8a: {  	v56 =	vld [tilespmem:s5+$0x1900];
	v5 =	vmin.f32 v0, v54;
	v1 =	vsel vm13, v3, v1;
	v3 =	vsel vm13, $0x2A, v3  }
0x8b: {  	vm13 =	vgt.f32 v54, v0;
	v2 =	vmax.f32 v2, v5;
	v0 =	vmax.f32 v0, v54  }
0x8c: {  	v57 =	vld [tilespmem:s5+$0x1980];
	v1 =	vsel vm14, $0x2B, v1;
	vm14 =	vgt.f32 v55, v2;
	v8 =	vmin.f32 v0, v55  }
0x8d: {  	v58 =	vld [tilespmem:s5+$0x1A00];
	v1 =	vsel vm15, v3, v1;
	v3 =	vsel vm15, $0x2B, v3;
	vm15 =	vgt.f32 v55, v0  }
0x8e: {  	v2 =	vmax.f32 v2, v8;
	v0 =	vmax.f32 v0, v55;
	v1 =	vsel vm4, $0x2C, v1  }
0x8f: {  	v9 =	vld [tilespmem:s5+$0x1A80];
	vm4 =	vgt.f32 v56, v0;
	v60 =	vmin.f32 v0, v56;
	v0 =	vmax.f32 v0, v56  }
0x90: {  	v1 =	vsel vm5, v3, v1;
	v3 =	vsel vm5, $0x2C, v3;
	v8 =	vmax.f32 v2, v60  }
0x91: {  	v59 =	vld [tilespmem:s5+$0x1B00];
	v11 =	vmin.f32 v0, v57;
	v12 =	vmax.f32 v0, v57;
	vm5 =	vgt.f32 v56, v2  }
0x92: {  	v1 =	vsel vm6, $0x2D, v1;
	v11 =	vmax.f32 v8, v11;
	v14 =	vmin.f32 v12, v58  }
0x93: {  	v10 =	vld [tilespmem:s5+$0x1B80];
	v15 =	vmax.f32 v12, v58;
	vm6 =	vgt.f32 v57, v8;
	v1 =	vsel vm7, v3, v1  }
0x94: {  	v3 =	vsel vm7, $0x2D, v3;
	v14 =	vmax.f32 v11, v14;
	v17 =	vmin.f32 v15, v9  }
0x95: {  	v13 =	vld [tilespmem:s5+$0x1C00];
	v18 =	vmax.f32 v15, v9;
	vm7 =	vgt.f32 v57, v0;
	v1 =	vsel vm8, $0x2E, v1  }
0x96: {  	v16 =	vld [tilespmem:s5+$0x1C80];
	v17 =	vmax.f32 v14, v17;
	v20 =	vmin.f32 v18, v59;
	v21 =	vmax.f32 v18, v59  }
0x97: {  	vm8 =	vgt.f32 v58, v11;
	v1 =	vsel vm9, v3, v1;
	v3 =	vsel vm9, $0x2E, v3  }
0x98: {  	v19 =	vld [tilespmem:s5+$0x1D00];
	v20 =	vmax.f32 v17, v20;
	v23 =	vmin.f32 v21, v10;
	v24 =	vmax.f32 v21, v10  }
0x99: {  	v22 =	vld [tilespmem:s5+$0x1D80];
	vm9 =	vgt.f32 v58, v12;
	v1 =	vsel vm10, $0x2F, v1;
	v23 =	vmax.f32 v20, v23  }
0x9a: {  	v26 =	vmin.f32 v24, v13;
	v27 =	vmax.f32 v24, v13;
	v1 =	vsel vm11, v3, v1  }
0x9b: {  	v25 =	vld [tilespmem:s5+$0x1E00];
	v3 =	vsel vm11, $0x2F, v3;
	v26 =	vmax.f32 v23, v26;
	v29 =	vmin.f32 v27, v16  }
0x9c: {  	v28 =	vld [tilespmem:s5+$0x1E80];
	v30 =	vmax.f32 v27, v16;
	v1 =	vsel vm12, $0x30, v1;
	v29 =	vmax.f32 v26, v29  }
0x9d: {  	v32 =	vmin.f32 v30, v19;
	v33 =	vmax.f32 v30, v19;
	v1 =	vsel vm13, v3, v1  }
0x9e: {  	v31 =	vld [tilespmem:s5+$0x1F00];
	v3 =	vsel vm13, $0x30, v3;
	v32 =	vmax.f32 v29, v32;
	v35 =	vmin.f32 v33, v22  }
0x9f: {  	v36 =	vmax.f32 v33, v22;
	v1 =	vsel vm14, $0x31, v1;
	v35 =	vmax.f32 v32, v35  }
0xa0: {  	v34 =	vld [tilespmem:s5+$0x1F80];
	v37 =	vmin.f32 v36, v25;
	v38 =	vmax.f32 v36, v25;
	v1 =	vsel vm15, v3, v1  }
0xa1: {  	v3 =	vsel vm15, $0x31, v3;
	v37 =	vmax.f32 v35, v37;
	v39 =	vmin.f32 v38, v28  }
0xa2: {  	v40 =	vmax.f32 v38, v28;
	v39 =	vmax.f32 v37, v39;
	v1 =	vsel vm5, $0x32, v1  }
0xa3: {  	v41 =	vmin.f32 v40, v31;
	v42 =	vmax.f32 v40, v31;
	v1 =	vsel vm4, v3, v1  }
0xa4: {  	v8 =	vsel vm4, $0x32, v3;
	v61 =	vmax.f32 v39, v41;
	v1 =	vsel vm6, $0x33, v1  }
0xa5: {  	v62 =	vmin.f32 v42, v34;
	v63 =	vmax.f32 v42, v34;
	v1 =	vsel vm7, v8, v1  }
0xa6: {  	v0 =	vsel vm7, $0x33, v8;
	v5 =	vmax.f32 v61, v62;
	v1 =	vsel vm8, $0x34, v1  }
0xa7: {  	vm10 =	vgt.f32 v9, v14;
	v5 =	vsub.f32 v5, v63;
	v1 =	vsel vm9, v0, v1  }
0xa8: {  	vm11 =	vgt.f32 v9, v15;
	v0 =	vsel vm9, $0x34, v0;
	v1 =	vsel vm10, $0x35, v1  }
0xa9: {  	vm12 =	vgt.f32 v59, v17;
	v11 =	vmul.f32 $1.442695020e+00, v5;
	v1 =	vsel vm11, v0, v1  }
0xaa: {  	vm13 =	vgt.f32 v59, v18;
	v0 =	vsel vm11, $0x35, v0;
	v1 =	vsel vm12, $0x36, v1  }
0xab: {  	vm14 =	vgt.f32 v10, v20;
	(erf) = vpow2.f32 v11;
	v1 =	vsel vm13, v0, v1  }
0xac: {  	vm15 =	vgt.f32 v10, v21;
	v0 =	vsel vm13, $0x36, v0;
	v1 =	vsel vm14, $0x37, v1  }
0xad: {  	vm4 =	vgt.f32 v13, v23;
	v1 =	vsel vm15, v0, v1  }
0xae: {  	vm5 =	vgt.f32 v13, v24;
	v0 =	vsel vm15, $0x37, v0;
	v1 =	vsel vm4, $0x38, v1  }
0xaf: {  	vm6 =	vgt.f32 v16, v26;
	v1 =	vsel vm5, v0, v1  }
0xb0: {  	vm7 =	vgt.f32 v16, v27;
	v0 =	vsel vm5, $0x38, v0;
	v1 =	vsel vm6, $0x39, v1  }
0xb1: {  	vm8 =	vgt.f32 v19, v29;
	v1 =	vsel vm7, v0, v1  }
0xb2: {  	vm9 =	vgt.f32 v19, v30;
	v0 =	vsel vm7, $0x39, v0;
	v1 =	vsel vm8, $0x3A, v1  }
0xb3: {  	vm10 =	vgt.f32 v22, v32;
	v1 =	vsel vm9, v0, v1  }
0xb4: {  	vm11 =	vgt.f32 v22, v33;
	v3 =	vpop (erf);
	v0 =	vsel vm9, $0x3A, v0;
	v1 =	vsel vm10, $0x3B, v1  }
0xb5: {  	vm12 =	vgt.f32 v25, v35;
	v3 =	vadd.f32 $1.000000000e+00, v3;
	v1 =	vsel vm11, v0, v1  }
0xb6: {  	vm13 =	vgt.f32 v25, v36;
	v0 =	vsel vm11, $0x3B, v0;
	v1 =	vsel vm12, $0x3C, v1  }
0xb7: {  	vm14 =	vgt.f32 v28, v37;
	(erf) = vrcp.f32 v3;
	v1 =	vsel vm13, v0, v1  }
0xb8: {  	vm15 =	vgt.f32 v28, v38;
	v0 =	vsel vm13, $0x3C, v0;
	v1 =	vsel vm14, $0x3D, v1  }
0xb9: {  	vm4 =	vgt.f32 v31, v39;
	v1 =	vsel vm15, v0, v1  }
0xba: {  	vm5 =	vgt.f32 v31, v40;
	v0 =	vsel vm15, $0x3D, v0;
	v1 =	vsel vm4, $0x3E, v1  }
0xbb: {  	vm6 =	vgt.f32 v34, v61;
	v1 =	vsel vm5, v0, v1  }
0xbc: {  	vm7 =	vgt.f32 v34, v42;
	v31 =	vsel vm5, $0x3E, v0;
	v1 =	vsel vm6, $0x3F, v1  }
0xbd: {  	v3 =	vsel vm7, v31, v1;
	v1 =	vsel vm7, $0x3F, v31  }
0xbe: {  	vm8 =	veq.s32 v1, $0x0  }
0xbf: {  	vm9 =	veq.s32 v3, $0x0;
	vm10 =	veq.s32 v3, $0x1;
	vm11 =	veq.s32 v3, $0x2  }
0xc0: {  	v0 =	vpop (erf);
	vm12 =	veq.s32 v1, $0x1;
	vm13 =	veq.s32 v1, $0x2;
	vm14 =	veq.s32 v1, $0x3  }
0xc1: {  	vm15 =	veq.s32 v3, $0x3;
	vm4 =	veq.s32 v3, $0x4;
	v2 =	vsub.f32 $1.000000000e+00, v0  }
0xc2: {  	vm5 =	veq.s32 v3, $0x5;
	vm6 =	veq.s32 v1, $0x4;
	vm7 =	veq.s32 v1, $0x5  }
0xc3: {  	v32 =	vnsel vm9, $0x0, v2;
	v33 =	vnsel vm10, $0x0, v2;
	v34 =	vnsel vm11, $0x0, v2  }
0xc4: {  	v35 =	vnsel vm15, $0x0, v2;
	v36 =	vnsel vm4, $0x0, v2;
	v37 =	vnsel vm5, $0x0, v2  }
0xc5: {  	vm9 =	veq.s32 v3, $0x6;
	vm10 =	veq.s32 v3, $0x7;
	vm11 =	veq.s32 v3, $0x8  }
0xc6: {  	vm15 =	veq.s32 v3, $0x9;
	vm4 =	veq.s32 v3, $0xA;
	vm5 =	veq.s32 v3, $0xB  }
0xc7: {  	v4 =	vsel vm8, v0, v32;
	v5 =	vsel vm12, v0, v33;
	v6 =	vsel vm13, v0, v34  }
0xc8: {  	v7 =	vsel vm14, v0, v35;
	v8 =	vsel vm6, v0, v36;
	v9 =	vsel vm7, v0, v37  }
0xc9: {  	vm8 =	veq.s32 v1, $0x6;
	v38 =	vnsel vm9, $0x0, v2;
	v39 =	vnsel vm10, $0x0, v2  }
0xca: {  	vm12 =	veq.s32 v1, $0x7;
	v40 =	vnsel vm11, $0x0, v2;
	vm13 =	veq.s32 v1, $0x8  }
0xcb: {  	vm14 =	veq.s32 v1, $0x9;
	v41 =	vnsel vm15, $0x0, v2;
	v42 =	vnsel vm4, $0x0, v2  }
0xcc: {  	vm6 =	veq.s32 v1, $0xA;
	v43 =	vnsel vm5, $0x0, v2;
	vm7 =	veq.s32 v1, $0xB  }
0xcd: {  	vm9 =	veq.s32 v3, $0xC;
	vm10 =	veq.s32 v3, $0xD;
	vm11 =	veq.s32 v3, $0xE  }
0xce: {  	vm15 =	veq.s32 v3, $0xF;
	vm4 =	veq.s32 v3, $0x10;
	vm5 =	veq.s32 v3, $0x11  }
0xcf: {  	v10 =	vsel vm8, v0, v38;
	v11 =	vsel vm12, v0, v39;
	v12 =	vsel vm13, v0, v40  }
0xd0: {  	v13 =	vsel vm14, v0, v41;
	v14 =	vsel vm6, v0, v42;
	v15 =	vsel vm7, v0, v43  }
0xd1: {  	vm8 =	veq.s32 v1, $0xC;
	v44 =	vnsel vm9, $0x0, v2;
	v45 =	vnsel vm10, $0x0, v2  }
0xd2: {  	vm12 =	veq.s32 v1, $0xD;
	v46 =	vnsel vm11, $0x0, v2;
	vm13 =	veq.s32 v1, $0xE  }
0xd3: {  	vm14 =	veq.s32 v1, $0xF;
	v47 =	vnsel vm15, $0x0, v2;
	v48 =	vnsel vm4, $0x0, v2  }
0xd4: {  	vm6 =	veq.s32 v1, $0x10;
	v49 =	vnsel vm5, $0x0, v2;
	vm7 =	veq.s32 v1, $0x11  }
0xd5: {  	vm9 =	veq.s32 v3, $0x12;
	vm10 =	veq.s32 v3, $0x13;
	vm11 =	veq.s32 v3, $0x14  }
0xd6: {  	[tilespmem:$0x2000] =	vst v4;
	vm15 =	veq.s32 v3, $0x15;
	vm4 =	veq.s32 v3, $0x16;
	vm5 =	veq.s32 v3, $0x17  }
0xd7: {  	[tilespmem:$0x2080] =	vst v5;
	v16 =	vsel vm8, v0, v44;
	v17 =	vsel vm12, v0, v45;
	v18 =	vsel vm13, v0, v46  }
0xd8: {  	[tilespmem:$0x2100] =	vst v6;
	v50 =	vsel vm14, v0, v47;
	v51 =	vsel vm6, v0, v48;
	v52 =	vsel vm7, v0, v49  }
0xd9: {  	[tilespmem:$0x2180] =	vst v7;
	vm8 =	veq.s32 v1, $0x12;
	v53 =	vnsel vm9, $0x0, v2;
	v54 =	vnsel vm10, $0x0, v2  }
0xda: {  	[tilespmem:$0x2200] =	vst v8;
	vm12 =	veq.s32 v1, $0x13;
	v55 =	vnsel vm11, $0x0, v2;
	vm13 =	veq.s32 v1, $0x14  }
0xdb: {  	[tilespmem:$0x2280] =	vst v9;
	vm14 =	veq.s32 v1, $0x15;
	v56 =	vnsel vm15, $0x0, v2;
	v57 =	vnsel vm4, $0x0, v2  }
0xdc: {  	[tilespmem:$0x2300] =	vst v10;
	vm6 =	veq.s32 v1, $0x16;
	v58 =	vnsel vm5, $0x0, v2;
	vm7 =	veq.s32 v1, $0x17  }
0xdd: {  	[tilespmem:$0x2380] =	vst v11;
	vm9 =	veq.s32 v3, $0x18;
	vm10 =	veq.s32 v3, $0x19;
	vm11 =	veq.s32 v3, $0x1A  }
0xde: {  	[tilespmem:$0x2400] =	vst v12;
	vm15 =	veq.s32 v3, $0x1B;
	vm4 =	veq.s32 v3, $0x1C;
	vm5 =	veq.s32 v3, $0x1D  }
0xdf: {  	[tilespmem:$0x2480] =	vst v13;
	v5 =	vsel vm8, v0, v53;
	v6 =	vsel vm12, v0, v54;
	v7 =	vsel vm13, v0, v55  }
0xe0: {  	[tilespmem:$0x2500] =	vst v14;
	v8 =	vsel vm14, v0, v56;
	v9 =	vsel vm6, v0, v57;
	v10 =	vsel vm7, v0, v58  }
0xe1: {  	[tilespmem:$0x2580] =	vst v15;
	vm8 =	veq.s32 v1, $0x18;
	v59 =	vnsel vm9, $0x0, v2;
	v60 =	vnsel vm10, $0x0, v2  }
0xe2: {  	vm12 =	veq.s32 v1, $0x19;
	v61 =	vnsel vm11, $0x0, v2;
	vm13 =	veq.s32 v1, $0x1A;
	[tilespmem:$0x2600] =	vst v16  }
0xe3: {  	[tilespmem:$0x2680] =	vst v17;
	vm14 =	veq.s32 v1, $0x1B;
	v62 =	vnsel vm15, $0x0, v2;
	v63 =	vnsel vm4, $0x0, v2  }
0xe4: {  	[tilespmem:$0x2700] =	vst v18;
	vm6 =	veq.s32 v1, $0x1C;
	v18 =	vnsel vm5, $0x0, v2;
	vm7 =	veq.s32 v1, $0x1D  }
0xe5: {  	[tilespmem:$0x2780] =	vst v50;
	vm9 =	veq.s32 v3, $0x1E;
	vm10 =	veq.s32 v3, $0x1F;
	vm11 =	veq.s32 v3, $0x20  }
0xe6: {  	[tilespmem:$0x2800] =	vst v51;
	vm15 =	veq.s32 v3, $0x21;
	vm4 =	veq.s32 v3, $0x22;
	vm5 =	veq.s32 v3, $0x23  }
0xe7: {  	[tilespmem:$0x2880] =	vst v52;
	v11 =	vsel vm8, v0, v59;
	v12 =	vsel vm12, v0, v60;
	v13 =	vsel vm13, v0, v61  }
0xe8: {  	v14 =	vsel vm14, v0, v62;
	v15 =	vsel vm6, v0, v63;
	v4 =	vsel vm7, v0, v18;
	[tilespmem:$0x2900] =	vst v5  }
0xe9: {  	vm8 =	veq.s32 v1, $0x1E;
	v20 =	vnsel vm9, $0x0, v2;
	v21 =	vnsel vm10, $0x0, v2;
	[tilespmem:$0x2980] =	vst v6  }
0xea: {  	vm12 =	veq.s32 v1, $0x1F;
	v22 =	vnsel vm11, $0x0, v2;
	vm13 =	veq.s32 v1, $0x20;
	[tilespmem:$0x2A00] =	vst v7  }
0xeb: {  	[tilespmem:$0x2A80] =	vst v8;
	vm14 =	veq.s32 v1, $0x21;
	v24 =	vnsel vm15, $0x0, v2;
	v25 =	vnsel vm4, $0x0, v2  }
0xec: {  	[tilespmem:$0x2B00] =	vst v9;
	vm6 =	veq.s32 v1, $0x22;
	v26 =	vnsel vm5, $0x0, v2;
	vm7 =	veq.s32 v1, $0x23  }
0xed: {  	[tilespmem:$0x2B80] =	vst v10;
	vm9 =	veq.s32 v3, $0x24;
	vm10 =	veq.s32 v3, $0x25;
	vm11 =	veq.s32 v3, $0x26  }
0xee: {  	vm15 =	veq.s32 v3, $0x27;
	vm4 =	veq.s32 v3, $0x28;
	vm5 =	veq.s32 v3, $0x29;
	[tilespmem:$0x2C00] =	vst v11  }
0xef: {  	v5 =	vsel vm8, v0, v20;
	v23 =	vsel vm12, v0, v21;
	v6 =	vsel vm13, v0, v22;
	[tilespmem:$0x2C80] =	vst v12  }
0xf0: {  	v8 =	vsel vm14, v0, v24;
	v9 =	vsel vm6, v0, v25;
	v10 =	vsel vm7, v0, v26;
	[tilespmem:$0x2D00] =	vst v13  }
0xf1: {  	vm8 =	veq.s32 v1, $0x24;
	v27 =	vnsel vm9, $0x0, v2;
	v28 =	vnsel vm10, $0x0, v2;
	[tilespmem:$0x2D80] =	vst v14  }
0xf2: {  	vm12 =	veq.s32 v1, $0x25;
	v29 =	vnsel vm11, $0x0, v2;
	vm13 =	veq.s32 v1, $0x26;
	[tilespmem:$0x2E00] =	vst v15  }
0xf3: {  	[tilespmem:$0x2E80] =	vst v4;
	vm14 =	veq.s32 v1, $0x27;
	v30 =	vnsel vm15, $0x0, v2;
	v31 =	vnsel vm4, $0x0, v2  }
0xf4: {  	vm6 =	veq.s32 v1, $0x28;
	v32 =	vnsel vm5, $0x0, v2;
	vm7 =	veq.s32 v1, $0x29;
	[tilespmem:$0x2F00] =	vst v5  }
0xf5: {  	vm9 =	veq.s32 v3, $0x2A;
	vm10 =	veq.s32 v3, $0x2B;
	vm11 =	veq.s32 v3, $0x2C;
	[tilespmem:$0x2F80] =	vst v23  }
0xf6: {  	vm15 =	veq.s32 v3, $0x2D;
	vm4 =	veq.s32 v3, $0x2E;
	vm5 =	veq.s32 v3, $0x2F;
	[tilespmem:$0x3000] =	vst v6  }
0xf7: {  	v11 =	vsel vm8, v0, v27;
	v12 =	vsel vm12, v0, v28;
	v13 =	vsel vm13, v0, v29;
	[tilespmem:$0x3080] =	vst v8  }
0xf8: {  	v4 =	vsel vm14, v0, v30;
	v5 =	vsel vm6, v0, v31;
	v33 =	vsel vm7, v0, v32;
	[tilespmem:$0x3100] =	vst v9  }
0xf9: {  	vm8 =	veq.s32 v1, $0x2A;
	v34 =	vnsel vm9, $0x0, v2;
	v35 =	vnsel vm10, $0x0, v2;
	[tilespmem:$0x3180] =	vst v10  }
0xfa: {  	vm12 =	veq.s32 v1, $0x2B;
	v36 =	vnsel vm11, $0x0, v2;
	vm13 =	veq.s32 v1, $0x2C;
	[tilespmem:$0x3200] =	vst v11  }
0xfb: {  	vm14 =	veq.s32 v1, $0x2D;
	v37 =	vnsel vm15, $0x0, v2;
	v38 =	vnsel vm4, $0x0, v2;
	[tilespmem:$0x3280] =	vst v12  }
0xfc: {  	vm6 =	veq.s32 v1, $0x2E;
	v39 =	vnsel vm5, $0x0, v2;
	vm7 =	veq.s32 v1, $0x2F;
	[tilespmem:$0x3300] =	vst v13  }
0xfd: {  	vm9 =	veq.s32 v3, $0x30;
	vm10 =	veq.s32 v3, $0x31;
	vm11 =	veq.s32 v3, $0x32;
	[tilespmem:$0x3380] =	vst v4  }
0xfe: {  	vm15 =	veq.s32 v3, $0x33;
	vm4 =	veq.s32 v3, $0x34;
	vm5 =	veq.s32 v3, $0x35;
	[tilespmem:$0x3400] =	vst v5  }
0xff: {  	v7 =	vsel vm8, v0, v34;
	v8 =	vsel vm12, v0, v35;
	v9 =	vsel vm13, v0, v36;
	[tilespmem:$0x3480] =	vst v33  }
0x100: {  	v40 =	vsel vm14, v0, v37;
	v41 =	vsel vm6, v0, v38;
	v4 =	vsel vm7, v0, v39;
	[tilespmem:$0x3500] =	vst v7  }
0x101: {  	vm8 =	veq.s32 v1, $0x30;
	v42 =	vnsel vm9, $0x0, v2;
	v43 =	vnsel vm10, $0x0, v2;
	[tilespmem:$0x3580] =	vst v8  }
0x102: {  	vm12 =	veq.s32 v1, $0x31;
	v44 =	vnsel vm11, $0x0, v2;
	vm13 =	veq.s32 v1, $0x32;
	[tilespmem:$0x3600] =	vst v9  }
0x103: {  	vm14 =	veq.s32 v1, $0x33;
	v45 =	vnsel vm15, $0x0, v2;
	v46 =	vnsel vm4, $0x0, v2;
	[tilespmem:$0x3680] =	vst v40  }
0x104: {  	vm6 =	veq.s32 v1, $0x34;
	v47 =	vnsel vm5, $0x0, v2;
	vm7 =	veq.s32 v1, $0x35;
	[tilespmem:$0x3700] =	vst v41  }
0x105: {  	vm9 =	veq.s32 v3, $0x36;
	vm10 =	veq.s32 v3, $0x37;
	v6 =	vsel vm8, v0, v42;
	[tilespmem:$0x3780] =	vst v4  }
0x106: {  	vm11 =	veq.s32 v3, $0x38;
	vm15 =	veq.s32 v3, $0x39;
	v7 =	vsel vm12, v0, v43;
	[tilespmem:$0x3800] =	vst v6  }
0x107: {  	vm4 =	veq.s32 v3, $0x3A;
	vm5 =	veq.s32 v3, $0x3B;
	v8 =	vsel vm13, v0, v44;
	[tilespmem:$0x3880] =	vst v7  }
0x108: {  	v5 =	vsel vm14, v0, v45;
	v48 =	vsel vm6, v0, v46;
	v4 =	vsel vm7, v0, v47;
	[tilespmem:$0x3900] =	vst v8  }
0x109: {  	vm8 =	veq.s32 v1, $0x36;
	v49 =	vnsel vm9, $0x0, v2;
	v50 =	vnsel vm10, $0x0, v2;
	[tilespmem:$0x3980] =	vst v5  }
0x10a: {  	vm12 =	veq.s32 v1, $0x37;
	v51 =	vnsel vm11, $0x0, v2;
	vm13 =	veq.s32 v1, $0x38;
	[tilespmem:$0x3A00] =	vst v48  }
0x10b: {  	vm14 =	veq.s32 v1, $0x39;
	v54 =	vnsel vm15, $0x0, v2;
	v52 =	vsel vm8, v0, v49;
	[tilespmem:$0x3A80] =	vst v4  }
0x10c: {  	v55 =	vnsel vm4, $0x0, v2;
	vm6 =	veq.s32 v1, $0x3A;
	v53 =	vsel vm12, v0, v50;
	[tilespmem:$0x3B00] =	vst v52  }
0x10d: {  	v56 =	vnsel vm5, $0x0, v2;
	vm7 =	veq.s32 v1, $0x3B;
	v5 =	vsel vm13, v0, v51;
	[tilespmem:$0x3B80] =	vst v53  }
0x10e: {  	vm9 =	veq.s32 v3, $0x3C;
	vm10 =	veq.s32 v3, $0x3D;
	v4 =	vsel vm14, v0, v54;
	[tilespmem:$0x3C00] =	vst v5  }
0x10f: {  	vm11 =	veq.s32 v1, $0x3D;
	v57 =	vsel vm6, v0, v55;
	v58 =	vsel vm7, v0, v56;
	[tilespmem:$0x3C80] =	vst v4  }
0x110: {  	vm8 =	veq.s32 v1, $0x3C;
	v59 =	vnsel vm9, $0x0, v2;
	v60 =	vnsel vm10, $0x0, v2;
	[tilespmem:$0x3D00] =	vst v57  }
0x111: {  	vm12 =	veq.s32 v3, $0x3E;
	vm13 =	veq.s32 v1, $0x3E;
	[tilespmem:$0x3D80] =	vst v58;
	v4 =	vsel vm8, v0, v59  }
0x112: {  	vm14 =	veq.s32 v3, $0x3F;
	v5 =	vsel vm11, v0, v60;
	v61 =	vnsel vm12, $0x0, v2;
	[tilespmem:$0x3E00] =	vst v4  }
0x113: {  	vm15 =	veq.s32 v1, $0x3F;
	v63 =	vnsel vm14, $0x0, v2;
	[tilespmem:$0x3E80] =	vst v5;
	v62 =	vsel vm13, v0, v61  }
0x114: {  	s30 =	sshll.u32 s1, $0xA;
	v0 =	vsel vm15, v0, v63;
	[tilespmem:$0x3F00] =	vst v62  }
0x115: {  	s31 =	simm.s32 $0x2000;
	s3 =	sadd.s32 s3, s30;
	[tilespmem:$0x3F80] =	vst v0  }
0x116: {  	[hbm4b:s3+s2] =	stream.linear.scatter [tilespmem:s31], [sflag:$0x1], $0x2000, $0x38;
	[tilespmem:$0x4000] =	vst v63  }
0x117: {  	_ =	swait.ge [sflag:s29], $0x2000  }
0x118: {  	[sflag:s29] =	ssyncset.done $0x0  }
0x119: {  	[sflag:s29] =	ssyncadd.s32 $0xFFFFE000  }
.LBB2_2:
0x11a: {  	_ =	sfence.sel $0x180000  }
0x11b: {  	[bflag:$0x0] =	sbarrier.arrive $0xFFFF  }
0x11c: {  	p0 =	sne.s32 s1, $0x0;
	_ =	strace $0x90000047  }
0x11d: {  	s0 =	sadd.s32 @!p0 $0x100000, s0;
	[bflag:$0x2] =	sbarrier.arrive $0xFFFF  }
0x11e: {  	[sflag:s0] =	ssyncadd.tile.s32 @!p0 $0x1;
	_ =	shalt  }
.Lfunc_end2:
_tile_overlayer_lowered:
.L_overlay_start_2:
0x11f: {  	(tag) =	ssettag $0x2  }
0x120: {  	s0 =	rddreg [dreg:$0x0];
	s2 =	stileid.u32  }
0x121: {  	s1 =	rddreg [dreg:$0x1];
	p0 =	sne.s32 s2, $0x0  }
0x122: {  	s3 =	rddreg [dreg:$0x2];
	[bflag:$0x3] =	sbarrier.arrive $0xFFFF;
	s2 =	simm.s32 @!p0 $0x1C01  }
0x123: {  	[timem:s3], [sflag:s2] =	dma.local @!p0 [hbm:s0], s1  }
0x124: {  	s0 =	simm.s32 @!p0 $0x1  }
0x125: {  	_ =	swait.ge @!p0 [sflag:s0], s1  }
0x126: {  	s1 =	ssub.s32 @!p0 $0x0, s1;
	[sflag:s0] =	ssyncset.done @!p0 $0x0  }
0x127: {  	[sflag:s0] =	ssyncadd.s32 @!p0 s1  }
0x128: {  	[bflag:$0x3] =	sbarrier.arrive $0xFFFF  }
0x129: {  	_ =	shalt  }

</sc_bundles>
